<compile_context>
chip_gen: v7x
topology: tpu7x:2x2x1
jax: 0.10.2.dev20260603
libtpu: 0.0.44.dev20260713+nightly
codegen_flags: <defaults>
</compile_context>

<pallas_src>
import functools

import jax
import jax.numpy as jnp
from jax import lax
from jax.experimental import pallas as pl
from jax.experimental.pallas import tpu as pltpu
from jax.experimental.pallas import tpu_sc as plsc

_N = 10000
_D = 128
_E = 320000
_K = 50
_NE = 65536

_NC, _NS = 2, 16
_NW = _NC * _NS
_EPW = _E // _NW
_CHUNK = 128
_ECH = 56
_NCHUNK = 180
_EPAD = _NCHUNK * _ECH
_NAGG = 10016
_NDEG = 10112
_R = 2000
_NBLK = _N // _R
_NEPW = _NE // _NW

@functools.cache
def _mesh():
    return plsc.VectorSubcoreMesh(
        core_axis_name="c", subcore_axis_name="s",
        num_cores=_NC, num_subcores=_NS)



def _sc_deg_body(dst_hbm, out_hbm, idx_v, deg_v):
    c = lax.axis_index("c")
    s = lax.axis_index("s")
    wid = c * _NS + s
    pltpu.sync_copy(dst_hbm.at[wid], idx_v)

    def zero(i, carry):
        deg_v[pl.ds(i * 16, 16)] = jnp.zeros((16,), jnp.float32)
        return carry

    lax.fori_loop(0, _NDEG // 16, zero, 0)
    ones = jnp.ones((16,), jnp.float32)

    def acc(i, carry):
        plsc.addupdate_scatter(deg_v, [idx_v[i, :]], ones)
        return carry

    lax.fori_loop(0, _EPAD // 16, acc, 0)
    pltpu.sync_copy(deg_v, out_hbm.at[wid])


@functools.cache
def _sc_deg():
    return pl.kernel(
        _sc_deg_body,
        out_type=jax.ShapeDtypeStruct((_NW, _NDEG), jnp.float32),
        mesh=_mesh(),
        compiler_params=pltpu.CompilerParams(use_tc_tiling_on_sc=False, needs_layout_passes=False),
        scratch_types=[
            pltpu.VMEM((_EPAD // 16, 16), jnp.int32),
            pltpu.VMEM((_NDEG,), jnp.float32),
        ],
    )


def _sc_agg_body(hn_hbm, src_hbm, dst_hbm, zeros_hbm, out_hbm,
                 srci_v, dsti_v, r0, r1, r2, r3, agg_sh, s0, s1, s2, s3):
    c = lax.axis_index("c")
    s = lax.axis_index("s")
    wid = c * _NS + s
    rpt = _NAGG // _NS

    @pl.when(jnp.logical_and(c == 0, s < _NS - 1))
    def _():
        pltpu.sync_copy(hn_hbm.at[pl.ds(s * rpt, rpt)],
                        agg_sh.at[pl.ds(s * rpt, rpt)])

    @pl.when(jnp.logical_and(c == 0, s == _NS - 1))
    def _():
        last = _N - (_NS - 1) * rpt
        pltpu.sync_copy(hn_hbm.at[pl.ds((_NS - 1) * rpt, last)],
                        agg_sh.at[pl.ds((_NS - 1) * rpt, last)])
        pltpu.sync_copy(zeros_hbm.at[pl.ds(0, _NAGG - _N)],
                        agg_sh.at[pl.ds(_N, _NAGG - _N)])

    @pl.when(c == 1)
    def _():
        pltpu.sync_copy(zeros_hbm, agg_sh.at[pl.ds(s * rpt, rpt)])
    pltpu.sync_copy(src_hbm.at[wid], srci_v)
    pltpu.sync_copy(dst_hbm.at[wid], dsti_v)
    plsc.subcore_barrier()

    bufs = (r0, r1, r2, r3)
    sems = (s0, s1, s2, s3)
    nbuf = 4
    for b in range(nbuf):
        pltpu.async_copy(hn_hbm.at[srci_v.at[b]], bufs[b], sems[b])

    def step(i, carry):
        for b in range(nbuf):
            j = nbuf * i + b
            pltpu.make_async_copy(
                hn_hbm.at[srci_v.at[j]], bufs[b], sems[b]).wait()
            pltpu.sync_copy(bufs[b], agg_sh.at[dsti_v.at[j]], add=True)

            @pl.when(j + nbuf < _NCHUNK)
            def _():
                pltpu.async_copy(
                    hn_hbm.at[srci_v.at[j + nbuf]], bufs[b], sems[b])
        return carry

    lax.fori_loop(0, _NCHUNK // nbuf, step, 0)
    plsc.subcore_barrier()
    opt = _N // _NS
    pltpu.sync_copy(agg_sh.at[pl.ds(s * opt, opt)],
                    out_hbm.at[c, pl.ds(s * opt, opt)])


@functools.cache
def _sc_agg():
    return pl.kernel(
        _sc_agg_body,
        out_type=jax.ShapeDtypeStruct((_NC, _N, _D), jnp.float32),
        mesh=_mesh(),
        compiler_params=pltpu.CompilerParams(use_tc_tiling_on_sc=False, needs_layout_passes=False),
        scratch_types=[
            pltpu.VMEM((_NCHUNK, _ECH), jnp.int32),
            pltpu.VMEM((_NCHUNK, _ECH), jnp.int32),
            pltpu.VMEM((_ECH, _D), jnp.float32),
            pltpu.VMEM((_ECH, _D), jnp.float32),
            pltpu.VMEM((_ECH, _D), jnp.float32),
            pltpu.VMEM((_ECH, _D), jnp.float32),
            pltpu.VMEM_SHARED((_NAGG, _D), jnp.float32),
            pltpu.SemaphoreType.DMA,
            pltpu.SemaphoreType.DMA,
            pltpu.SemaphoreType.DMA,
            pltpu.SemaphoreType.DMA,
        ],
    )


def _sc_pairs_body(x_hbm, e0_hbm, e1_hbm, g0_hbm, g1_hbm,
                   i0_v, i1_v, buf0, buf1, sem0, sem1):
    c = lax.axis_index("c")
    s = lax.axis_index("s")
    wid = c * _NS + s
    pltpu.sync_copy(e0_hbm.at[wid], i0_v)
    pltpu.sync_copy(e1_hbm.at[wid], i1_v)
    base = wid * _NEPW
    nchunk = _NEPW // _CHUNK
    pltpu.async_copy(x_hbm.at[i0_v.at[0]], buf0, sem0)

    def step(j, carry):
        pltpu.async_copy(x_hbm.at[i1_v.at[j]], buf1, sem1)
        pltpu.make_async_copy(x_hbm.at[i0_v.at[j]], buf0, sem0).wait()
        pltpu.sync_copy(buf0, g0_hbm.at[pl.ds(base + j * _CHUNK, _CHUNK)])

        @pl.when(j < nchunk - 1)
        def _():
            pltpu.async_copy(x_hbm.at[i0_v.at[j + 1]], buf0, sem0)

        pltpu.make_async_copy(x_hbm.at[i1_v.at[j]], buf1, sem1).wait()
        pltpu.sync_copy(buf1, g1_hbm.at[pl.ds(base + j * _CHUNK, _CHUNK)])
        return carry

    lax.fori_loop(0, nchunk, step, 0)


@functools.cache
def _sc_pairs():
    return pl.kernel(
        _sc_pairs_body,
        out_type=(
            jax.ShapeDtypeStruct((_NE, _D), jnp.float32),
            jax.ShapeDtypeStruct((_NE, _D), jnp.float32),
        ),
        mesh=_mesh(),
        compiler_params=pltpu.CompilerParams(use_tc_tiling_on_sc=False, needs_layout_passes=False),
        scratch_types=[
            pltpu.VMEM((_NEPW // _CHUNK, _CHUNK), jnp.int32),
            pltpu.VMEM((_NEPW // _CHUNK, _CHUNK), jnp.int32),
            pltpu.VMEM((_CHUNK, _D), jnp.float32),
            pltpu.VMEM((_CHUNK, _D), jnp.float32),
            pltpu.SemaphoreType.DMA,
            pltpu.SemaphoreType.DMA,
        ],
    )



def _bn_apply(y, sums, g, b):
    m = sums[0:1, :] / _N
    var = sums[1:2, :] / _N - m * m
    return (y - m) * lax.rsqrt(var + 1e-5) * g + b


def _attn_core(x, Wa, ba, ut_ref, s_ref, cs_ref, step):
    tmp = jax.nn.relu(jnp.dot(x, Wa, preferred_element_type=jnp.float32) + ba)
    U = tmp[:, 0:_K]
    V = tmp[:, _K:2 * _K]
    Z = tmp[:, 2 * _K:3 * _K]
    T = tmp[:, 3 * _K:4 * _K]
    ut_ref[...] = jnp.concatenate([U, T], axis=1)
    s_c = lax.dot_general(V, Z, (((0,), (0,)), ((), ())),
                          preferred_element_type=jnp.float32)
    cs_c = jnp.concatenate(
        [jnp.sum(U, axis=0)[None, :], jnp.sum(V, axis=0)[None, :]], axis=0)

    @pl.when(step == 0)
    def _():
        s_ref[...] = jnp.zeros_like(s_ref)
        cs_ref[...] = jnp.zeros_like(cs_ref)

    s_ref[...] += s_c
    cs_ref[...] += cs_c


def _conv0_body(x_ref, degpT_ref, Wc_ref, hn_ref, dinv_ref):
    d = jnp.sum(degpT_ref[...], axis=1) + 1.0
    dinv_c = lax.rsqrt(d)[:, None]
    dinv_ref[...] = dinv_c
    h = jnp.dot(x_ref[...], Wc_ref[...], preferred_element_type=jnp.float32)
    hn_ref[...] = h * dinv_c


def _attn0_body(x_ref, Wa_ref, ba_ref, ut_ref, s_ref, cs_ref):
    _attn_core(x_ref[...], Wa_ref[...], ba_ref[...],
               ut_ref, s_ref, cs_ref, pl.program_id(0))


def _conv1_body(y_ref, bnstats_ref, bng_ref, bnb_ref, dinv_ref, Wc_ref,
                hn_ref):
    x = _bn_apply(y_ref[...], bnstats_ref[...], bng_ref[...], bnb_ref[...])
    h = jnp.dot(x, Wc_ref[...], preferred_element_type=jnp.float32)
    hn_ref[...] = h * dinv_ref[...]


def _attn1_body(y_ref, bnstats_ref, bng_ref, bnb_ref, Wa_ref, ba_ref,
                ut_ref, s_ref, cs_ref):
    x = _bn_apply(y_ref[...], bnstats_ref[...], bng_ref[...], bnb_ref[...])
    _attn_core(x, Wa_ref[...], ba_ref[...],
               ut_ref, s_ref, cs_ref, pl.program_id(0))


_attn_out_specs = [
    pl.BlockSpec((_R, 2 * _K), lambda i: (i, 0)),
    pl.BlockSpec((_K, _K), lambda i: (0, 0)),
    pl.BlockSpec((2, _K), lambda i: (0, 0)),
]
_attn_out_shape = [
    jax.ShapeDtypeStruct((_N, 2 * _K), jnp.float32),
    jax.ShapeDtypeStruct((_K, _K), jnp.float32),
    jax.ShapeDtypeStruct((2, _K), jnp.float32),
]


def _tc_conv0(x, degpT, Wc):
    return pl.pallas_call(
        _conv0_body,
        grid=(_NBLK,),
        in_specs=[
            pl.BlockSpec((_R, _D), lambda i: (i, 0)),
            pl.BlockSpec((_R, _NW), lambda i: (i, 0)),
            pl.BlockSpec((_D, _D), lambda i: (0, 0)),
        ],
        out_specs=[
            pl.BlockSpec((_R, _D), lambda i: (i, 0)),
            pl.BlockSpec((_R, 1), lambda i: (i, 0)),
        ],
        out_shape=[
            jax.ShapeDtypeStruct((_N, _D), jnp.float32),
            jax.ShapeDtypeStruct((_N, 1), jnp.float32),
        ],
    )(x, degpT, Wc)


def _tc_attn0(x, Wa, ba):
    return pl.pallas_call(
        _attn0_body,
        grid=(_NBLK,),
        in_specs=[
            pl.BlockSpec((_R, _D), lambda i: (i, 0)),
            pl.BlockSpec((_D, 4 * _K), lambda i: (0, 0)),
            pl.BlockSpec((1, 4 * _K), lambda i: (0, 0)),
        ],
        out_specs=_attn_out_specs,
        out_shape=_attn_out_shape,
    )(x, Wa, ba)


def _tc_conv1(y, bnstats, bng, bnb, dinv, Wc):
    return pl.pallas_call(
        _conv1_body,
        grid=(_NBLK,),
        in_specs=[
            pl.BlockSpec((_R, _D), lambda i: (i, 0)),
            pl.BlockSpec((2, _D), lambda i: (0, 0)),
            pl.BlockSpec((1, _D), lambda i: (0, 0)),
            pl.BlockSpec((1, _D), lambda i: (0, 0)),
            pl.BlockSpec((_R, 1), lambda i: (i, 0)),
            pl.BlockSpec((_D, _D), lambda i: (0, 0)),
        ],
        out_specs=pl.BlockSpec((_R, _D), lambda i: (i, 0)),
        out_shape=jax.ShapeDtypeStruct((_N, _D), jnp.float32),
    )(y, bnstats, bng, bnb, dinv, Wc)


def _tc_attn1(y, bnstats, bng, bnb, Wa, ba):
    return pl.pallas_call(
        _attn1_body,
        grid=(_NBLK,),
        in_specs=[
            pl.BlockSpec((_R, _D), lambda i: (i, 0)),
            pl.BlockSpec((2, _D), lambda i: (0, 0)),
            pl.BlockSpec((1, _D), lambda i: (0, 0)),
            pl.BlockSpec((1, _D), lambda i: (0, 0)),
            pl.BlockSpec((_D, 4 * _K), lambda i: (0, 0)),
            pl.BlockSpec((1, 4 * _K), lambda i: (0, 0)),
        ],
        out_specs=_attn_out_specs,
        out_shape=_attn_out_shape,
    )(y, bnstats, bng, bnb, Wa, ba)


def _combine_core(ut, s, cs, aggp, dinv_c, bc, Wd, bd):
    norm = jnp.sum(cs[0, :] * cs[1, :]) / _N + 1e-6
    xl = jax.nn.relu(dinv_c * (aggp[0] + aggp[1]) + bc)
    U = ut[:, 0:_K]
    T = ut[:, _K:2 * _K]
    sw = jnp.dot(s, Wd[0:_K, :], preferred_element_type=jnp.float32)
    y = (jnp.dot(U, sw, preferred_element_type=jnp.float32) / norm
         + jnp.dot(T, Wd[_K:2 * _K, :], preferred_element_type=jnp.float32)
         + jnp.dot(xl, Wd[2 * _K:2 * _K + _D, :],
                   preferred_element_type=jnp.float32)
         + bd)
    return y


def _comb0_body(ut_ref, s_ref, cs_ref, aggp_ref, dinv_ref,
                bc_ref, Wd_ref, bd_ref, y_ref, bn_ref):
    y = jax.nn.relu(_combine_core(
        ut_ref[...], s_ref[...], cs_ref[...], aggp_ref[...],
        dinv_ref[...], bc_ref[...], Wd_ref[...], bd_ref[...]))
    y_ref[...] = y
    stats = jnp.concatenate(
        [jnp.sum(y, axis=0)[None, :], jnp.sum(y * y, axis=0)[None, :]], axis=0)

    @pl.when(pl.program_id(0) == 0)
    def _():
        bn_ref[...] = jnp.zeros_like(bn_ref)

    bn_ref[...] += stats


def _comb1_body(ut_ref, s_ref, cs_ref, aggp_ref, dinv_ref,
                bc_ref, Wd_ref, bd_ref, y_ref):
    y_ref[...] = _combine_core(
        ut_ref[...], s_ref[...], cs_ref[...], aggp_ref[...],
        dinv_ref[...], bc_ref[...], Wd_ref[...], bd_ref[...])


_comb_in_specs = [
    pl.BlockSpec((_R, 2 * _K), lambda i: (i, 0)),
    pl.BlockSpec((_K, _K), lambda i: (0, 0)),
    pl.BlockSpec((2, _K), lambda i: (0, 0)),
    pl.BlockSpec((_NC, _R, _D), lambda i: (0, i, 0)),
    pl.BlockSpec((_R, 1), lambda i: (i, 0)),
    pl.BlockSpec((1, _D), lambda i: (0, 0)),
    pl.BlockSpec((2 * _K + _D, _D), lambda i: (0, 0)),
    pl.BlockSpec((1, _D), lambda i: (0, 0)),
]


def _tc_comb0(ut, s, cs, aggp, dinv, bc, Wd, bd):
    return pl.pallas_call(
        _comb0_body,
        grid=(_NBLK,),
        in_specs=_comb_in_specs,
        out_specs=[
            pl.BlockSpec((_R, _D), lambda i: (i, 0)),
            pl.BlockSpec((2, _D), lambda i: (0, 0)),
        ],
        out_shape=[
            jax.ShapeDtypeStruct((_N, _D), jnp.float32),
            jax.ShapeDtypeStruct((2, _D), jnp.float32),
        ],
    )(ut, s, cs, aggp, dinv, bc, Wd, bd)


def _tc_comb1(ut, s, cs, aggp, dinv, bc, Wd, bd):
    return pl.pallas_call(
        _comb1_body,
        grid=(_NBLK,),
        in_specs=_comb_in_specs,
        out_specs=pl.BlockSpec((_R, _D), lambda i: (i, 0)),
        out_shape=jax.ShapeDtypeStruct((_N, _D), jnp.float32),
    )(ut, s, cs, aggp, dinv, bc, Wd, bd)


def _pred_body(g0_ref, g1_ref, W0_ref, b0_ref, W1_ref, b1_ref, out_ref):
    m = g0_ref[...] * g1_ref[...]
    h = jax.nn.relu(jnp.dot(m, W0_ref[...], preferred_element_type=jnp.float32)
                    + b0_ref[...])
    o = jnp.dot(h, W1_ref[...], preferred_element_type=jnp.float32) + b1_ref[...]
    out_ref[...] = jax.nn.sigmoid(o)


_BP = 4096


def _tc_pred(g0, g1, W0, b0, W1, b1):
    return pl.pallas_call(
        _pred_body,
        grid=(_NE // _BP,),
        in_specs=[
            pl.BlockSpec((_BP, _D), lambda i: (i, 0)),
            pl.BlockSpec((_BP, _D), lambda i: (i, 0)),
            pl.BlockSpec((_D, _D), lambda i: (0, 0)),
            pl.BlockSpec((1, _D), lambda i: (0, 0)),
            pl.BlockSpec((_D, 1), lambda i: (0, 0)),
            pl.BlockSpec((1, 1), lambda i: (0, 0)),
        ],
        out_specs=pl.BlockSpec((_BP, 1), lambda i: (i, 0)),
        out_shape=jax.ShapeDtypeStruct((_NE, 1), jnp.float32),
    )(g0, g1, W0, b0, W1, b1)



def kernel(adj_t, edges, emb, conv_W0, conv_b0, attn_W0, attn_b0, dr_W0,
           dr_b0, bn_g0, bn_b0, conv_W1, conv_b1, attn_W1, attn_b1, dr_W1,
           dr_b1, pred_W0, pred_b0, pred_W1, pred_b1):
    pad = _EPAD - _EPW
    srcp = jnp.concatenate(
        [adj_t[0].reshape(_NW, _EPW),
         jnp.zeros((_NW, pad), jnp.int32)], axis=1)
    dstp = jnp.concatenate(
        [adj_t[1].reshape(_NW, _EPW),
         jnp.full((_NW, pad), _N, jnp.int32)], axis=1)
    srcI = srcp.reshape(_NW, _NCHUNK, _ECH)
    dstI = dstp.reshape(_NW, _NCHUNK, _ECH)
    dst16 = dstp.reshape(_NW, _EPAD // 16, 16)
    e0I = edges[0].reshape(_NW, _NEPW // _CHUNK, _CHUNK)
    e1I = edges[1].reshape(_NW, _NEPW // _CHUNK, _CHUNK)
    zerosA = jnp.zeros((_NAGG // _NS, _D), jnp.float32)

    bc0 = conv_b0.reshape(1, _D)
    bc1 = conv_b1.reshape(1, _D)
    ba0 = attn_b0.reshape(1, 4 * _K)
    ba1 = attn_b1.reshape(1, 4 * _K)
    bd0 = dr_b0.reshape(1, _D)
    bd1 = dr_b1.reshape(1, _D)
    bng = bn_g0.reshape(1, _D)
    bnb = bn_b0.reshape(1, _D)
    bp0 = pred_b0.reshape(1, _D)
    bp1 = pred_b1.reshape(1, 1)

    degp = _sc_deg()(dst16)

    hn0, dinv = _tc_conv0(emb, degp.T, conv_W0)
    aggp0 = _sc_agg()(hn0, srcI, dstI, zerosA)
    ut0, s0, cs0 = _tc_attn0(emb, attn_W0, ba0)
    y0, bnstats = _tc_comb0(ut0, s0, cs0, aggp0, dinv, bc0, dr_W0, bd0)

    hn1 = _tc_conv1(y0, bnstats, bng, bnb, dinv, conv_W1)
    aggp1 = _sc_agg()(hn1, srcI, dstI, zerosA)
    ut1, s1, cs1 = _tc_attn1(y0, bnstats, bng, bnb, attn_W1, ba1)
    xf = _tc_comb1(ut1, s1, cs1, aggp1, dinv, bc1, dr_W1, bd1)

    g0, g1 = _sc_pairs()(xf, e0I, e1I)
    return _tc_pred(g0, g1, pred_W0, bp0, pred_W1, bp1)

# --- scband reference (transcript-rebuilt; emitter-appended) ---
"""Pipeline reference for scband-gcn-lrga-60550448939058 (READ-ONLY COPY).

The authoritative reference and input builder live on the scoring server;
editing this copy changes nothing except your own understanding.
"""

import jax, jax.numpy as jnp
import numpy as np

N = 10000
E = 320000
D = 128
K = 50
NE = 65536

def _lin_init(key, fan_in, fan_out):
    kw, kb = jax.random.split(key)
    lim = 1.0 / np.sqrt(fan_in)
    W = jax.random.uniform(kw, (fan_in, fan_out), minval=-lim, maxval=lim, dtype=jnp.float32)
    b = jax.random.uniform(kb, (fan_out,), minval=-lim, maxval=lim, dtype=jnp.float32)
    return W, b

def setup_inputs(seed: int = 0):
    key = jax.random.key(seed)
    ks = jax.random.split(key, 12)
    inp = {}
    inp["adj_t"] = jax.random.randint(ks[0], (2, E), 0, N, dtype=jnp.int32)
    inp["edges"] = jax.random.randint(ks[1], (2, NE), 0, N, dtype=jnp.int32)
    inp["emb"] = jax.random.normal(ks[2], (N, D), dtype=jnp.float32)
    inp["conv_W0"], inp["conv_b0"] = _lin_init(ks[3], D, D)
    inp["attn_W0"], inp["attn_b0"] = _lin_init(ks[4], D, 4 * K)
    inp["dr_W0"], inp["dr_b0"] = _lin_init(ks[5], 2 * K + D, D)
    inp["bn_g0"] = jnp.ones((D,), dtype=jnp.float32)
    inp["bn_b0"] = jnp.zeros((D,), dtype=jnp.float32)
    inp["conv_W1"], inp["conv_b1"] = _lin_init(ks[6], D, D)
    inp["attn_W1"], inp["attn_b1"] = _lin_init(ks[7], D, 4 * K)
    inp["dr_W1"], inp["dr_b1"] = _lin_init(ks[8], 2 * K + D, D)
    inp["pred_W0"], inp["pred_b0"] = _lin_init(ks[9], D, D)
    inp["pred_W1"], inp["pred_b1"] = _lin_init(ks[10], D, 1)
    return inp

def _gcn(x, src, dst, W, b):
    # GCNConv with symmetric normalization and self-loops: D^-1/2 (A+I) D^-1/2 (x W) + b
    loop = jnp.arange(N, dtype=src.dtype)
    s = jnp.concatenate([src, loop])
    d = jnp.concatenate([dst, loop])
    deg = jnp.zeros((N,), x.dtype).at[d].add(1.0)
    dinv = jax.lax.rsqrt(deg)
    h = x @ W
    msg = h[s] * (dinv[s] * dinv[d])[:, None]
    return jax.ops.segment_sum(msg, d, num_segments=N) + b

def _lra(x, W, b):
    # LowRankAttention: tmp = relu(Linear(x)); split into U,V,Z,T; res = U (V^T Z) * D
    tmp = jax.nn.relu(x @ W + b)
    U = tmp[:, :K]
    V = tmp[:, K:2 * K]
    Z = tmp[:, 2 * K:3 * K]
    T = tmp[:, 3 * K:]
    ones = jnp.ones((x.shape[0], 1), x.dtype)
    norm = jnp.sum(U @ (V.T @ ones)) / x.shape[0] + 1e-6
    res = (U @ (V.T @ Z)) / norm
    return jnp.concatenate([res, T], axis=1)

def _bn(x, g, beta):
    m = jnp.mean(x, axis=0)
    v = jnp.var(x, axis=0)
    return (x - m) / jnp.sqrt(v + 1e-5) * g + beta

def reference(adj_t, edges, emb, conv_W0, conv_b0, attn_W0, attn_b0, dr_W0, dr_b0, bn_g0, bn_b0, conv_W1, conv_b1, attn_W1, attn_b1, dr_W1, dr_b1, pred_W0, pred_b0, pred_W1, pred_b1):
    src, dst = adj_t[0], adj_t[1]
    x = emb
    # layer 0
    x_local = jax.nn.relu(_gcn(x, src, dst, conv_W0, conv_b0))
    x_global = _lra(x, attn_W0, attn_b0)
    x = jax.nn.relu(jnp.concatenate([x_global, x_local], axis=1) @ dr_W0 + dr_b0)
    x = _bn(x, bn_g0, bn_b0)
    # last layer
    x_local = jax.nn.relu(_gcn(x, src, dst, conv_W1, conv_b1))
    x_global = _lra(x, attn_W1, attn_b1)
    x = jnp.concatenate([x_global, x_local], axis=1) @ dr_W1 + dr_b1
    # LinkPredictor
    h = x[edges[0]] * x[edges[1]]
    h = jax.nn.relu(h @ pred_W0 + pred_b0)
    out = jax.nn.sigmoid(h @ pred_W1 + pred_b1)
    return out

if __name__ == "__main__":
    import jax
    _d = setup_inputs()
    print(jax.jit(kernel)(*tuple(_d.values())))

</pallas_src>

<mosaic_0001>
#map = affine_map<(d0, d1) -> (0, 0)>
#map1 = affine_map<(d0, d1) -> (0, 0, 0)>
module attributes {stable_mosaic.version = 14 : i64} {
  func.func @_sc_agg_body(%arg0: i32, %arg1: i32, %arg2: memref<10000x128xf32, #tpu.memory_space<hbm>>, %arg3: memref<32x180x56xi32, #tpu.memory_space<hbm>>, %arg4: memref<32x180x56xi32, #tpu.memory_space<hbm>>, %arg5: memref<626x128xf32, #tpu.memory_space<hbm>>, %arg6: memref<2x10000x128xf32, #tpu.memory_space<hbm>>, %arg7: memref<180x56xi32, #tpu.memory_space<vmem>>, %arg8: memref<180x56xi32, #tpu.memory_space<vmem>>, %arg9: memref<56x128xf32, #tpu.memory_space<vmem>>, %arg10: memref<56x128xf32, #tpu.memory_space<vmem>>, %arg11: memref<56x128xf32, #tpu.memory_space<vmem>>, %arg12: memref<56x128xf32, #tpu.memory_space<vmem>>, %arg13: memref<10016x128xf32, #tpu.memory_space<vmem_shared>>, %arg14: memref<!tpu.dma_semaphore, #tpu.memory_space<semaphore_mem>>, %arg15: memref<!tpu.dma_semaphore, #tpu.memory_space<semaphore_mem>>, %arg16: memref<!tpu.dma_semaphore, #tpu.memory_space<semaphore_mem>>, %arg17: memref<!tpu.dma_semaphore, #tpu.memory_space<semaphore_mem>>) attributes {dimension_semantics = [#tpu.dimension_semantics<core_parallel>, #tpu.dimension_semantics<subcore_parallel>], iteration_bounds = array<i64: 2, 16>, scalar_prefetch = 0 : i64, scratch_operands = 11 : i64, tpu.core_type = #tpu.core_type<sc_vector_subcore>, window_params = [{transform_indices = #map}, {transform_indices = #map1}, {transform_indices = #map1}, {transform_indices = #map}, {transform_indices = #map1}]} {
    %mul3A = arith.constant 16 : i32
    %mul3A_0 = arith.muli %arg0, %mul3A : i32
    %add3A = arith.addi %mul3A_0, %arg1 : i32
    %eq3A = arith.constant 0 : i32
    %eq3A_1 = arith.cmpi eq, %arg0, %eq3A : i32
    %lt3A = arith.constant 15 : i32
    %lt3A_2 = arith.cmpi slt, %arg1, %lt3A : i32
    %and3A = arith.andi %eq3A_1, %lt3A_2 : i1
    %convert_element_type3A = arith.extui %and3A : i1 to i32
    %cond3A = arith.constant 0 : i32
    %cond3A_3 = arith.cmpi ne, %convert_element_type3A, %cond3A : i32
    scf.if %cond3A_3 {
      %mul3A_54 = arith.constant 626 : i32
      %mul3A_55 = arith.muli %arg1, %mul3A_54 : i32
      %mul3A_56 = arith.constant 626 : i32
      %mul3A_57 = arith.muli %arg1, %mul3A_56 : i32
      "tpu.region"() ({
        %run_scoped3A = tpu.sem_alloc : memref<!tpu.dma_semaphore, #tpu.memory_space<semaphore_mem>>
        %dma_start3A_58 = arith.constant 0 : i32
        %dma_start3A_59 = tpu.memref_slice %arg13[%mul3A_57, %dma_start3A_58] : memref<10016x128xf32, #tpu.memory_space<vmem_shared>> -> memref<626x128xf32, #tpu.memory_space<vmem_shared>>
        %dma_start3A_60 = arith.constant 0 : i32
        %dma_start3A_61 = tpu.memref_slice %arg2[%mul3A_55, %dma_start3A_60] : memref<10000x128xf32, #tpu.memory_space<hbm>> -> memref<626x128xf32, #tpu.memory_space<hbm>>
        tpu.enqueue_dma source(%dma_start3A_61 : memref<626x128xf32, #tpu.memory_space<hbm>>) target(%dma_start3A_59 : memref<626x128xf32, #tpu.memory_space<vmem_shared>>) target_semaphore(%run_scoped3A : memref<!tpu.dma_semaphore, #tpu.memory_space<semaphore_mem>>)
        %dma_wait3A = arith.constant 0 : i32
        %dma_wait3A_62 = tpu.memref_slice %arg13[%mul3A_57, %dma_wait3A] : memref<10016x128xf32, #tpu.memory_space<vmem_shared>> -> memref<626x128xf32, #tpu.memory_space<vmem_shared>>
        %dma_wait3A_63 = arith.constant 0 : i32
        %dma_wait3A_64 = tpu.memref_slice %arg2[%mul3A_55, %dma_wait3A_63] : memref<10000x128xf32, #tpu.memory_space<hbm>> -> memref<626x128xf32, #tpu.memory_space<hbm>>
        tpu.wait_dma2 semaphore(%run_scoped3A : memref<!tpu.dma_semaphore, #tpu.memory_space<semaphore_mem>>) src(%dma_wait3A_64 : memref<626x128xf32, #tpu.memory_space<hbm>>) dst(%dma_wait3A_62 : memref<626x128xf32, #tpu.memory_space<vmem_shared>>)
        tpu.yield
      }) : () -> ()
    } else {
    }
    %eq3A_4 = arith.constant 0 : i32
    %eq3A_5 = arith.cmpi eq, %arg0, %eq3A_4 : i32
    %eq3A_6 = arith.constant 15 : i32
    %eq3A_7 = arith.cmpi eq, %arg1, %eq3A_6 : i32
    %and3A_8 = arith.andi %eq3A_5, %eq3A_7 : i1
    %convert_element_type3A_9 = arith.extui %and3A_8 : i1 to i32
    %cond3A_10 = arith.constant 0 : i32
    %cond3A_11 = arith.cmpi ne, %convert_element_type3A_9, %cond3A_10 : i32
    scf.if %cond3A_11 {
      "tpu.region"() ({
        %run_scoped3A = tpu.sem_alloc : memref<!tpu.dma_semaphore, #tpu.memory_space<semaphore_mem>>
        %dma_start3A_54 = arith.constant 9390 : i32
        %dma_start3A_55 = arith.constant 0 : i32
        %dma_start3A_56 = tpu.memref_slice %arg13[%dma_start3A_54, %dma_start3A_55] : memref<10016x128xf32, #tpu.memory_space<vmem_shared>> -> memref<610x128xf32, #tpu.memory_space<vmem_shared>>
        %dma_start3A_57 = arith.constant 9390 : i32
        %dma_start3A_58 = arith.constant 0 : i32
        %dma_start3A_59 = tpu.memref_slice %arg2[%dma_start3A_57, %dma_start3A_58] : memref<10000x128xf32, #tpu.memory_space<hbm>> -> memref<610x128xf32, #tpu.memory_space<hbm>>
        tpu.enqueue_dma source(%dma_start3A_59 : memref<610x128xf32, #tpu.memory_space<hbm>>) target(%dma_start3A_56 : memref<610x128xf32, #tpu.memory_space<vmem_shared>>) target_semaphore(%run_scoped3A : memref<!tpu.dma_semaphore, #tpu.memory_space<semaphore_mem>>)
        %dma_wait3A = arith.constant 9390 : i32
        %dma_wait3A_60 = arith.constant 0 : i32
        %dma_wait3A_61 = tpu.memref_slice %arg13[%dma_wait3A, %dma_wait3A_60] : memref<10016x128xf32, #tpu.memory_space<vmem_shared>> -> memref<610x128xf32, #tpu.memory_space<vmem_shared>>
        %dma_wait3A_62 = arith.constant 9390 : i32
        %dma_wait3A_63 = arith.constant 0 : i32
        %dma_wait3A_64 = tpu.memref_slice %arg2[%dma_wait3A_62, %dma_wait3A_63] : memref<10000x128xf32, #tpu.memory_space<hbm>> -> memref<610x128xf32, #tpu.memory_space<hbm>>
        tpu.wait_dma2 semaphore(%run_scoped3A : memref<!tpu.dma_semaphore, #tpu.memory_space<semaphore_mem>>) src(%dma_wait3A_64 : memref<610x128xf32, #tpu.memory_space<hbm>>) dst(%dma_wait3A_61 : memref<610x128xf32, #tpu.memory_space<vmem_shared>>)
        tpu.yield
      }) : () -> ()
      "tpu.region"() ({
        %run_scoped3A = tpu.sem_alloc : memref<!tpu.dma_semaphore, #tpu.memory_space<semaphore_mem>>
        %dma_start3A_54 = arith.constant 10000 : i32
        %dma_start3A_55 = arith.constant 0 : i32
        %dma_start3A_56 = tpu.memref_slice %arg13[%dma_start3A_54, %dma_start3A_55] : memref<10016x128xf32, #tpu.memory_space<vmem_shared>> -> memref<16x128xf32, #tpu.memory_space<vmem_shared>>
        %dma_start3A_57 = arith.constant 0 : i32
        %dma_start3A_58 = arith.constant 0 : i32
        %dma_start3A_59 = tpu.memref_slice %arg5[%dma_start3A_57, %dma_start3A_58] : memref<626x128xf32, #tpu.memory_space<hbm>> -> memref<16x128xf32, #tpu.memory_space<hbm>>
        tpu.enqueue_dma source(%dma_start3A_59 : memref<16x128xf32, #tpu.memory_space<hbm>>) target(%dma_start3A_56 : memref<16x128xf32, #tpu.memory_space<vmem_shared>>) target_semaphore(%run_scoped3A : memref<!tpu.dma_semaphore, #tpu.memory_space<semaphore_mem>>)
        %dma_wait3A = arith.constant 10000 : i32
        %dma_wait3A_60 = arith.constant 0 : i32
        %dma_wait3A_61 = tpu.memref_slice %arg13[%dma_wait3A, %dma_wait3A_60] : memref<10016x128xf32, #tpu.memory_space<vmem_shared>> -> memref<16x128xf32, #tpu.memory_space<vmem_shared>>
        %dma_wait3A_62 = arith.constant 0 : i32
        %dma_wait3A_63 = arith.constant 0 : i32
        %dma_wait3A_64 = tpu.memref_slice %arg5[%dma_wait3A_62, %dma_wait3A_63] : memref<626x128xf32, #tpu.memory_space<hbm>> -> memref<16x128xf32, #tpu.memory_space<hbm>>
        tpu.wait_dma2 semaphore(%run_scoped3A : memref<!tpu.dma_semaphore, #tpu.memory_space<semaphore_mem>>) src(%dma_wait3A_64 : memref<16x128xf32, #tpu.memory_space<hbm>>) dst(%dma_wait3A_61 : memref<16x128xf32, #tpu.memory_space<vmem_shared>>)
        tpu.yield
      }) : () -> ()
    } else {
    }
    %eq3A_12 = arith.constant 1 : i32
    %eq3A_13 = arith.cmpi eq, %arg0, %eq3A_12 : i32
    %convert_element_type3A_14 = arith.extui %eq3A_13 : i1 to i32
    %cond3A_15 = arith.constant 0 : i32
    %cond3A_16 = arith.cmpi ne, %convert_element_type3A_14, %cond3A_15 : i32
    scf.if %cond3A_16 {
      %mul3A_54 = arith.constant 626 : i32
      %mul3A_55 = arith.muli %arg1, %mul3A_54 : i32
      "tpu.region"() ({
        %run_scoped3A = tpu.sem_alloc : memref<!tpu.dma_semaphore, #tpu.memory_space<semaphore_mem>>
        %dma_start3A_56 = arith.constant 0 : i32
        %dma_start3A_57 = tpu.memref_slice %arg13[%mul3A_55, %dma_start3A_56] : memref<10016x128xf32, #tpu.memory_space<vmem_shared>> -> memref<626x128xf32, #tpu.memory_space<vmem_shared>>
        tpu.enqueue_dma source(%arg5 : memref<626x128xf32, #tpu.memory_space<hbm>>) target(%dma_start3A_57 : memref<626x128xf32, #tpu.memory_space<vmem_shared>>) target_semaphore(%run_scoped3A : memref<!tpu.dma_semaphore, #tpu.memory_space<semaphore_mem>>)
        %dma_wait3A = arith.constant 0 : i32
        %dma_wait3A_58 = tpu.memref_slice %arg13[%mul3A_55, %dma_wait3A] : memref<10016x128xf32, #tpu.memory_space<vmem_shared>> -> memref<626x128xf32, #tpu.memory_space<vmem_shared>>
        tpu.wait_dma2 semaphore(%run_scoped3A : memref<!tpu.dma_semaphore, #tpu.memory_space<semaphore_mem>>) src(%arg5 : memref<626x128xf32, #tpu.memory_space<hbm>>) dst(%dma_wait3A_58 : memref<626x128xf32, #tpu.memory_space<vmem_shared>>)
        tpu.yield
      }) : () -> ()
    } else {
    }
    "tpu.region"() ({
      %run_scoped3A = tpu.sem_alloc : memref<!tpu.dma_semaphore, #tpu.memory_space<semaphore_mem>>
      %dma_start3A_54 = arith.constant 0 : i32
      %dma_start3A_55 = arith.constant 0 : i32
      %dma_start3A_56 = tpu.memref_slice %arg3[%add3A, %dma_start3A_54, %dma_start3A_55] : memref<32x180x56xi32, #tpu.memory_space<hbm>> -> memref<1x180x56xi32, #tpu.memory_space<hbm>>
      %dma_start3A_57 = tpu.memref_squeeze %dma_start3A_56 : memref<1x180x56xi32, #tpu.memory_space<hbm>> -> memref<180x56xi32, #tpu.memory_space<hbm>>
      %dma_start3A_58 = arith.constant 0 : i32
      %dma_start3A_59 = arith.constant 0 : i32
      %dma_start3A_60 = tpu.memref_slice %arg3[%add3A, %dma_start3A_58, %dma_start3A_59] : memref<32x180x56xi32, #tpu.memory_space<hbm>> -> memref<1x180x56xi32, #tpu.memory_space<hbm>>
      %dma_start3A_61 = tpu.memref_squeeze %dma_start3A_60 : memref<1x180x56xi32, #tpu.memory_space<hbm>> -> memref<180x56xi32, #tpu.memory_space<hbm>>
      tpu.enqueue_dma source(%dma_start3A_61 : memref<180x56xi32, #tpu.memory_space<hbm>>) target(%arg7 : memref<180x56xi32, #tpu.memory_space<vmem>>) target_semaphore(%run_scoped3A : memref<!tpu.dma_semaphore, #tpu.memory_space<semaphore_mem>>)
      %dma_wait3A = arith.constant 0 : i32
      %dma_wait3A_62 = arith.constant 0 : i32
      %dma_wait3A_63 = tpu.memref_slice %arg3[%add3A, %dma_wait3A, %dma_wait3A_62] : memref<32x180x56xi32, #tpu.memory_space<hbm>> -> memref<1x180x56xi32, #tpu.memory_space<hbm>>
      %dma_wait3A_64 = tpu.memref_squeeze %dma_wait3A_63 : memref<1x180x56xi32, #tpu.memory_space<hbm>> -> memref<180x56xi32, #tpu.memory_space<hbm>>
      %dma_wait3A_65 = arith.constant 0 : i32
      %dma_wait3A_66 = arith.constant 0 : i32
      %dma_wait3A_67 = tpu.memref_slice %arg3[%add3A, %dma_wait3A_65, %dma_wait3A_66] : memref<32x180x56xi32, #tpu.memory_space<hbm>> -> memref<1x180x56xi32, #tpu.memory_space<hbm>>
      %dma_wait3A_68 = tpu.memref_squeeze %dma_wait3A_67 : memref<1x180x56xi32, #tpu.memory_space<hbm>> -> memref<180x56xi32, #tpu.memory_space<hbm>>
      tpu.wait_dma2 semaphore(%run_scoped3A : memref<!tpu.dma_semaphore, #tpu.memory_space<semaphore_mem>>) src(%dma_wait3A_68 : memref<180x56xi32, #tpu.memory_space<hbm>>) dst(%arg7 : memref<180x56xi32, #tpu.memory_space<vmem>>)
      tpu.yield
    }) : () -> ()
    "tpu.region"() ({
      %run_scoped3A = tpu.sem_alloc : memref<!tpu.dma_semaphore, #tpu.memory_space<semaphore_mem>>
      %dma_start3A_54 = arith.constant 0 : i32
      %dma_start3A_55 = arith.constant 0 : i32
      %dma_start3A_56 = tpu.memref_slice %arg4[%add3A, %dma_start3A_54, %dma_start3A_55] : memref<32x180x56xi32, #tpu.memory_space<hbm>> -> memref<1x180x56xi32, #tpu.memory_space<hbm>>
      %dma_start3A_57 = tpu.memref_squeeze %dma_start3A_56 : memref<1x180x56xi32, #tpu.memory_space<hbm>> -> memref<180x56xi32, #tpu.memory_space<hbm>>
      %dma_start3A_58 = arith.constant 0 : i32
      %dma_start3A_59 = arith.constant 0 : i32
      %dma_start3A_60 = tpu.memref_slice %arg4[%add3A, %dma_start3A_58, %dma_start3A_59] : memref<32x180x56xi32, #tpu.memory_space<hbm>> -> memref<1x180x56xi32, #tpu.memory_space<hbm>>
      %dma_start3A_61 = tpu.memref_squeeze %dma_start3A_60 : memref<1x180x56xi32, #tpu.memory_space<hbm>> -> memref<180x56xi32, #tpu.memory_space<hbm>>
      tpu.enqueue_dma source(%dma_start3A_61 : memref<180x56xi32, #tpu.memory_space<hbm>>) target(%arg8 : memref<180x56xi32, #tpu.memory_space<vmem>>) target_semaphore(%run_scoped3A : memref<!tpu.dma_semaphore, #tpu.memory_space<semaphore_mem>>)
      %dma_wait3A = arith.constant 0 : i32
      %dma_wait3A_62 = arith.constant 0 : i32
      %dma_wait3A_63 = tpu.memref_slice %arg4[%add3A, %dma_wait3A, %dma_wait3A_62] : memref<32x180x56xi32, #tpu.memory_space<hbm>> -> memref<1x180x56xi32, #tpu.memory_space<hbm>>
      %dma_wait3A_64 = tpu.memref_squeeze %dma_wait3A_63 : memref<1x180x56xi32, #tpu.memory_space<hbm>> -> memref<180x56xi32, #tpu.memory_space<hbm>>
      %dma_wait3A_65 = arith.constant 0 : i32
      %dma_wait3A_66 = arith.constant 0 : i32
      %dma_wait3A_67 = tpu.memref_slice %arg4[%add3A, %dma_wait3A_65, %dma_wait3A_66] : memref<32x180x56xi32, #tpu.memory_space<hbm>> -> memref<1x180x56xi32, #tpu.memory_space<hbm>>
      %dma_wait3A_68 = tpu.memref_squeeze %dma_wait3A_67 : memref<1x180x56xi32, #tpu.memory_space<hbm>> -> memref<180x56xi32, #tpu.memory_space<hbm>>
      tpu.wait_dma2 semaphore(%run_scoped3A : memref<!tpu.dma_semaphore, #tpu.memory_space<semaphore_mem>>) src(%dma_wait3A_68 : memref<180x56xi32, #tpu.memory_space<hbm>>) dst(%arg8 : memref<180x56xi32, #tpu.memory_space<vmem>>)
      tpu.yield
    }) : () -> ()
    %barrier3A = arith.constant 0 : index
    tpu.barrier barrier_id(%barrier3A)
    %dma_start3A = arith.constant 0 : i32
    %dma_start3A_17 = arith.constant 0 : i32
    %dma_start3A_18 = tpu.memref_slice %arg7[%dma_start3A, %dma_start3A_17] : memref<180x56xi32, #tpu.memory_space<vmem>> -> memref<1x56xi32, #tpu.memory_space<vmem>>
    %dma_start3A_19 = tpu.memref_squeeze %dma_start3A_18 : memref<1x56xi32, #tpu.memory_space<vmem>> -> memref<56xi32, #tpu.memory_space<vmem>>
    %dma_start3A_20 = arith.constant 0 : i32
    %dma_start3A_21 = arith.constant 0 : i32
    %dma_start3A_22 = tpu.memref_slice %arg2[%dma_start3A_20, %dma_start3A_21] : memref<10000x128xf32, #tpu.memory_space<hbm>> -> memref<10000x128xf32, #tpu.memory_space<hbm>>
    tpu.enqueue_indirect_dma source(%dma_start3A_22 : memref<10000x128xf32, #tpu.memory_space<hbm>>) target(%arg9 : memref<56x128xf32, #tpu.memory_space<vmem>>) offsets(%dma_start3A_19 : memref<56xi32, #tpu.memory_space<vmem>>) semaphore(%arg14 : memref<!tpu.dma_semaphore, #tpu.memory_space<semaphore_mem>>)
    %dma_start3A_23 = arith.constant 1 : i32
    %dma_start3A_24 = arith.constant 0 : i32
    %dma_start3A_25 = tpu.memref_slice %arg7[%dma_start3A_23, %dma_start3A_24] : memref<180x56xi32, #tpu.memory_space<vmem>> -> memref<1x56xi32, #tpu.memory_space<vmem>>
    %dma_start3A_26 = tpu.memref_squeeze %dma_start3A_25 : memref<1x56xi32, #tpu.memory_space<vmem>> -> memref<56xi32, #tpu.memory_space<vmem>>
    %dma_start3A_27 = arith.constant 0 : i32
    %dma_start3A_28 = arith.constant 0 : i32
    %dma_start3A_29 = tpu.memref_slice %arg2[%dma_start3A_27, %dma_start3A_28] : memref<10000x128xf32, #tpu.memory_space<hbm>> -> memref<10000x128xf32, #tpu.memory_space<hbm>>
    tpu.enqueue_indirect_dma source(%dma_start3A_29 : memref<10000x128xf32, #tpu.memory_space<hbm>>) target(%arg10 : memref<56x128xf32, #tpu.memory_space<vmem>>) offsets(%dma_start3A_26 : memref<56xi32, #tpu.memory_space<vmem>>) semaphore(%arg15 : memref<!tpu.dma_semaphore, #tpu.memory_space<semaphore_mem>>)
    %dma_start3A_30 = arith.constant 2 : i32
    %dma_start3A_31 = arith.constant 0 : i32
    %dma_start3A_32 = tpu.memref_slice %arg7[%dma_start3A_30, %dma_start3A_31] : memref<180x56xi32, #tpu.memory_space<vmem>> -> memref<1x56xi32, #tpu.memory_space<vmem>>
    %dma_start3A_33 = tpu.memref_squeeze %dma_start3A_32 : memref<1x56xi32, #tpu.memory_space<vmem>> -> memref<56xi32, #tpu.memory_space<vmem>>
    %dma_start3A_34 = arith.constant 0 : i32
    %dma_start3A_35 = arith.constant 0 : i32
    %dma_start3A_36 = tpu.memref_slice %arg2[%dma_start3A_34, %dma_start3A_35] : memref<10000x128xf32, #tpu.memory_space<hbm>> -> memref<10000x128xf32, #tpu.memory_space<hbm>>
    tpu.enqueue_indirect_dma source(%dma_start3A_36 : memref<10000x128xf32, #tpu.memory_space<hbm>>) target(%arg11 : memref<56x128xf32, #tpu.memory_space<vmem>>) offsets(%dma_start3A_33 : memref<56xi32, #tpu.memory_space<vmem>>) semaphore(%arg16 : memref<!tpu.dma_semaphore, #tpu.memory_space<semaphore_mem>>)
    %dma_start3A_37 = arith.constant 3 : i32
    %dma_start3A_38 = arith.constant 0 : i32
    %dma_start3A_39 = tpu.memref_slice %arg7[%dma_start3A_37, %dma_start3A_38] : memref<180x56xi32, #tpu.memory_space<vmem>> -> memref<1x56xi32, #tpu.memory_space<vmem>>
    %dma_start3A_40 = tpu.memref_squeeze %dma_start3A_39 : memref<1x56xi32, #tpu.memory_space<vmem>> -> memref<56xi32, #tpu.memory_space<vmem>>
    %dma_start3A_41 = arith.constant 0 : i32
    %dma_start3A_42 = arith.constant 0 : i32
    %dma_start3A_43 = tpu.memref_slice %arg2[%dma_start3A_41, %dma_start3A_42] : memref<10000x128xf32, #tpu.memory_space<hbm>> -> memref<10000x128xf32, #tpu.memory_space<hbm>>
    tpu.enqueue_indirect_dma source(%dma_start3A_43 : memref<10000x128xf32, #tpu.memory_space<hbm>>) target(%arg12 : memref<56x128xf32, #tpu.memory_space<vmem>>) offsets(%dma_start3A_40 : memref<56xi32, #tpu.memory_space<vmem>>) semaphore(%arg17 : memref<!tpu.dma_semaphore, #tpu.memory_space<semaphore_mem>>)
    %scan3A = arith.constant 0 : i32
    %scan3A_44 = arith.constant 0 : i32
    %scan3A_45 = arith.constant 45 : i32
    %scan3A_46 = arith.addi %scan3A_44, %scan3A_45 : i32
    %scan3A_47 = arith.constant 1 : i32
    scf.for %scan3A_54 = %scan3A_44 to %scan3A_46 step %scan3A_47  : i32 {
      %mul3A_55 = arith.constant 4 : i32
      %mul3A_56 = arith.muli %mul3A_55, %scan3A_54 : i32
      %add3A_57 = arith.constant 0 : i32
      %add3A_58 = arith.addi %mul3A_56, %add3A_57 : i32
      %dma_wait3A = arith.constant 0 : i32
      %dma_wait3A_59 = tpu.memref_slice %arg7[%add3A_58, %dma_wait3A] : memref<180x56xi32, #tpu.memory_space<vmem>> -> memref<1x56xi32, #tpu.memory_space<vmem>>
      %dma_wait3A_60 = tpu.memref_squeeze %dma_wait3A_59 : memref<1x56xi32, #tpu.memory_space<vmem>> -> memref<56xi32, #tpu.memory_space<vmem>>
      %dma_wait3A_61 = arith.constant 0 : i32
      %dma_wait3A_62 = arith.constant 0 : i32
      %dma_wait3A_63 = tpu.memref_slice %arg2[%dma_wait3A_61, %dma_wait3A_62] : memref<10000x128xf32, #tpu.memory_space<hbm>> -> memref<10000x128xf32, #tpu.memory_space<hbm>>
      tpu.wait_indirect_dma semaphore(%arg14 : memref<!tpu.dma_semaphore, #tpu.memory_space<semaphore_mem>>) src(%dma_wait3A_63 : memref<10000x128xf32, #tpu.memory_space<hbm>>) dst(%arg9 : memref<56x128xf32, #tpu.memory_space<vmem>>)
      "tpu.region"() ({
        %run_scoped3A = tpu.sem_alloc : memref<!tpu.dma_semaphore, #tpu.memory_space<semaphore_mem>>
        %dma_start3A_122 = arith.constant 0 : i32
        %dma_start3A_123 = tpu.memref_slice %arg8[%add3A_58, %dma_start3A_122] : memref<180x56xi32, #tpu.memory_space<vmem>> -> memref<1x56xi32, #tpu.memory_space<vmem>>
        %dma_start3A_124 = tpu.memref_squeeze %dma_start3A_123 : memref<1x56xi32, #tpu.memory_space<vmem>> -> memref<56xi32, #tpu.memory_space<vmem>>
        %dma_start3A_125 = arith.constant 0 : i32
        %dma_start3A_126 = arith.constant 0 : i32
        %dma_start3A_127 = tpu.memref_slice %arg13[%dma_start3A_125, %dma_start3A_126] : memref<10016x128xf32, #tpu.memory_space<vmem_shared>> -> memref<10016x128xf32, #tpu.memory_space<vmem_shared>>
        tpu.enqueue_indirect_dma source(%arg9 : memref<56x128xf32, #tpu.memory_space<vmem>>) target(%dma_start3A_127 : memref<10016x128xf32, #tpu.memory_space<vmem_shared>>) offsets(%dma_start3A_124 : memref<56xi32, #tpu.memory_space<vmem>>) semaphore(%run_scoped3A : memref<!tpu.dma_semaphore, #tpu.memory_space<semaphore_mem>>) {add = true}
        %dma_wait3A_128 = arith.constant 0 : i32
        %dma_wait3A_129 = tpu.memref_slice %arg8[%add3A_58, %dma_wait3A_128] : memref<180x56xi32, #tpu.memory_space<vmem>> -> memref<1x56xi32, #tpu.memory_space<vmem>>
        %dma_wait3A_130 = tpu.memref_squeeze %dma_wait3A_129 : memref<1x56xi32, #tpu.memory_space<vmem>> -> memref<56xi32, #tpu.memory_space<vmem>>
        %dma_wait3A_131 = arith.constant 0 : i32
        %dma_wait3A_132 = arith.constant 0 : i32
        %dma_wait3A_133 = tpu.memref_slice %arg13[%dma_wait3A_131, %dma_wait3A_132] : memref<10016x128xf32, #tpu.memory_space<vmem_shared>> -> memref<10016x128xf32, #tpu.memory_space<vmem_shared>>
        tpu.wait_indirect_dma semaphore(%run_scoped3A : memref<!tpu.dma_semaphore, #tpu.memory_space<semaphore_mem>>) src(%arg9 : memref<56x128xf32, #tpu.memory_space<vmem>>) dst(%dma_wait3A_133 : memref<10016x128xf32, #tpu.memory_space<vmem_shared>>)
        tpu.yield
      }) : () -> ()
      %add3A_64 = arith.constant 4 : i32
      %add3A_65 = arith.addi %add3A_58, %add3A_64 : i32
      %lt3A_66 = arith.constant 180 : i32
      %lt3A_67 = arith.cmpi slt, %add3A_65, %lt3A_66 : i32
      %convert_element_type3A_68 = arith.extui %lt3A_67 : i1 to i32
      %cond3A_69 = arith.constant 0 : i32
      %cond3A_70 = arith.cmpi ne, %convert_element_type3A_68, %cond3A_69 : i32
      scf.if %cond3A_70 {
        %add3A_122 = arith.constant 4 : i32
        %add3A_123 = arith.addi %add3A_58, %add3A_122 : i32
        %dma_start3A_124 = arith.constant 0 : i32
        %dma_start3A_125 = tpu.memref_slice %arg7[%add3A_123, %dma_start3A_124] : memref<180x56xi32, #tpu.memory_space<vmem>> -> memref<1x56xi32, #tpu.memory_space<vmem>>
        %dma_start3A_126 = tpu.memref_squeeze %dma_start3A_125 : memref<1x56xi32, #tpu.memory_space<vmem>> -> memref<56xi32, #tpu.memory_space<vmem>>
        %dma_start3A_127 = arith.constant 0 : i32
        %dma_start3A_128 = arith.constant 0 : i32
        %dma_start3A_129 = tpu.memref_slice %arg2[%dma_start3A_127, %dma_start3A_128] : memref<10000x128xf32, #tpu.memory_space<hbm>> -> memref<10000x128xf32, #tpu.memory_space<hbm>>
        tpu.enqueue_indirect_dma source(%dma_start3A_129 : memref<10000x128xf32, #tpu.memory_space<hbm>>) target(%arg9 : memref<56x128xf32, #tpu.memory_space<vmem>>) offsets(%dma_start3A_126 : memref<56xi32, #tpu.memory_space<vmem>>) semaphore(%arg14 : memref<!tpu.dma_semaphore, #tpu.memory_space<semaphore_mem>>)
      } else {
      }
      %mul3A_71 = arith.constant 4 : i32
      %mul3A_72 = arith.muli %mul3A_71, %scan3A_54 : i32
      %add3A_73 = arith.constant 1 : i32
      %add3A_74 = arith.addi %mul3A_72, %add3A_73 : i32
      %dma_wait3A_75 = arith.constant 0 : i32
      %dma_wait3A_76 = tpu.memref_slice %arg7[%add3A_74, %dma_wait3A_75] : memref<180x56xi32, #tpu.memory_space<vmem>> -> memref<1x56xi32, #tpu.memory_space<vmem>>
      %dma_wait3A_77 = tpu.memref_squeeze %dma_wait3A_76 : memref<1x56xi32, #tpu.memory_space<vmem>> -> memref<56xi32, #tpu.memory_space<vmem>>
      %dma_wait3A_78 = arith.constant 0 : i32
      %dma_wait3A_79 = arith.constant 0 : i32
      %dma_wait3A_80 = tpu.memref_slice %arg2[%dma_wait3A_78, %dma_wait3A_79] : memref<10000x128xf32, #tpu.memory_space<hbm>> -> memref<10000x128xf32, #tpu.memory_space<hbm>>
      tpu.wait_indirect_dma semaphore(%arg15 : memref<!tpu.dma_semaphore, #tpu.memory_space<semaphore_mem>>) src(%dma_wait3A_80 : memref<10000x128xf32, #tpu.memory_space<hbm>>) dst(%arg10 : memref<56x128xf32, #tpu.memory_space<vmem>>)
      "tpu.region"() ({
        %run_scoped3A = tpu.sem_alloc : memref<!tpu.dma_semaphore, #tpu.memory_space<semaphore_mem>>
        %dma_start3A_122 = arith.constant 0 : i32
        %dma_start3A_123 = tpu.memref_slice %arg8[%add3A_74, %dma_start3A_122] : memref<180x56xi32, #tpu.memory_space<vmem>> -> memref<1x56xi32, #tpu.memory_space<vmem>>
        %dma_start3A_124 = tpu.memref_squeeze %dma_start3A_123 : memref<1x56xi32, #tpu.memory_space<vmem>> -> memref<56xi32, #tpu.memory_space<vmem>>
        %dma_start3A_125 = arith.constant 0 : i32
        %dma_start3A_126 = arith.constant 0 : i32
        %dma_start3A_127 = tpu.memref_slice %arg13[%dma_start3A_125, %dma_start3A_126] : memref<10016x128xf32, #tpu.memory_space<vmem_shared>> -> memref<10016x128xf32, #tpu.memory_space<vmem_shared>>
        tpu.enqueue_indirect_dma source(%arg10 : memref<56x128xf32, #tpu.memory_space<vmem>>) target(%dma_start3A_127 : memref<10016x128xf32, #tpu.memory_space<vmem_shared>>) offsets(%dma_start3A_124 : memref<56xi32, #tpu.memory_space<vmem>>) semaphore(%run_scoped3A : memref<!tpu.dma_semaphore, #tpu.memory_space<semaphore_mem>>) {add = true}
        %dma_wait3A_128 = arith.constant 0 : i32
        %dma_wait3A_129 = tpu.memref_slice %arg8[%add3A_74, %dma_wait3A_128] : memref<180x56xi32, #tpu.memory_space<vmem>> -> memref<1x56xi32, #tpu.memory_space<vmem>>
        %dma_wait3A_130 = tpu.memref_squeeze %dma_wait3A_129 : memref<1x56xi32, #tpu.memory_space<vmem>> -> memref<56xi32, #tpu.memory_space<vmem>>
        %dma_wait3A_131 = arith.constant 0 : i32
        %dma_wait3A_132 = arith.constant 0 : i32
        %dma_wait3A_133 = tpu.memref_slice %arg13[%dma_wait3A_131, %dma_wait3A_132] : memref<10016x128xf32, #tpu.memory_space<vmem_shared>> -> memref<10016x128xf32, #tpu.memory_space<vmem_shared>>
        tpu.wait_indirect_dma semaphore(%run_scoped3A : memref<!tpu.dma_semaphore, #tpu.memory_space<semaphore_mem>>) src(%arg10 : memref<56x128xf32, #tpu.memory_space<vmem>>) dst(%dma_wait3A_133 : memref<10016x128xf32, #tpu.memory_space<vmem_shared>>)
        tpu.yield
      }) : () -> ()
      %add3A_81 = arith.constant 4 : i32
      %add3A_82 = arith.addi %add3A_74, %add3A_81 : i32
      %lt3A_83 = arith.constant 180 : i32
      %lt3A_84 = arith.cmpi slt, %add3A_82, %lt3A_83 : i32
      %convert_element_type3A_85 = arith.extui %lt3A_84 : i1 to i32
      %cond3A_86 = arith.constant 0 : i32
      %cond3A_87 = arith.cmpi ne, %convert_element_type3A_85, %cond3A_86 : i32
      scf.if %cond3A_87 {
        %add3A_122 = arith.constant 4 : i32
        %add3A_123 = arith.addi %add3A_74, %add3A_122 : i32
        %dma_start3A_124 = arith.constant 0 : i32
        %dma_start3A_125 = tpu.memref_slice %arg7[%add3A_123, %dma_start3A_124] : memref<180x56xi32, #tpu.memory_space<vmem>> -> memref<1x56xi32, #tpu.memory_space<vmem>>
        %dma_start3A_126 = tpu.memref_squeeze %dma_start3A_125 : memref<1x56xi32, #tpu.memory_space<vmem>> -> memref<56xi32, #tpu.memory_space<vmem>>
        %dma_start3A_127 = arith.constant 0 : i32
        %dma_start3A_128 = arith.constant 0 : i32
        %dma_start3A_129 = tpu.memref_slice %arg2[%dma_start3A_127, %dma_start3A_128] : memref<10000x128xf32, #tpu.memory_space<hbm>> -> memref<10000x128xf32, #tpu.memory_space<hbm>>
        tpu.enqueue_indirect_dma source(%dma_start3A_129 : memref<10000x128xf32, #tpu.memory_space<hbm>>) target(%arg10 : memref<56x128xf32, #tpu.memory_space<vmem>>) offsets(%dma_start3A_126 : memref<56xi32, #tpu.memory_space<vmem>>) semaphore(%arg15 : memref<!tpu.dma_semaphore, #tpu.memory_space<semaphore_mem>>)
      } else {
      }
      %mul3A_88 = arith.constant 4 : i32
      %mul3A_89 = arith.muli %mul3A_88, %scan3A_54 : i32
      %add3A_90 = arith.constant 2 : i32
      %add3A_91 = arith.addi %mul3A_89, %add3A_90 : i32
      %dma_wait3A_92 = arith.constant 0 : i32
      %dma_wait3A_93 = tpu.memref_slice %arg7[%add3A_91, %dma_wait3A_92] : memref<180x56xi32, #tpu.memory_space<vmem>> -> memref<1x56xi32, #tpu.memory_space<vmem>>
      %dma_wait3A_94 = tpu.memref_squeeze %dma_wait3A_93 : memref<1x56xi32, #tpu.memory_space<vmem>> -> memref<56xi32, #tpu.memory_space<vmem>>
      %dma_wait3A_95 = arith.constant 0 : i32
      %dma_wait3A_96 = arith.constant 0 : i32
      %dma_wait3A_97 = tpu.memref_slice %arg2[%dma_wait3A_95, %dma_wait3A_96] : memref<10000x128xf32, #tpu.memory_space<hbm>> -> memref<10000x128xf32, #tpu.memory_space<hbm>>
      tpu.wait_indirect_dma semaphore(%arg16 : memref<!tpu.dma_semaphore, #tpu.memory_space<semaphore_mem>>) src(%dma_wait3A_97 : memref<10000x128xf32, #tpu.memory_space<hbm>>) dst(%arg11 : memref<56x128xf32, #tpu.memory_space<vmem>>)
      "tpu.region"() ({
        %run_scoped3A = tpu.sem_alloc : memref<!tpu.dma_semaphore, #tpu.memory_space<semaphore_mem>>
        %dma_start3A_122 = arith.constant 0 : i32
        %dma_start3A_123 = tpu.memref_slice %arg8[%add3A_91, %dma_start3A_122] : memref<180x56xi32, #tpu.memory_space<vmem>> -> memref<1x56xi32, #tpu.memory_space<vmem>>
        %dma_start3A_124 = tpu.memref_squeeze %dma_start3A_123 : memref<1x56xi32, #tpu.memory_space<vmem>> -> memref<56xi32, #tpu.memory_space<vmem>>
        %dma_start3A_125 = arith.constant 0 : i32
        %dma_start3A_126 = arith.constant 0 : i32
        %dma_start3A_127 = tpu.memref_slice %arg13[%dma_start3A_125, %dma_start3A_126] : memref<10016x128xf32, #tpu.memory_space<vmem_shared>> -> memref<10016x128xf32, #tpu.memory_space<vmem_shared>>
        tpu.enqueue_indirect_dma source(%arg11 : memref<56x128xf32, #tpu.memory_space<vmem>>) target(%dma_start3A_127 : memref<10016x128xf32, #tpu.memory_space<vmem_shared>>) offsets(%dma_start3A_124 : memref<56xi32, #tpu.memory_space<vmem>>) semaphore(%run_scoped3A : memref<!tpu.dma_semaphore, #tpu.memory_space<semaphore_mem>>) {add = true}
        %dma_wait3A_128 = arith.constant 0 : i32
        %dma_wait3A_129 = tpu.memref_slice %arg8[%add3A_91, %dma_wait3A_128] : memref<180x56xi32, #tpu.memory_space<vmem>> -> memref<1x56xi32, #tpu.memory_space<vmem>>
        %dma_wait3A_130 = tpu.memref_squeeze %dma_wait3A_129 : memref<1x56xi32, #tpu.memory_space<vmem>> -> memref<56xi32, #tpu.memory_space<vmem>>
        %dma_wait3A_131 = arith.constant 0 : i32
        %dma_wait3A_132 = arith.constant 0 : i32
        %dma_wait3A_133 = tpu.memref_slice %arg13[%dma_wait3A_131, %dma_wait3A_132] : memref<10016x128xf32, #tpu.memory_space<vmem_shared>> -> memref<10016x128xf32, #tpu.memory_space<vmem_shared>>
        tpu.wait_indirect_dma semaphore(%run_scoped3A : memref<!tpu.dma_semaphore, #tpu.memory_space<semaphore_mem>>) src(%arg11 : memref<56x128xf32, #tpu.memory_space<vmem>>) dst(%dma_wait3A_133 : memref<10016x128xf32, #tpu.memory_space<vmem_shared>>)
        tpu.yield
      }) : () -> ()
      %add3A_98 = arith.constant 4 : i32
      %add3A_99 = arith.addi %add3A_91, %add3A_98 : i32
      %lt3A_100 = arith.constant 180 : i32
      %lt3A_101 = arith.cmpi slt, %add3A_99, %lt3A_100 : i32
      %convert_element_type3A_102 = arith.extui %lt3A_101 : i1 to i32
      %cond3A_103 = arith.constant 0 : i32
      %cond3A_104 = arith.cmpi ne, %convert_element_type3A_102, %cond3A_103 : i32
      scf.if %cond3A_104 {
        %add3A_122 = arith.constant 4 : i32
        %add3A_123 = arith.addi %add3A_91, %add3A_122 : i32
        %dma_start3A_124 = arith.constant 0 : i32
        %dma_start3A_125 = tpu.memref_slice %arg7[%add3A_123, %dma_start3A_124] : memref<180x56xi32, #tpu.memory_space<vmem>> -> memref<1x56xi32, #tpu.memory_space<vmem>>
        %dma_start3A_126 = tpu.memref_squeeze %dma_start3A_125 : memref<1x56xi32, #tpu.memory_space<vmem>> -> memref<56xi32, #tpu.memory_space<vmem>>
        %dma_start3A_127 = arith.constant 0 : i32
        %dma_start3A_128 = arith.constant 0 : i32
        %dma_start3A_129 = tpu.memref_slice %arg2[%dma_start3A_127, %dma_start3A_128] : memref<10000x128xf32, #tpu.memory_space<hbm>> -> memref<10000x128xf32, #tpu.memory_space<hbm>>
        tpu.enqueue_indirect_dma source(%dma_start3A_129 : memref<10000x128xf32, #tpu.memory_space<hbm>>) target(%arg11 : memref<56x128xf32, #tpu.memory_space<vmem>>) offsets(%dma_start3A_126 : memref<56xi32, #tpu.memory_space<vmem>>) semaphore(%arg16 : memref<!tpu.dma_semaphore, #tpu.memory_space<semaphore_mem>>)
      } else {
      }
      %mul3A_105 = arith.constant 4 : i32
      %mul3A_106 = arith.muli %mul3A_105, %scan3A_54 : i32
      %add3A_107 = arith.constant 3 : i32
      %add3A_108 = arith.addi %mul3A_106, %add3A_107 : i32
      %dma_wait3A_109 = arith.constant 0 : i32
      %dma_wait3A_110 = tpu.memref_slice %arg7[%add3A_108, %dma_wait3A_109] : memref<180x56xi32, #tpu.memory_space<vmem>> -> memref<1x56xi32, #tpu.memory_space<vmem>>
      %dma_wait3A_111 = tpu.memref_squeeze %dma_wait3A_110 : memref<1x56xi32, #tpu.memory_space<vmem>> -> memref<56xi32, #tpu.memory_space<vmem>>
      %dma_wait3A_112 = arith.constant 0 : i32
      %dma_wait3A_113 = arith.constant 0 : i32
      %dma_wait3A_114 = tpu.memref_slice %arg2[%dma_wait3A_112, %dma_wait3A_113] : memref<10000x128xf32, #tpu.memory_space<hbm>> -> memref<10000x128xf32, #tpu.memory_space<hbm>>
      tpu.wait_indirect_dma semaphore(%arg17 : memref<!tpu.dma_semaphore, #tpu.memory_space<semaphore_mem>>) src(%dma_wait3A_114 : memref<10000x128xf32, #tpu.memory_space<hbm>>) dst(%arg12 : memref<56x128xf32, #tpu.memory_space<vmem>>)
      "tpu.region"() ({
        %run_scoped3A = tpu.sem_alloc : memref<!tpu.dma_semaphore, #tpu.memory_space<semaphore_mem>>
        %dma_start3A_122 = arith.constant 0 : i32
        %dma_start3A_123 = tpu.memref_slice %arg8[%add3A_108, %dma_start3A_122] : memref<180x56xi32, #tpu.memory_space<vmem>> -> memref<1x56xi32, #tpu.memory_space<vmem>>
        %dma_start3A_124 = tpu.memref_squeeze %dma_start3A_123 : memref<1x56xi32, #tpu.memory_space<vmem>> -> memref<56xi32, #tpu.memory_space<vmem>>
        %dma_start3A_125 = arith.constant 0 : i32
        %dma_start3A_126 = arith.constant 0 : i32
        %dma_start3A_127 = tpu.memref_slice %arg13[%dma_start3A_125, %dma_start3A_126] : memref<10016x128xf32, #tpu.memory_space<vmem_shared>> -> memref<10016x128xf32, #tpu.memory_space<vmem_shared>>
        tpu.enqueue_indirect_dma source(%arg12 : memref<56x128xf32, #tpu.memory_space<vmem>>) target(%dma_start3A_127 : memref<10016x128xf32, #tpu.memory_space<vmem_shared>>) offsets(%dma_start3A_124 : memref<56xi32, #tpu.memory_space<vmem>>) semaphore(%run_scoped3A : memref<!tpu.dma_semaphore, #tpu.memory_space<semaphore_mem>>) {add = true}
        %dma_wait3A_128 = arith.constant 0 : i32
        %dma_wait3A_129 = tpu.memref_slice %arg8[%add3A_108, %dma_wait3A_128] : memref<180x56xi32, #tpu.memory_space<vmem>> -> memref<1x56xi32, #tpu.memory_space<vmem>>
        %dma_wait3A_130 = tpu.memref_squeeze %dma_wait3A_129 : memref<1x56xi32, #tpu.memory_space<vmem>> -> memref<56xi32, #tpu.memory_space<vmem>>
        %dma_wait3A_131 = arith.constant 0 : i32
        %dma_wait3A_132 = arith.constant 0 : i32
        %dma_wait3A_133 = tpu.memref_slice %arg13[%dma_wait3A_131, %dma_wait3A_132] : memref<10016x128xf32, #tpu.memory_space<vmem_shared>> -> memref<10016x128xf32, #tpu.memory_space<vmem_shared>>
        tpu.wait_indirect_dma semaphore(%run_scoped3A : memref<!tpu.dma_semaphore, #tpu.memory_space<semaphore_mem>>) src(%arg12 : memref<56x128xf32, #tpu.memory_space<vmem>>) dst(%dma_wait3A_133 : memref<10016x128xf32, #tpu.memory_space<vmem_shared>>)
        tpu.yield
      }) : () -> ()
      %add3A_115 = arith.constant 4 : i32
      %add3A_116 = arith.addi %add3A_108, %add3A_115 : i32
      %lt3A_117 = arith.constant 180 : i32
      %lt3A_118 = arith.cmpi slt, %add3A_116, %lt3A_117 : i32
      %convert_element_type3A_119 = arith.extui %lt3A_118 : i1 to i32
      %cond3A_120 = arith.constant 0 : i32
      %cond3A_121 = arith.cmpi ne, %convert_element_type3A_119, %cond3A_120 : i32
      scf.if %cond3A_121 {
        %add3A_122 = arith.constant 4 : i32
        %add3A_123 = arith.addi %add3A_108, %add3A_122 : i32
        %dma_start3A_124 = arith.constant 0 : i32
        %dma_start3A_125 = tpu.memref_slice %arg7[%add3A_123, %dma_start3A_124] : memref<180x56xi32, #tpu.memory_space<vmem>> -> memref<1x56xi32, #tpu.memory_space<vmem>>
        %dma_start3A_126 = tpu.memref_squeeze %dma_start3A_125 : memref<1x56xi32, #tpu.memory_space<vmem>> -> memref<56xi32, #tpu.memory_space<vmem>>
        %dma_start3A_127 = arith.constant 0 : i32
        %dma_start3A_128 = arith.constant 0 : i32
        %dma_start3A_129 = tpu.memref_slice %arg2[%dma_start3A_127, %dma_start3A_128] : memref<10000x128xf32, #tpu.memory_space<hbm>> -> memref<10000x128xf32, #tpu.memory_space<hbm>>
        tpu.enqueue_indirect_dma source(%dma_start3A_129 : memref<10000x128xf32, #tpu.memory_space<hbm>>) target(%arg12 : memref<56x128xf32, #tpu.memory_space<vmem>>) offsets(%dma_start3A_126 : memref<56xi32, #tpu.memory_space<vmem>>) semaphore(%arg17 : memref<!tpu.dma_semaphore, #tpu.memory_space<semaphore_mem>>)
      } else {
      }
    }
    %scan3A_48 = arith.constant 45 : i32
    %barrier3A_49 = arith.constant 0 : index
    tpu.barrier barrier_id(%barrier3A_49)
    %mul3A_50 = arith.constant 625 : i32
    %mul3A_51 = arith.muli %arg1, %mul3A_50 : i32
    %mul3A_52 = arith.constant 625 : i32
    %mul3A_53 = arith.muli %arg1, %mul3A_52 : i32
    "tpu.region"() ({
      %run_scoped3A = tpu.sem_alloc : memref<!tpu.dma_semaphore, #tpu.memory_space<semaphore_mem>>
      %dma_start3A_54 = arith.constant 0 : i32
      %dma_start3A_55 = tpu.memref_slice %arg6[%arg0, %mul3A_53, %dma_start3A_54] : memref<2x10000x128xf32, #tpu.memory_space<hbm>> -> memref<1x625x128xf32, #tpu.memory_space<hbm>>
      %dma_start3A_56 = tpu.memref_squeeze %dma_start3A_55 : memref<1x625x128xf32, #tpu.memory_space<hbm>> -> memref<625x128xf32, #tpu.memory_space<hbm>>
      %dma_start3A_57 = arith.constant 0 : i32
      %dma_start3A_58 = tpu.memref_slice %arg13[%mul3A_51, %dma_start3A_57] : memref<10016x128xf32, #tpu.memory_space<vmem_shared>> -> memref<625x128xf32, #tpu.memory_space<vmem_shared>>
      tpu.enqueue_dma source(%dma_start3A_58 : memref<625x128xf32, #tpu.memory_space<vmem_shared>>) target(%dma_start3A_56 : memref<625x128xf32, #tpu.memory_space<hbm>>) target_semaphore(%run_scoped3A : memref<!tpu.dma_semaphore, #tpu.memory_space<semaphore_mem>>)
      %dma_wait3A = arith.constant 0 : i32
      %dma_wait3A_59 = tpu.memref_slice %arg6[%arg0, %mul3A_53, %dma_wait3A] : memref<2x10000x128xf32, #tpu.memory_space<hbm>> -> memref<1x625x128xf32, #tpu.memory_space<hbm>>
      %dma_wait3A_60 = tpu.memref_squeeze %dma_wait3A_59 : memref<1x625x128xf32, #tpu.memory_space<hbm>> -> memref<625x128xf32, #tpu.memory_space<hbm>>
      %dma_wait3A_61 = arith.constant 0 : i32
      %dma_wait3A_62 = tpu.memref_slice %arg13[%mul3A_51, %dma_wait3A_61] : memref<10016x128xf32, #tpu.memory_space<vmem_shared>> -> memref<625x128xf32, #tpu.memory_space<vmem_shared>>
      tpu.wait_dma2 semaphore(%run_scoped3A : memref<!tpu.dma_semaphore, #tpu.memory_space<semaphore_mem>>) src(%dma_wait3A_62 : memref<625x128xf32, #tpu.memory_space<vmem_shared>>) dst(%dma_wait3A_60 : memref<625x128xf32, #tpu.memory_space<hbm>>)
      tpu.yield
    }) : () -> ()
    return
  }
}

#map = affine_map<(d0, d1) -> (0, 0, 0)>
#map1 = affine_map<(d0, d1) -> (0, 0)>
module attributes {stable_mosaic.version = 14 : i64} {
  func.func @_sc_deg_body(%arg0: i32, %arg1: i32, %arg2: memref<32x630x16xi32, #tpu.memory_space<hbm>>, %arg3: memref<32x10112xf32, #tpu.memory_space<hbm>>, %arg4: memref<630x16xi32, #tpu.memory_space<vmem>>, %arg5: memref<10112xf32, #tpu.memory_space<vmem>>) attributes {dimension_semantics = [#tpu.dimension_semantics<core_parallel>, #tpu.dimension_semantics<subcore_parallel>], iteration_bounds = array<i64: 2, 16>, scalar_prefetch = 0 : i64, scratch_operands = 2 : i64, tpu.core_type = #tpu.core_type<sc_vector_subcore>, window_params = [{transform_indices = #map}, {transform_indices = #map1}]} {
    %mul3A = arith.constant 16 : i32
    %mul3A_0 = arith.muli %arg0, %mul3A : i32
    %add3A = arith.addi %mul3A_0, %arg1 : i32
    "tpu.region"() ({
      %run_scoped3A = tpu.sem_alloc : memref<!tpu.dma_semaphore, #tpu.memory_space<semaphore_mem>>
      %dma_start3A = arith.constant 0 : i32
      %dma_start3A_13 = arith.constant 0 : i32
      %dma_start3A_14 = tpu.memref_slice %arg2[%add3A, %dma_start3A, %dma_start3A_13] : memref<32x630x16xi32, #tpu.memory_space<hbm>> -> memref<1x630x16xi32, #tpu.memory_space<hbm>>
      %dma_start3A_15 = tpu.memref_squeeze %dma_start3A_14 : memref<1x630x16xi32, #tpu.memory_space<hbm>> -> memref<630x16xi32, #tpu.memory_space<hbm>>
      %dma_start3A_16 = arith.constant 0 : i32
      %dma_start3A_17 = arith.constant 0 : i32
      %dma_start3A_18 = tpu.memref_slice %arg2[%add3A, %dma_start3A_16, %dma_start3A_17] : memref<32x630x16xi32, #tpu.memory_space<hbm>> -> memref<1x630x16xi32, #tpu.memory_space<hbm>>
      %dma_start3A_19 = tpu.memref_squeeze %dma_start3A_18 : memref<1x630x16xi32, #tpu.memory_space<hbm>> -> memref<630x16xi32, #tpu.memory_space<hbm>>
      tpu.enqueue_dma source(%dma_start3A_19 : memref<630x16xi32, #tpu.memory_space<hbm>>) target(%arg4 : memref<630x16xi32, #tpu.memory_space<vmem>>) target_semaphore(%run_scoped3A : memref<!tpu.dma_semaphore, #tpu.memory_space<semaphore_mem>>)
      %dma_wait3A = arith.constant 0 : i32
      %dma_wait3A_20 = arith.constant 0 : i32
      %dma_wait3A_21 = tpu.memref_slice %arg2[%add3A, %dma_wait3A, %dma_wait3A_20] : memref<32x630x16xi32, #tpu.memory_space<hbm>> -> memref<1x630x16xi32, #tpu.memory_space<hbm>>
      %dma_wait3A_22 = tpu.memref_squeeze %dma_wait3A_21 : memref<1x630x16xi32, #tpu.memory_space<hbm>> -> memref<630x16xi32, #tpu.memory_space<hbm>>
      %dma_wait3A_23 = arith.constant 0 : i32
      %dma_wait3A_24 = arith.constant 0 : i32
      %dma_wait3A_25 = tpu.memref_slice %arg2[%add3A, %dma_wait3A_23, %dma_wait3A_24] : memref<32x630x16xi32, #tpu.memory_space<hbm>> -> memref<1x630x16xi32, #tpu.memory_space<hbm>>
      %dma_wait3A_26 = tpu.memref_squeeze %dma_wait3A_25 : memref<1x630x16xi32, #tpu.memory_space<hbm>> -> memref<630x16xi32, #tpu.memory_space<hbm>>
      tpu.wait_dma2 semaphore(%run_scoped3A : memref<!tpu.dma_semaphore, #tpu.memory_space<semaphore_mem>>) src(%dma_wait3A_26 : memref<630x16xi32, #tpu.memory_space<hbm>>) dst(%arg4 : memref<630x16xi32, #tpu.memory_space<vmem>>)
      tpu.yield
    }) : () -> ()
    %scan3A = arith.constant 0 : i32
    %scan3A_1 = arith.constant 0 : i32
    %scan3A_2 = arith.constant 632 : i32
    %scan3A_3 = arith.addi %scan3A_1, %scan3A_2 : i32
    %scan3A_4 = arith.constant 1 : i32
    scf.for %scan3A_13 = %scan3A_1 to %scan3A_3 step %scan3A_4  : i32 {
      %broadcast_in_dim3A_14 = arith.constant 0.000000e+00 : f32
      %broadcast_in_dim3A_15 = vector.broadcast %broadcast_in_dim3A_14 : f32 to vector<16xf32>
      %mul3A_16 = arith.constant 16 : i32
      %mul3A_17 = arith.muli %scan3A_13, %mul3A_16 : i32
      %swap3A = arith.index_cast %mul3A_17 : i32 to index
      %swap3A_18 = tpu.vector_load %arg5[%swap3A] {strides = array<i32>} : memref<10112xf32, #tpu.memory_space<vmem>>, vector<16xf32>,
      tpu.vector_store %arg5[%swap3A], %broadcast_in_dim3A_15 {strides = array<i32>} : memref<10112xf32, #tpu.memory_space<vmem>>, vector<16xf32>,
    }
    %scan3A_5 = arith.constant 632 : i32
    %broadcast_in_dim3A = arith.constant 1.000000e+00 : f32
    %broadcast_in_dim3A_6 = vector.broadcast %broadcast_in_dim3A : f32 to vector<16xf32>
    %scan3A_7 = arith.constant 0 : i32
    %scan3A_8 = arith.constant 0 : i32
    %scan3A_9 = arith.constant 630 : i32
    %scan3A_10 = arith.addi %scan3A_8, %scan3A_9 : i32
    %scan3A_11 = arith.constant 1 : i32
    scf.for %scan3A_13 = %scan3A_8 to %scan3A_10 step %scan3A_11  : i32 {
      %get3A = arith.index_cast %scan3A_13 : i32 to index
      %get3A_14 = arith.constant 0 : index
      %get3A_15 = tpu.vector_load %arg4[%get3A, %get3A_14] {strides = array<i32>} : memref<630x16xi32, #tpu.memory_space<vmem>>, vector<16xi32>,
      tpu.vector_store_idx %arg5[%get3A_15], %broadcast_in_dim3A_6 {add = true} : memref<10112xf32, #tpu.memory_space<vmem>>[vector<16xi32>], vector<16xf32>,
    }
    %scan3A_12 = arith.constant 630 : i32
    "tpu.region"() ({
      %run_scoped3A = tpu.sem_alloc : memref<!tpu.dma_semaphore, #tpu.memory_space<semaphore_mem>>
      %dma_start3A = arith.constant 0 : i32
      %dma_start3A_13 = tpu.memref_slice %arg3[%add3A, %dma_start3A] : memref<32x10112xf32, #tpu.memory_space<hbm>> -> memref<1x10112xf32, #tpu.memory_space<hbm>>
      %dma_start3A_14 = tpu.memref_squeeze %dma_start3A_13 : memref<1x10112xf32, #tpu.memory_space<hbm>> -> memref<10112xf32, #tpu.memory_space<hbm>>
      %dma_start3A_15 = arith.constant 0 : i32
      %dma_start3A_16 = tpu.memref_slice %arg3[%add3A, %dma_start3A_15] : memref<32x10112xf32, #tpu.memory_space<hbm>> -> memref<1x10112xf32, #tpu.memory_space<hbm>>
      %dma_start3A_17 = tpu.memref_squeeze %dma_start3A_16 : memref<1x10112xf32, #tpu.memory_space<hbm>> -> memref<10112xf32, #tpu.memory_space<hbm>>
      tpu.enqueue_dma source(%arg5 : memref<10112xf32, #tpu.memory_space<vmem>>) target(%dma_start3A_17 : memref<10112xf32, #tpu.memory_space<hbm>>) target_semaphore(%run_scoped3A : memref<!tpu.dma_semaphore, #tpu.memory_space<semaphore_mem>>)
      %dma_wait3A = arith.constant 0 : i32
      %dma_wait3A_18 = tpu.memref_slice %arg3[%add3A, %dma_wait3A] : memref<32x10112xf32, #tpu.memory_space<hbm>> -> memref<1x10112xf32, #tpu.memory_space<hbm>>
      %dma_wait3A_19 = tpu.memref_squeeze %dma_wait3A_18 : memref<1x10112xf32, #tpu.memory_space<hbm>> -> memref<10112xf32, #tpu.memory_space<hbm>>
      %dma_wait3A_20 = arith.constant 0 : i32
      %dma_wait3A_21 = tpu.memref_slice %arg3[%add3A, %dma_wait3A_20] : memref<32x10112xf32, #tpu.memory_space<hbm>> -> memref<1x10112xf32, #tpu.memory_space<hbm>>
      %dma_wait3A_22 = tpu.memref_squeeze %dma_wait3A_21 : memref<1x10112xf32, #tpu.memory_space<hbm>> -> memref<10112xf32, #tpu.memory_space<hbm>>
      tpu.wait_dma2 semaphore(%run_scoped3A : memref<!tpu.dma_semaphore, #tpu.memory_space<semaphore_mem>>) src(%arg5 : memref<10112xf32, #tpu.memory_space<vmem>>) dst(%dma_wait3A_22 : memref<10112xf32, #tpu.memory_space<hbm>>)
      tpu.yield
    }) : () -> ()
    return
  }
}

#map = affine_map<(d0, d1) -> (0, 0)>
#map1 = affine_map<(d0, d1) -> (0, 0, 0)>
module attributes {stable_mosaic.version = 14 : i64} {
  func.func @_sc_pairs_body(%arg0: i32, %arg1: i32, %arg2: memref<10000x128xf32, #tpu.memory_space<hbm>>, %arg3: memref<32x16x128xi32, #tpu.memory_space<hbm>>, %arg4: memref<32x16x128xi32, #tpu.memory_space<hbm>>, %arg5: memref<65536x128xf32, #tpu.memory_space<hbm>>, %arg6: memref<65536x128xf32, #tpu.memory_space<hbm>>, %arg7: memref<16x128xi32, #tpu.memory_space<vmem>>, %arg8: memref<16x128xi32, #tpu.memory_space<vmem>>, %arg9: memref<128x128xf32, #tpu.memory_space<vmem>>, %arg10: memref<128x128xf32, #tpu.memory_space<vmem>>, %arg11: memref<!tpu.dma_semaphore, #tpu.memory_space<semaphore_mem>>, %arg12: memref<!tpu.dma_semaphore, #tpu.memory_space<semaphore_mem>>) attributes {dimension_semantics = [#tpu.dimension_semantics<core_parallel>, #tpu.dimension_semantics<subcore_parallel>], iteration_bounds = array<i64: 2, 16>, scalar_prefetch = 0 : i64, scratch_operands = 6 : i64, tpu.core_type = #tpu.core_type<sc_vector_subcore>, window_params = [{transform_indices = #map}, {transform_indices = #map1}, {transform_indices = #map1}, {transform_indices = #map}, {transform_indices = #map}]} {
    %mul3A = arith.constant 16 : i32
    %mul3A_0 = arith.muli %arg0, %mul3A : i32
    %add3A = arith.addi %mul3A_0, %arg1 : i32
    "tpu.region"() ({
      %run_scoped3A = tpu.sem_alloc : memref<!tpu.dma_semaphore, #tpu.memory_space<semaphore_mem>>
      %dma_start3A_14 = arith.constant 0 : i32
      %dma_start3A_15 = arith.constant 0 : i32
      %dma_start3A_16 = tpu.memref_slice %arg3[%add3A, %dma_start3A_14, %dma_start3A_15] : memref<32x16x128xi32, #tpu.memory_space<hbm>> -> memref<1x16x128xi32, #tpu.memory_space<hbm>>
      %dma_start3A_17 = tpu.memref_squeeze %dma_start3A_16 : memref<1x16x128xi32, #tpu.memory_space<hbm>> -> memref<16x128xi32, #tpu.memory_space<hbm>>
      %dma_start3A_18 = arith.constant 0 : i32
      %dma_start3A_19 = arith.constant 0 : i32
      %dma_start3A_20 = tpu.memref_slice %arg3[%add3A, %dma_start3A_18, %dma_start3A_19] : memref<32x16x128xi32, #tpu.memory_space<hbm>> -> memref<1x16x128xi32, #tpu.memory_space<hbm>>
      %dma_start3A_21 = tpu.memref_squeeze %dma_start3A_20 : memref<1x16x128xi32, #tpu.memory_space<hbm>> -> memref<16x128xi32, #tpu.memory_space<hbm>>
      tpu.enqueue_dma source(%dma_start3A_21 : memref<16x128xi32, #tpu.memory_space<hbm>>) target(%arg7 : memref<16x128xi32, #tpu.memory_space<vmem>>) target_semaphore(%run_scoped3A : memref<!tpu.dma_semaphore, #tpu.memory_space<semaphore_mem>>)
      %dma_wait3A = arith.constant 0 : i32
      %dma_wait3A_22 = arith.constant 0 : i32
      %dma_wait3A_23 = tpu.memref_slice %arg3[%add3A, %dma_wait3A, %dma_wait3A_22] : memref<32x16x128xi32, #tpu.memory_space<hbm>> -> memref<1x16x128xi32, #tpu.memory_space<hbm>>
      %dma_wait3A_24 = tpu.memref_squeeze %dma_wait3A_23 : memref<1x16x128xi32, #tpu.memory_space<hbm>> -> memref<16x128xi32, #tpu.memory_space<hbm>>
      %dma_wait3A_25 = arith.constant 0 : i32
      %dma_wait3A_26 = arith.constant 0 : i32
      %dma_wait3A_27 = tpu.memref_slice %arg3[%add3A, %dma_wait3A_25, %dma_wait3A_26] : memref<32x16x128xi32, #tpu.memory_space<hbm>> -> memref<1x16x128xi32, #tpu.memory_space<hbm>>
      %dma_wait3A_28 = tpu.memref_squeeze %dma_wait3A_27 : memref<1x16x128xi32, #tpu.memory_space<hbm>> -> memref<16x128xi32, #tpu.memory_space<hbm>>
      tpu.wait_dma2 semaphore(%run_scoped3A : memref<!tpu.dma_semaphore, #tpu.memory_space<semaphore_mem>>) src(%dma_wait3A_28 : memref<16x128xi32, #tpu.memory_space<hbm>>) dst(%arg7 : memref<16x128xi32, #tpu.memory_space<vmem>>)
      tpu.yield
    }) : () -> ()
    "tpu.region"() ({
      %run_scoped3A = tpu.sem_alloc : memref<!tpu.dma_semaphore, #tpu.memory_space<semaphore_mem>>
      %dma_start3A_14 = arith.constant 0 : i32
      %dma_start3A_15 = arith.constant 0 : i32
      %dma_start3A_16 = tpu.memref_slice %arg4[%add3A, %dma_start3A_14, %dma_start3A_15] : memref<32x16x128xi32, #tpu.memory_space<hbm>> -> memref<1x16x128xi32, #tpu.memory_space<hbm>>
      %dma_start3A_17 = tpu.memref_squeeze %dma_start3A_16 : memref<1x16x128xi32, #tpu.memory_space<hbm>> -> memref<16x128xi32, #tpu.memory_space<hbm>>
      %dma_start3A_18 = arith.constant 0 : i32
      %dma_start3A_19 = arith.constant 0 : i32
      %dma_start3A_20 = tpu.memref_slice %arg4[%add3A, %dma_start3A_18, %dma_start3A_19] : memref<32x16x128xi32, #tpu.memory_space<hbm>> -> memref<1x16x128xi32, #tpu.memory_space<hbm>>
      %dma_start3A_21 = tpu.memref_squeeze %dma_start3A_20 : memref<1x16x128xi32, #tpu.memory_space<hbm>> -> memref<16x128xi32, #tpu.memory_space<hbm>>
      tpu.enqueue_dma source(%dma_start3A_21 : memref<16x128xi32, #tpu.memory_space<hbm>>) target(%arg8 : memref<16x128xi32, #tpu.memory_space<vmem>>) target_semaphore(%run_scoped3A : memref<!tpu.dma_semaphore, #tpu.memory_space<semaphore_mem>>)
      %dma_wait3A = arith.constant 0 : i32
      %dma_wait3A_22 = arith.constant 0 : i32
      %dma_wait3A_23 = tpu.memref_slice %arg4[%add3A, %dma_wait3A, %dma_wait3A_22] : memref<32x16x128xi32, #tpu.memory_space<hbm>> -> memref<1x16x128xi32, #tpu.memory_space<hbm>>
      %dma_wait3A_24 = tpu.memref_squeeze %dma_wait3A_23 : memref<1x16x128xi32, #tpu.memory_space<hbm>> -> memref<16x128xi32, #tpu.memory_space<hbm>>
      %dma_wait3A_25 = arith.constant 0 : i32
      %dma_wait3A_26 = arith.constant 0 : i32
      %dma_wait3A_27 = tpu.memref_slice %arg4[%add3A, %dma_wait3A_25, %dma_wait3A_26] : memref<32x16x128xi32, #tpu.memory_space<hbm>> -> memref<1x16x128xi32, #tpu.memory_space<hbm>>
      %dma_wait3A_28 = tpu.memref_squeeze %dma_wait3A_27 : memref<1x16x128xi32, #tpu.memory_space<hbm>> -> memref<16x128xi32, #tpu.memory_space<hbm>>
      tpu.wait_dma2 semaphore(%run_scoped3A : memref<!tpu.dma_semaphore, #tpu.memory_space<semaphore_mem>>) src(%dma_wait3A_28 : memref<16x128xi32, #tpu.memory_space<hbm>>) dst(%arg8 : memref<16x128xi32, #tpu.memory_space<vmem>>)
      tpu.yield
    }) : () -> ()
    %mul3A_1 = arith.constant 2048 : i32
    %mul3A_2 = arith.muli %add3A, %mul3A_1 : i32
    %dma_start3A = arith.constant 0 : i32
    %dma_start3A_3 = arith.constant 0 : i32
    %dma_start3A_4 = tpu.memref_slice %arg7[%dma_start3A, %dma_start3A_3] : memref<16x128xi32, #tpu.memory_space<vmem>> -> memref<1x128xi32, #tpu.memory_space<vmem>>
    %dma_start3A_5 = tpu.memref_squeeze %dma_start3A_4 : memref<1x128xi32, #tpu.memory_space<vmem>> -> memref<128xi32, #tpu.memory_space<vmem>>
    %dma_start3A_6 = arith.constant 0 : i32
    %dma_start3A_7 = arith.constant 0 : i32
    %dma_start3A_8 = tpu.memref_slice %arg2[%dma_start3A_6, %dma_start3A_7] : memref<10000x128xf32, #tpu.memory_space<hbm>> -> memref<10000x128xf32, #tpu.memory_space<hbm>>
    tpu.enqueue_indirect_dma source(%dma_start3A_8 : memref<10000x128xf32, #tpu.memory_space<hbm>>) target(%arg9 : memref<128x128xf32, #tpu.memory_space<vmem>>) offsets(%dma_start3A_5 : memref<128xi32, #tpu.memory_space<vmem>>) semaphore(%arg11 : memref<!tpu.dma_semaphore, #tpu.memory_space<semaphore_mem>>)
    %scan3A = arith.constant 0 : i32
    %scan3A_9 = arith.constant 0 : i32
    %scan3A_10 = arith.constant 16 : i32
    %scan3A_11 = arith.addi %scan3A_9, %scan3A_10 : i32
    %scan3A_12 = arith.constant 1 : i32
    scf.for %scan3A_14 = %scan3A_9 to %scan3A_11 step %scan3A_12  : i32 {
      %dma_start3A_15 = arith.constant 0 : i32
      %dma_start3A_16 = tpu.memref_slice %arg8[%scan3A_14, %dma_start3A_15] : memref<16x128xi32, #tpu.memory_space<vmem>> -> memref<1x128xi32, #tpu.memory_space<vmem>>
      %dma_start3A_17 = tpu.memref_squeeze %dma_start3A_16 : memref<1x128xi32, #tpu.memory_space<vmem>> -> memref<128xi32, #tpu.memory_space<vmem>>
      %dma_start3A_18 = arith.constant 0 : i32
      %dma_start3A_19 = arith.constant 0 : i32
      %dma_start3A_20 = tpu.memref_slice %arg2[%dma_start3A_18, %dma_start3A_19] : memref<10000x128xf32, #tpu.memory_space<hbm>> -> memref<10000x128xf32, #tpu.memory_space<hbm>>
      tpu.enqueue_indirect_dma source(%dma_start3A_20 : memref<10000x128xf32, #tpu.memory_space<hbm>>) target(%arg10 : memref<128x128xf32, #tpu.memory_space<vmem>>) offsets(%dma_start3A_17 : memref<128xi32, #tpu.memory_space<vmem>>) semaphore(%arg12 : memref<!tpu.dma_semaphore, #tpu.memory_space<semaphore_mem>>)
      %dma_wait3A = arith.constant 0 : i32
      %dma_wait3A_21 = tpu.memref_slice %arg7[%scan3A_14, %dma_wait3A] : memref<16x128xi32, #tpu.memory_space<vmem>> -> memref<1x128xi32, #tpu.memory_space<vmem>>
      %dma_wait3A_22 = tpu.memref_squeeze %dma_wait3A_21 : memref<1x128xi32, #tpu.memory_space<vmem>> -> memref<128xi32, #tpu.memory_space<vmem>>
      %dma_wait3A_23 = arith.constant 0 : i32
      %dma_wait3A_24 = arith.constant 0 : i32
      %dma_wait3A_25 = tpu.memref_slice %arg2[%dma_wait3A_23, %dma_wait3A_24] : memref<10000x128xf32, #tpu.memory_space<hbm>> -> memref<10000x128xf32, #tpu.memory_space<hbm>>
      tpu.wait_indirect_dma semaphore(%arg11 : memref<!tpu.dma_semaphore, #tpu.memory_space<semaphore_mem>>) src(%dma_wait3A_25 : memref<10000x128xf32, #tpu.memory_space<hbm>>) dst(%arg9 : memref<128x128xf32, #tpu.memory_space<vmem>>)
      %mul3A_26 = arith.constant 128 : i32
      %mul3A_27 = arith.muli %scan3A_14, %mul3A_26 : i32
      %add3A_28 = arith.addi %mul3A_2, %mul3A_27 : i32
      "tpu.region"() ({
        %run_scoped3A = tpu.sem_alloc : memref<!tpu.dma_semaphore, #tpu.memory_space<semaphore_mem>>
        %dma_start3A_40 = arith.constant 0 : i32
        %dma_start3A_41 = tpu.memref_slice %arg5[%add3A_28, %dma_start3A_40] : memref<65536x128xf32, #tpu.memory_space<hbm>> -> memref<128x128xf32, #tpu.memory_space<hbm>>
        %dma_start3A_42 = arith.constant 0 : i32
        %dma_start3A_43 = tpu.memref_slice %arg5[%add3A_28, %dma_start3A_42] : memref<65536x128xf32, #tpu.memory_space<hbm>> -> memref<128x128xf32, #tpu.memory_space<hbm>>
        tpu.enqueue_dma source(%arg9 : memref<128x128xf32, #tpu.memory_space<vmem>>) target(%dma_start3A_43 : memref<128x128xf32, #tpu.memory_space<hbm>>) target_semaphore(%run_scoped3A : memref<!tpu.dma_semaphore, #tpu.memory_space<semaphore_mem>>)
        %dma_wait3A_44 = arith.constant 0 : i32
        %dma_wait3A_45 = tpu.memref_slice %arg5[%add3A_28, %dma_wait3A_44] : memref<65536x128xf32, #tpu.memory_space<hbm>> -> memref<128x128xf32, #tpu.memory_space<hbm>>
        %dma_wait3A_46 = arith.constant 0 : i32
        %dma_wait3A_47 = tpu.memref_slice %arg5[%add3A_28, %dma_wait3A_46] : memref<65536x128xf32, #tpu.memory_space<hbm>> -> memref<128x128xf32, #tpu.memory_space<hbm>>
        tpu.wait_dma2 semaphore(%run_scoped3A : memref<!tpu.dma_semaphore, #tpu.memory_space<semaphore_mem>>) src(%arg9 : memref<128x128xf32, #tpu.memory_space<vmem>>) dst(%dma_wait3A_47 : memref<128x128xf32, #tpu.memory_space<hbm>>)
        tpu.yield
      }) : () -> ()
      %lt3A = arith.constant 15 : i32
      %lt3A_29 = arith.cmpi slt, %scan3A_14, %lt3A : i32
      %convert_element_type3A = arith.extui %lt3A_29 : i1 to i32
      %cond3A = arith.constant 0 : i32
      %cond3A_30 = arith.cmpi ne, %convert_element_type3A, %cond3A : i32
      scf.if %cond3A_30 {
        %add3A_40 = arith.constant 1 : i32
        %add3A_41 = arith.addi %scan3A_14, %add3A_40 : i32
        %dma_start3A_42 = arith.constant 0 : i32
        %dma_start3A_43 = tpu.memref_slice %arg7[%add3A_41, %dma_start3A_42] : memref<16x128xi32, #tpu.memory_space<vmem>> -> memref<1x128xi32, #tpu.memory_space<vmem>>
        %dma_start3A_44 = tpu.memref_squeeze %dma_start3A_43 : memref<1x128xi32, #tpu.memory_space<vmem>> -> memref<128xi32, #tpu.memory_space<vmem>>
        %dma_start3A_45 = arith.constant 0 : i32
        %dma_start3A_46 = arith.constant 0 : i32
        %dma_start3A_47 = tpu.memref_slice %arg2[%dma_start3A_45, %dma_start3A_46] : memref<10000x128xf32, #tpu.memory_space<hbm>> -> memref<10000x128xf32, #tpu.memory_space<hbm>>
        tpu.enqueue_indirect_dma source(%dma_start3A_47 : memref<10000x128xf32, #tpu.memory_space<hbm>>) target(%arg9 : memref<128x128xf32, #tpu.memory_space<vmem>>) offsets(%dma_start3A_44 : memref<128xi32, #tpu.memory_space<vmem>>) semaphore(%arg11 : memref<!tpu.dma_semaphore, #tpu.memory_space<semaphore_mem>>)
      } else {
      }
      %dma_wait3A_31 = arith.constant 0 : i32
      %dma_wait3A_32 = tpu.memref_slice %arg8[%scan3A_14, %dma_wait3A_31] : memref<16x128xi32, #tpu.memory_space<vmem>> -> memref<1x128xi32, #tpu.memory_space<vmem>>
      %dma_wait3A_33 = tpu.memref_squeeze %dma_wait3A_32 : memref<1x128xi32, #tpu.memory_space<vmem>> -> memref<128xi32, #tpu.memory_space<vmem>>
      %dma_wait3A_34 = arith.constant 0 : i32
      %dma_wait3A_35 = arith.constant 0 : i32
      %dma_wait3A_36 = tpu.memref_slice %arg2[%dma_wait3A_34, %dma_wait3A_35] : memref<10000x128xf32, #tpu.memory_space<hbm>> -> memref<10000x128xf32, #tpu.memory_space<hbm>>
      tpu.wait_indirect_dma semaphore(%arg12 : memref<!tpu.dma_semaphore, #tpu.memory_space<semaphore_mem>>) src(%dma_wait3A_36 : memref<10000x128xf32, #tpu.memory_space<hbm>>) dst(%arg10 : memref<128x128xf32, #tpu.memory_space<vmem>>)
      %mul3A_37 = arith.constant 128 : i32
      %mul3A_38 = arith.muli %scan3A_14, %mul3A_37 : i32
      %add3A_39 = arith.addi %mul3A_2, %mul3A_38 : i32
      "tpu.region"() ({
        %run_scoped3A = tpu.sem_alloc : memref<!tpu.dma_semaphore, #tpu.memory_space<semaphore_mem>>
        %dma_start3A_40 = arith.constant 0 : i32
        %dma_start3A_41 = tpu.memref_slice %arg6[%add3A_39, %dma_start3A_40] : memref<65536x128xf32, #tpu.memory_space<hbm>> -> memref<128x128xf32, #tpu.memory_space<hbm>>
        %dma_start3A_42 = arith.constant 0 : i32
        %dma_start3A_43 = tpu.memref_slice %arg6[%add3A_39, %dma_start3A_42] : memref<65536x128xf32, #tpu.memory_space<hbm>> -> memref<128x128xf32, #tpu.memory_space<hbm>>
        tpu.enqueue_dma source(%arg10 : memref<128x128xf32, #tpu.memory_space<vmem>>) target(%dma_start3A_43 : memref<128x128xf32, #tpu.memory_space<hbm>>) target_semaphore(%run_scoped3A : memref<!tpu.dma_semaphore, #tpu.memory_space<semaphore_mem>>)
        %dma_wait3A_44 = arith.constant 0 : i32
        %dma_wait3A_45 = tpu.memref_slice %arg6[%add3A_39, %dma_wait3A_44] : memref<65536x128xf32, #tpu.memory_space<hbm>> -> memref<128x128xf32, #tpu.memory_space<hbm>>
        %dma_wait3A_46 = arith.constant 0 : i32
        %dma_wait3A_47 = tpu.memref_slice %arg6[%add3A_39, %dma_wait3A_46] : memref<65536x128xf32, #tpu.memory_space<hbm>> -> memref<128x128xf32, #tpu.memory_space<hbm>>
        tpu.wait_dma2 semaphore(%run_scoped3A : memref<!tpu.dma_semaphore, #tpu.memory_space<semaphore_mem>>) src(%arg10 : memref<128x128xf32, #tpu.memory_space<vmem>>) dst(%dma_wait3A_47 : memref<128x128xf32, #tpu.memory_space<hbm>>)
        tpu.yield
      }) : () -> ()
    }
    %scan3A_13 = arith.constant 16 : i32
    return
  }
}

#map = affine_map<(d0, d1) -> (0, 0)>
#map1 = affine_map<(d0, d1) -> (0, 0, 0)>
module attributes {stable_mosaic.version = 14 : i64} {
  func.func @_sc_agg_body(%arg0: i32, %arg1: i32, %arg2: memref<10000x128xf32, #tpu.memory_space<hbm>>, %arg3: memref<32x180x56xi32, #tpu.memory_space<hbm>>, %arg4: memref<32x180x56xi32, #tpu.memory_space<hbm>>, %arg5: memref<626x128xf32, #tpu.memory_space<hbm>>, %arg6: memref<2x10000x128xf32, #tpu.memory_space<hbm>>, %arg7: memref<180x56xi32, #tpu.memory_space<vmem>>, %arg8: memref<180x56xi32, #tpu.memory_space<vmem>>, %arg9: memref<56x128xf32, #tpu.memory_space<vmem>>, %arg10: memref<56x128xf32, #tpu.memory_space<vmem>>, %arg11: memref<56x128xf32, #tpu.memory_space<vmem>>, %arg12: memref<56x128xf32, #tpu.memory_space<vmem>>, %arg13: memref<10016x128xf32, #tpu.memory_space<vmem_shared>>, %arg14: memref<!tpu.dma_semaphore, #tpu.memory_space<semaphore_mem>>, %arg15: memref<!tpu.dma_semaphore, #tpu.memory_space<semaphore_mem>>, %arg16: memref<!tpu.dma_semaphore, #tpu.memory_space<semaphore_mem>>, %arg17: memref<!tpu.dma_semaphore, #tpu.memory_space<semaphore_mem>>) attributes {dimension_semantics = [#tpu.dimension_semantics<core_parallel>, #tpu.dimension_semantics<subcore_parallel>], iteration_bounds = array<i64: 2, 16>, scalar_prefetch = 0 : i64, scratch_operands = 11 : i64, tpu.core_type = #tpu.core_type<sc_vector_subcore>, window_params = [{transform_indices = #map}, {transform_indices = #map1}, {transform_indices = #map1}, {transform_indices = #map}, {transform_indices = #map1}]} {
    %mul3A = arith.constant 16 : i32
    %mul3A_0 = arith.muli %arg0, %mul3A : i32
    %add3A = arith.addi %mul3A_0, %arg1 : i32
    %eq3A = arith.constant 0 : i32
    %eq3A_1 = arith.cmpi eq, %arg0, %eq3A : i32
    %lt3A = arith.constant 15 : i32
    %lt3A_2 = arith.cmpi slt, %arg1, %lt3A : i32
    %and3A = arith.andi %eq3A_1, %lt3A_2 : i1
    %convert_element_type3A = arith.extui %and3A : i1 to i32
    %cond3A = arith.constant 0 : i32
    %cond3A_3 = arith.cmpi ne, %convert_element_type3A, %cond3A : i32
    scf.if %cond3A_3 {
      %mul3A_54 = arith.constant 626 : i32
      %mul3A_55 = arith.muli %arg1, %mul3A_54 : i32
      %mul3A_56 = arith.constant 626 : i32
      %mul3A_57 = arith.muli %arg1, %mul3A_56 : i32
      "tpu.region"() ({
        %run_scoped3A = tpu.sem_alloc : memref<!tpu.dma_semaphore, #tpu.memory_space<semaphore_mem>>
        %dma_start3A_58 = arith.constant 0 : i32
        %dma_start3A_59 = tpu.memref_slice %arg13[%mul3A_57, %dma_start3A_58] : memref<10016x128xf32, #tpu.memory_space<vmem_shared>> -> memref<626x128xf32, #tpu.memory_space<vmem_shared>>
        %dma_start3A_60 = arith.constant 0 : i32
        %dma_start3A_61 = tpu.memref_slice %arg2[%mul3A_55, %dma_start3A_60] : memref<10000x128xf32, #tpu.memory_space<hbm>> -> memref<626x128xf32, #tpu.memory_space<hbm>>
        tpu.enqueue_dma source(%dma_start3A_61 : memref<626x128xf32, #tpu.memory_space<hbm>>) target(%dma_start3A_59 : memref<626x128xf32, #tpu.memory_space<vmem_shared>>) target_semaphore(%run_scoped3A : memref<!tpu.dma_semaphore, #tpu.memory_space<semaphore_mem>>)
        %dma_wait3A = arith.constant 0 : i32
        %dma_wait3A_62 = tpu.memref_slice %arg13[%mul3A_57, %dma_wait3A] : memref<10016x128xf32, #tpu.memory_space<vmem_shared>> -> memref<626x128xf32, #tpu.memory_space<vmem_shared>>
        %dma_wait3A_63 = arith.constant 0 : i32
        %dma_wait3A_64 = tpu.memref_slice %arg2[%mul3A_55, %dma_wait3A_63] : memref<10000x128xf32, #tpu.memory_space<hbm>> -> memref<626x128xf32, #tpu.memory_space<hbm>>
        tpu.wait_dma2 semaphore(%run_scoped3A : memref<!tpu.dma_semaphore, #tpu.memory_space<semaphore_mem>>) src(%dma_wait3A_64 : memref<626x128xf32, #tpu.memory_space<hbm>>) dst(%dma_wait3A_62 : memref<626x128xf32, #tpu.memory_space<vmem_shared>>)
        tpu.yield
      }) : () -> ()
    } else {
    }
    %eq3A_4 = arith.constant 0 : i32
    %eq3A_5 = arith.cmpi eq, %arg0, %eq3A_4 : i32
    %eq3A_6 = arith.constant 15 : i32
    %eq3A_7 = arith.cmpi eq, %arg1, %eq3A_6 : i32
    %and3A_8 = arith.andi %eq3A_5, %eq3A_7 : i1
    %convert_element_type3A_9 = arith.extui %and3A_8 : i1 to i32
    %cond3A_10 = arith.constant 0 : i32
    %cond3A_11 = arith.cmpi ne, %convert_element_type3A_9, %cond3A_10 : i32
    scf.if %cond3A_11 {
      "tpu.region"() ({
        %run_scoped3A = tpu.sem_alloc : memref<!tpu.dma_semaphore, #tpu.memory_space<semaphore_mem>>
        %dma_start3A_54 = arith.constant 9390 : i32
        %dma_start3A_55 = arith.constant 0 : i32
        %dma_start3A_56 = tpu.memref_slice %arg13[%dma_start3A_54, %dma_start3A_55] : memref<10016x128xf32, #tpu.memory_space<vmem_shared>> -> memref<610x128xf32, #tpu.memory_space<vmem_shared>>
        %dma_start3A_57 = arith.constant 9390 : i32
        %dma_start3A_58 = arith.constant 0 : i32
        %dma_start3A_59 = tpu.memref_slice %arg2[%dma_start3A_57, %dma_start3A_58] : memref<10000x128xf32, #tpu.memory_space<hbm>> -> memref<610x128xf32, #tpu.memory_space<hbm>>
        tpu.enqueue_dma source(%dma_start3A_59 : memref<610x128xf32, #tpu.memory_space<hbm>>) target(%dma_start3A_56 : memref<610x128xf32, #tpu.memory_space<vmem_shared>>) target_semaphore(%run_scoped3A : memref<!tpu.dma_semaphore, #tpu.memory_space<semaphore_mem>>)
        %dma_wait3A = arith.constant 9390 : i32
        %dma_wait3A_60 = arith.constant 0 : i32
        %dma_wait3A_61 = tpu.memref_slice %arg13[%dma_wait3A, %dma_wait3A_60] : memref<10016x128xf32, #tpu.memory_space<vmem_shared>> -> memref<610x128xf32, #tpu.memory_space<vmem_shared>>
        %dma_wait3A_62 = arith.constant 9390 : i32
        %dma_wait3A_63 = arith.constant 0 : i32
        %dma_wait3A_64 = tpu.memref_slice %arg2[%dma_wait3A_62, %dma_wait3A_63] : memref<10000x128xf32, #tpu.memory_space<hbm>> -> memref<610x128xf32, #tpu.memory_space<hbm>>
        tpu.wait_dma2 semaphore(%run_scoped3A : memref<!tpu.dma_semaphore, #tpu.memory_space<semaphore_mem>>) src(%dma_wait3A_64 : memref<610x128xf32, #tpu.memory_space<hbm>>) dst(%dma_wait3A_61 : memref<610x128xf32, #tpu.memory_space<vmem_shared>>)
        tpu.yield
      }) : () -> ()
      "tpu.region"() ({
        %run_scoped3A = tpu.sem_alloc : memref<!tpu.dma_semaphore, #tpu.memory_space<semaphore_mem>>
        %dma_start3A_54 = arith.constant 10000 : i32
        %dma_start3A_55 = arith.constant 0 : i32
        %dma_start3A_56 = tpu.memref_slice %arg13[%dma_start3A_54, %dma_start3A_55] : memref<10016x128xf32, #tpu.memory_space<vmem_shared>> -> memref<16x128xf32, #tpu.memory_space<vmem_shared>>
        %dma_start3A_57 = arith.constant 0 : i32
        %dma_start3A_58 = arith.constant 0 : i32
        %dma_start3A_59 = tpu.memref_slice %arg5[%dma_start3A_57, %dma_start3A_58] : memref<626x128xf32, #tpu.memory_space<hbm>> -> memref<16x128xf32, #tpu.memory_space<hbm>>
        tpu.enqueue_dma source(%dma_start3A_59 : memref<16x128xf32, #tpu.memory_space<hbm>>) target(%dma_start3A_56 : memref<16x128xf32, #tpu.memory_space<vmem_shared>>) target_semaphore(%run_scoped3A : memref<!tpu.dma_semaphore, #tpu.memory_space<semaphore_mem>>)
        %dma_wait3A = arith.constant 10000 : i32
        %dma_wait3A_60 = arith.constant 0 : i32
        %dma_wait3A_61 = tpu.memref_slice %arg13[%dma_wait3A, %dma_wait3A_60] : memref<10016x128xf32, #tpu.memory_space<vmem_shared>> -> memref<16x128xf32, #tpu.memory_space<vmem_shared>>
        %dma_wait3A_62 = arith.constant 0 : i32
        %dma_wait3A_63 = arith.constant 0 : i32
        %dma_wait3A_64 = tpu.memref_slice %arg5[%dma_wait3A_62, %dma_wait3A_63] : memref<626x128xf32, #tpu.memory_space<hbm>> -> memref<16x128xf32, #tpu.memory_space<hbm>>
        tpu.wait_dma2 semaphore(%run_scoped3A : memref<!tpu.dma_semaphore, #tpu.memory_space<semaphore_mem>>) src(%dma_wait3A_64 : memref<16x128xf32, #tpu.memory_space<hbm>>) dst(%dma_wait3A_61 : memref<16x128xf32, #tpu.memory_space<vmem_shared>>)
        tpu.yield
      }) : () -> ()
    } else {
    }
    %eq3A_12 = arith.constant 1 : i32
    %eq3A_13 = arith.cmpi eq, %arg0, %eq3A_12 : i32
    %convert_element_type3A_14 = arith.extui %eq3A_13 : i1 to i32
    %cond3A_15 = arith.constant 0 : i32
    %cond3A_16 = arith.cmpi ne, %convert_element_type3A_14, %cond3A_15 : i32
    scf.if %cond3A_16 {
      %mul3A_54 = arith.constant 626 : i32
      %mul3A_55 = arith.muli %arg1, %mul3A_54 : i32
      "tpu.region"() ({
        %run_scoped3A = tpu.sem_alloc : memref<!tpu.dma_semaphore, #tpu.memory_space<semaphore_mem>>
        %dma_start3A_56 = arith.constant 0 : i32
        %dma_start3A_57 = tpu.memref_slice %arg13[%mul3A_55, %dma_start3A_56] : memref<10016x128xf32, #tpu.memory_space<vmem_shared>> -> memref<626x128xf32, #tpu.memory_space<vmem_shared>>
        tpu.enqueue_dma source(%arg5 : memref<626x128xf32, #tpu.memory_space<hbm>>) target(%dma_start3A_57 : memref<626x128xf32, #tpu.memory_space<vmem_shared>>) target_semaphore(%run_scoped3A : memref<!tpu.dma_semaphore, #tpu.memory_space<semaphore_mem>>)
        %dma_wait3A = arith.constant 0 : i32
        %dma_wait3A_58 = tpu.memref_slice %arg13[%mul3A_55, %dma_wait3A] : memref<10016x128xf32, #tpu.memory_space<vmem_shared>> -> memref<626x128xf32, #tpu.memory_space<vmem_shared>>
        tpu.wait_dma2 semaphore(%run_scoped3A : memref<!tpu.dma_semaphore, #tpu.memory_space<semaphore_mem>>) src(%arg5 : memref<626x128xf32, #tpu.memory_space<hbm>>) dst(%dma_wait3A_58 : memref<626x128xf32, #tpu.memory_space<vmem_shared>>)
        tpu.yield
      }) : () -> ()
    } else {
    }
    "tpu.region"() ({
      %run_scoped3A = tpu.sem_alloc : memref<!tpu.dma_semaphore, #tpu.memory_space<semaphore_mem>>
      %dma_start3A_54 = arith.constant 0 : i32
      %dma_start3A_55 = arith.constant 0 : i32
      %dma_start3A_56 = tpu.memref_slice %arg3[%add3A, %dma_start3A_54, %dma_start3A_55] : memref<32x180x56xi32, #tpu.memory_space<hbm>> -> memref<1x180x56xi32, #tpu.memory_space<hbm>>
      %dma_start3A_57 = tpu.memref_squeeze %dma_start3A_56 : memref<1x180x56xi32, #tpu.memory_space<hbm>> -> memref<180x56xi32, #tpu.memory_space<hbm>>
      %dma_start3A_58 = arith.constant 0 : i32
      %dma_start3A_59 = arith.constant 0 : i32
      %dma_start3A_60 = tpu.memref_slice %arg3[%add3A, %dma_start3A_58, %dma_start3A_59] : memref<32x180x56xi32, #tpu.memory_space<hbm>> -> memref<1x180x56xi32, #tpu.memory_space<hbm>>
      %dma_start3A_61 = tpu.memref_squeeze %dma_start3A_60 : memref<1x180x56xi32, #tpu.memory_space<hbm>> -> memref<180x56xi32, #tpu.memory_space<hbm>>
      tpu.enqueue_dma source(%dma_start3A_61 : memref<180x56xi32, #tpu.memory_space<hbm>>) target(%arg7 : memref<180x56xi32, #tpu.memory_space<vmem>>) target_semaphore(%run_scoped3A : memref<!tpu.dma_semaphore, #tpu.memory_space<semaphore_mem>>)
      %dma_wait3A = arith.constant 0 : i32
      %dma_wait3A_62 = arith.constant 0 : i32
      %dma_wait3A_63 = tpu.memref_slice %arg3[%add3A, %dma_wait3A, %dma_wait3A_62] : memref<32x180x56xi32, #tpu.memory_space<hbm>> -> memref<1x180x56xi32, #tpu.memory_space<hbm>>
      %dma_wait3A_64 = tpu.memref_squeeze %dma_wait3A_63 : memref<1x180x56xi32, #tpu.memory_space<hbm>> -> memref<180x56xi32, #tpu.memory_space<hbm>>
      %dma_wait3A_65 = arith.constant 0 : i32
      %dma_wait3A_66 = arith.constant 0 : i32
      %dma_wait3A_67 = tpu.memref_slice %arg3[%add3A, %dma_wait3A_65, %dma_wait3A_66] : memref<32x180x56xi32, #tpu.memory_space<hbm>> -> memref<1x180x56xi32, #tpu.memory_space<hbm>>
      %dma_wait3A_68 = tpu.memref_squeeze %dma_wait3A_67 : memref<1x180x56xi32, #tpu.memory_space<hbm>> -> memref<180x56xi32, #tpu.memory_space<hbm>>
      tpu.wait_dma2 semaphore(%run_scoped3A : memref<!tpu.dma_semaphore, #tpu.memory_space<semaphore_mem>>) src(%dma_wait3A_68 : memref<180x56xi32, #tpu.memory_space<hbm>>) dst(%arg7 : memref<180x56xi32, #tpu.memory_space<vmem>>)
      tpu.yield
    }) : () -> ()
    "tpu.region"() ({
      %run_scoped3A = tpu.sem_alloc : memref<!tpu.dma_semaphore, #tpu.memory_space<semaphore_mem>>
      %dma_start3A_54 = arith.constant 0 : i32
      %dma_start3A_55 = arith.constant 0 : i32
      %dma_start3A_56 = tpu.memref_slice %arg4[%add3A, %dma_start3A_54, %dma_start3A_55] : memref<32x180x56xi32, #tpu.memory_space<hbm>> -> memref<1x180x56xi32, #tpu.memory_space<hbm>>
      %dma_start3A_57 = tpu.memref_squeeze %dma_start3A_56 : memref<1x180x56xi32, #tpu.memory_space<hbm>> -> memref<180x56xi32, #tpu.memory_space<hbm>>
      %dma_start3A_58 = arith.constant 0 : i32
      %dma_start3A_59 = arith.constant 0 : i32
      %dma_start3A_60 = tpu.memref_slice %arg4[%add3A, %dma_start3A_58, %dma_start3A_59] : memref<32x180x56xi32, #tpu.memory_space<hbm>> -> memref<1x180x56xi32, #tpu.memory_space<hbm>>
      %dma_start3A_61 = tpu.memref_squeeze %dma_start3A_60 : memref<1x180x56xi32, #tpu.memory_space<hbm>> -> memref<180x56xi32, #tpu.memory_space<hbm>>
      tpu.enqueue_dma source(%dma_start3A_61 : memref<180x56xi32, #tpu.memory_space<hbm>>) target(%arg8 : memref<180x56xi32, #tpu.memory_space<vmem>>) target_semaphore(%run_scoped3A : memref<!tpu.dma_semaphore, #tpu.memory_space<semaphore_mem>>)
      %dma_wait3A = arith.constant 0 : i32
      %dma_wait3A_62 = arith.constant 0 : i32
      %dma_wait3A_63 = tpu.memref_slice %arg4[%add3A, %dma_wait3A, %dma_wait3A_62] : memref<32x180x56xi32, #tpu.memory_space<hbm>> -> memref<1x180x56xi32, #tpu.memory_space<hbm>>
      %dma_wait3A_64 = tpu.memref_squeeze %dma_wait3A_63 : memref<1x180x56xi32, #tpu.memory_space<hbm>> -> memref<180x56xi32, #tpu.memory_space<hbm>>
      %dma_wait3A_65 = arith.constant 0 : i32
      %dma_wait3A_66 = arith.constant 0 : i32
      %dma_wait3A_67 = tpu.memref_slice %arg4[%add3A, %dma_wait3A_65, %dma_wait3A_66] : memref<32x180x56xi32, #tpu.memory_space<hbm>> -> memref<1x180x56xi32, #tpu.memory_space<hbm>>
      %dma_wait3A_68 = tpu.memref_squeeze %dma_wait3A_67 : memref<1x180x56xi32, #tpu.memory_space<hbm>> -> memref<180x56xi32, #tpu.memory_space<hbm>>
      tpu.wait_dma2 semaphore(%run_scoped3A : memref<!tpu.dma_semaphore, #tpu.memory_space<semaphore_mem>>) src(%dma_wait3A_68 : memref<180x56xi32, #tpu.memory_space<hbm>>) dst(%arg8 : memref<180x56xi32, #tpu.memory_space<vmem>>)
      tpu.yield
    }) : () -> ()
    %barrier3A = arith.constant 0 : index
    tpu.barrier barrier_id(%barrier3A)
    %dma_start3A = arith.constant 0 : i32
    %dma_start3A_17 = arith.constant 0 : i32
    %dma_start3A_18 = tpu.memref_slice %arg7[%dma_start3A, %dma_start3A_17] : memref<180x56xi32, #tpu.memory_space<vmem>> -> memref<1x56xi32, #tpu.memory_space<vmem>>
    %dma_start3A_19 = tpu.memref_squeeze %dma_start3A_18 : memref<1x56xi32, #tpu.memory_space<vmem>> -> memref<56xi32, #tpu.memory_space<vmem>>
    %dma_start3A_20 = arith.constant 0 : i32
    %dma_start3A_21 = arith.constant 0 : i32
    %dma_start3A_22 = tpu.memref_slice %arg2[%dma_start3A_20, %dma_start3A_21] : memref<10000x128xf32, #tpu.memory_space<hbm>> -> memref<10000x128xf32, #tpu.memory_space<hbm>>
    tpu.enqueue_indirect_dma source(%dma_start3A_22 : memref<10000x128xf32, #tpu.memory_space<hbm>>) target(%arg9 : memref<56x128xf32, #tpu.memory_space<vmem>>) offsets(%dma_start3A_19 : memref<56xi32, #tpu.memory_space<vmem>>) semaphore(%arg14 : memref<!tpu.dma_semaphore, #tpu.memory_space<semaphore_mem>>)
    %dma_start3A_23 = arith.constant 1 : i32
    %dma_start3A_24 = arith.constant 0 : i32
    %dma_start3A_25 = tpu.memref_slice %arg7[%dma_start3A_23, %dma_start3A_24] : memref<180x56xi32, #tpu.memory_space<vmem>> -> memref<1x56xi32, #tpu.memory_space<vmem>>
    %dma_start3A_26 = tpu.memref_squeeze %dma_start3A_25 : memref<1x56xi32, #tpu.memory_space<vmem>> -> memref<56xi32, #tpu.memory_space<vmem>>
    %dma_start3A_27 = arith.constant 0 : i32
    %dma_start3A_28 = arith.constant 0 : i32
    %dma_start3A_29 = tpu.memref_slice %arg2[%dma_start3A_27, %dma_start3A_28] : memref<10000x128xf32, #tpu.memory_space<hbm>> -> memref<10000x128xf32, #tpu.memory_space<hbm>>
    tpu.enqueue_indirect_dma source(%dma_start3A_29 : memref<10000x128xf32, #tpu.memory_space<hbm>>) target(%arg10 : memref<56x128xf32, #tpu.memory_space<vmem>>) offsets(%dma_start3A_26 : memref<56xi32, #tpu.memory_space<vmem>>) semaphore(%arg15 : memref<!tpu.dma_semaphore, #tpu.memory_space<semaphore_mem>>)
    %dma_start3A_30 = arith.constant 2 : i32
    %dma_start3A_31 = arith.constant 0 : i32
    %dma_start3A_32 = tpu.memref_slice %arg7[%dma_start3A_30, %dma_start3A_31] : memref<180x56xi32, #tpu.memory_space<vmem>> -> memref<1x56xi32, #tpu.memory_space<vmem>>
    %dma_start3A_33 = tpu.memref_squeeze %dma_start3A_32 : memref<1x56xi32, #tpu.memory_space<vmem>> -> memref<56xi32, #tpu.memory_space<vmem>>
    %dma_start3A_34 = arith.constant 0 : i32
    %dma_start3A_35 = arith.constant 0 : i32
    %dma_start3A_36 = tpu.memref_slice %arg2[%dma_start3A_34, %dma_start3A_35] : memref<10000x128xf32, #tpu.memory_space<hbm>> -> memref<10000x128xf32, #tpu.memory_space<hbm>>
    tpu.enqueue_indirect_dma source(%dma_start3A_36 : memref<10000x128xf32, #tpu.memory_space<hbm>>) target(%arg11 : memref<56x128xf32, #tpu.memory_space<vmem>>) offsets(%dma_start3A_33 : memref<56xi32, #tpu.memory_space<vmem>>) semaphore(%arg16 : memref<!tpu.dma_semaphore, #tpu.memory_space<semaphore_mem>>)
    %dma_start3A_37 = arith.constant 3 : i32
    %dma_start3A_38 = arith.constant 0 : i32
    %dma_start3A_39 = tpu.memref_slice %arg7[%dma_start3A_37, %dma_start3A_38] : memref<180x56xi32, #tpu.memory_space<vmem>> -> memref<1x56xi32, #tpu.memory_space<vmem>>
    %dma_start3A_40 = tpu.memref_squeeze %dma_start3A_39 : memref<1x56xi32, #tpu.memory_space<vmem>> -> memref<56xi32, #tpu.memory_space<vmem>>
    %dma_start3A_41 = arith.constant 0 : i32
    %dma_start3A_42 = arith.constant 0 : i32
    %dma_start3A_43 = tpu.memref_slice %arg2[%dma_start3A_41, %dma_start3A_42] : memref<10000x128xf32, #tpu.memory_space<hbm>> -> memref<10000x128xf32, #tpu.memory_space<hbm>>
    tpu.enqueue_indirect_dma source(%dma_start3A_43 : memref<10000x128xf32, #tpu.memory_space<hbm>>) target(%arg12 : memref<56x128xf32, #tpu.memory_space<vmem>>) offsets(%dma_start3A_40 : memref<56xi32, #tpu.memory_space<vmem>>) semaphore(%arg17 : memref<!tpu.dma_semaphore, #tpu.memory_space<semaphore_mem>>)
    %scan3A = arith.constant 0 : i32
    %scan3A_44 = arith.constant 0 : i32
    %scan3A_45 = arith.constant 45 : i32
    %scan3A_46 = arith.addi %scan3A_44, %scan3A_45 : i32
    %scan3A_47 = arith.constant 1 : i32
    scf.for %scan3A_54 = %scan3A_44 to %scan3A_46 step %scan3A_47  : i32 {
      %mul3A_55 = arith.constant 4 : i32
      %mul3A_56 = arith.muli %mul3A_55, %scan3A_54 : i32
      %add3A_57 = arith.constant 0 : i32
      %add3A_58 = arith.addi %mul3A_56, %add3A_57 : i32
      %dma_wait3A = arith.constant 0 : i32
      %dma_wait3A_59 = tpu.memref_slice %arg7[%add3A_58, %dma_wait3A] : memref<180x56xi32, #tpu.memory_space<vmem>> -> memref<1x56xi32, #tpu.memory_space<vmem>>
      %dma_wait3A_60 = tpu.memref_squeeze %dma_wait3A_59 : memref<1x56xi32, #tpu.memory_space<vmem>> -> memref<56xi32, #tpu.memory_space<vmem>>
      %dma_wait3A_61 = arith.constant 0 : i32
      %dma_wait3A_62 = arith.constant 0 : i32
      %dma_wait3A_63 = tpu.memref_slice %arg2[%dma_wait3A_61, %dma_wait3A_62] : memref<10000x128xf32, #tpu.memory_space<hbm>> -> memref<10000x128xf32, #tpu.memory_space<hbm>>
      tpu.wait_indirect_dma semaphore(%arg14 : memref<!tpu.dma_semaphore, #tpu.memory_space<semaphore_mem>>) src(%dma_wait3A_63 : memref<10000x128xf32, #tpu.memory_space<hbm>>) dst(%arg9 : memref<56x128xf32, #tpu.memory_space<vmem>>)
      "tpu.region"() ({
        %run_scoped3A = tpu.sem_alloc : memref<!tpu.dma_semaphore, #tpu.memory_space<semaphore_mem>>
        %dma_start3A_122 = arith.constant 0 : i32
        %dma_start3A_123 = tpu.memref_slice %arg8[%add3A_58, %dma_start3A_122] : memref<180x56xi32, #tpu.memory_space<vmem>> -> memref<1x56xi32, #tpu.memory_space<vmem>>
        %dma_start3A_124 = tpu.memref_squeeze %dma_start3A_123 : memref<1x56xi32, #tpu.memory_space<vmem>> -> memref<56xi32, #tpu.memory_space<vmem>>
        %dma_start3A_125 = arith.constant 0 : i32
        %dma_start3A_126 = arith.constant 0 : i32
        %dma_start3A_127 = tpu.memref_slice %arg13[%dma_start3A_125, %dma_start3A_126] : memref<10016x128xf32, #tpu.memory_space<vmem_shared>> -> memref<10016x128xf32, #tpu.memory_space<vmem_shared>>
        tpu.enqueue_indirect_dma source(%arg9 : memref<56x128xf32, #tpu.memory_space<vmem>>) target(%dma_start3A_127 : memref<10016x128xf32, #tpu.memory_space<vmem_shared>>) offsets(%dma_start3A_124 : memref<56xi32, #tpu.memory_space<vmem>>) semaphore(%run_scoped3A : memref<!tpu.dma_semaphore, #tpu.memory_space<semaphore_mem>>) {add = true}
        %dma_wait3A_128 = arith.constant 0 : i32
        %dma_wait3A_129 = tpu.memref_slice %arg8[%add3A_58, %dma_wait3A_128] : memref<180x56xi32, #tpu.memory_space<vmem>> -> memref<1x56xi32, #tpu.memory_space<vmem>>
        %dma_wait3A_130 = tpu.memref_squeeze %dma_wait3A_129 : memref<1x56xi32, #tpu.memory_space<vmem>> -> memref<56xi32, #tpu.memory_space<vmem>>
        %dma_wait3A_131 = arith.constant 0 : i32
        %dma_wait3A_132 = arith.constant 0 : i32
        %dma_wait3A_133 = tpu.memref_slice %arg13[%dma_wait3A_131, %dma_wait3A_132] : memref<10016x128xf32, #tpu.memory_space<vmem_shared>> -> memref<10016x128xf32, #tpu.memory_space<vmem_shared>>
        tpu.wait_indirect_dma semaphore(%run_scoped3A : memref<!tpu.dma_semaphore, #tpu.memory_space<semaphore_mem>>) src(%arg9 : memref<56x128xf32, #tpu.memory_space<vmem>>) dst(%dma_wait3A_133 : memref<10016x128xf32, #tpu.memory_space<vmem_shared>>)
        tpu.yield
      }) : () -> ()
      %add3A_64 = arith.constant 4 : i32
      %add3A_65 = arith.addi %add3A_58, %add3A_64 : i32
      %lt3A_66 = arith.constant 180 : i32
      %lt3A_67 = arith.cmpi slt, %add3A_65, %lt3A_66 : i32
      %convert_element_type3A_68 = arith.extui %lt3A_67 : i1 to i32
      %cond3A_69 = arith.constant 0 : i32
      %cond3A_70 = arith.cmpi ne, %convert_element_type3A_68, %cond3A_69 : i32
      scf.if %cond3A_70 {
        %add3A_122 = arith.constant 4 : i32
        %add3A_123 = arith.addi %add3A_58, %add3A_122 : i32
        %dma_start3A_124 = arith.constant 0 : i32
        %dma_start3A_125 = tpu.memref_slice %arg7[%add3A_123, %dma_start3A_124] : memref<180x56xi32, #tpu.memory_space<vmem>> -> memref<1x56xi32, #tpu.memory_space<vmem>>
        %dma_start3A_126 = tpu.memref_squeeze %dma_start3A_125 : memref<1x56xi32, #tpu.memory_space<vmem>> -> memref<56xi32, #tpu.memory_space<vmem>>
        %dma_start3A_127 = arith.constant 0 : i32
        %dma_start3A_128 = arith.constant 0 : i32
        %dma_start3A_129 = tpu.memref_slice %arg2[%dma_start3A_127, %dma_start3A_128] : memref<10000x128xf32, #tpu.memory_space<hbm>> -> memref<10000x128xf32, #tpu.memory_space<hbm>>
        tpu.enqueue_indirect_dma source(%dma_start3A_129 : memref<10000x128xf32, #tpu.memory_space<hbm>>) target(%arg9 : memref<56x128xf32, #tpu.memory_space<vmem>>) offsets(%dma_start3A_126 : memref<56xi32, #tpu.memory_space<vmem>>) semaphore(%arg14 : memref<!tpu.dma_semaphore, #tpu.memory_space<semaphore_mem>>)
      } else {
      }
      %mul3A_71 = arith.constant 4 : i32
      %mul3A_72 = arith.muli %mul3A_71, %scan3A_54 : i32
      %add3A_73 = arith.constant 1 : i32
      %add3A_74 = arith.addi %mul3A_72, %add3A_73 : i32
      %dma_wait3A_75 = arith.constant 0 : i32
      %dma_wait3A_76 = tpu.memref_slice %arg7[%add3A_74, %dma_wait3A_75] : memref<180x56xi32, #tpu.memory_space<vmem>> -> memref<1x56xi32, #tpu.memory_space<vmem>>
      %dma_wait3A_77 = tpu.memref_squeeze %dma_wait3A_76 : memref<1x56xi32, #tpu.memory_space<vmem>> -> memref<56xi32, #tpu.memory_space<vmem>>
      %dma_wait3A_78 = arith.constant 0 : i32
      %dma_wait3A_79 = arith.constant 0 : i32
      %dma_wait3A_80 = tpu.memref_slice %arg2[%dma_wait3A_78, %dma_wait3A_79] : memref<10000x128xf32, #tpu.memory_space<hbm>> -> memref<10000x128xf32, #tpu.memory_space<hbm>>
      tpu.wait_indirect_dma semaphore(%arg15 : memref<!tpu.dma_semaphore, #tpu.memory_space<semaphore_mem>>) src(%dma_wait3A_80 : memref<10000x128xf32, #tpu.memory_space<hbm>>) dst(%arg10 : memref<56x128xf32, #tpu.memory_space<vmem>>)
      "tpu.region"() ({
        %run_scoped3A = tpu.sem_alloc : memref<!tpu.dma_semaphore, #tpu.memory_space<semaphore_mem>>
        %dma_start3A_122 = arith.constant 0 : i32
        %dma_start3A_123 = tpu.memref_slice %arg8[%add3A_74, %dma_start3A_122] : memref<180x56xi32, #tpu.memory_space<vmem>> -> memref<1x56xi32, #tpu.memory_space<vmem>>
        %dma_start3A_124 = tpu.memref_squeeze %dma_start3A_123 : memref<1x56xi32, #tpu.memory_space<vmem>> -> memref<56xi32, #tpu.memory_space<vmem>>
        %dma_start3A_125 = arith.constant 0 : i32
        %dma_start3A_126 = arith.constant 0 : i32
        %dma_start3A_127 = tpu.memref_slice %arg13[%dma_start3A_125, %dma_start3A_126] : memref<10016x128xf32, #tpu.memory_space<vmem_shared>> -> memref<10016x128xf32, #tpu.memory_space<vmem_shared>>
        tpu.enqueue_indirect_dma source(%arg10 : memref<56x128xf32, #tpu.memory_space<vmem>>) target(%dma_start3A_127 : memref<10016x128xf32, #tpu.memory_space<vmem_shared>>) offsets(%dma_start3A_124 : memref<56xi32, #tpu.memory_space<vmem>>) semaphore(%run_scoped3A : memref<!tpu.dma_semaphore, #tpu.memory_space<semaphore_mem>>) {add = true}
        %dma_wait3A_128 = arith.constant 0 : i32
        %dma_wait3A_129 = tpu.memref_slice %arg8[%add3A_74, %dma_wait3A_128] : memref<180x56xi32, #tpu.memory_space<vmem>> -> memref<1x56xi32, #tpu.memory_space<vmem>>
        %dma_wait3A_130 = tpu.memref_squeeze %dma_wait3A_129 : memref<1x56xi32, #tpu.memory_space<vmem>> -> memref<56xi32, #tpu.memory_space<vmem>>
        %dma_wait3A_131 = arith.constant 0 : i32
        %dma_wait3A_132 = arith.constant 0 : i32
        %dma_wait3A_133 = tpu.memref_slice %arg13[%dma_wait3A_131, %dma_wait3A_132] : memref<10016x128xf32, #tpu.memory_space<vmem_shared>> -> memref<10016x128xf32, #tpu.memory_space<vmem_shared>>
        tpu.wait_indirect_dma semaphore(%run_scoped3A : memref<!tpu.dma_semaphore, #tpu.memory_space<semaphore_mem>>) src(%arg10 : memref<56x128xf32, #tpu.memory_space<vmem>>) dst(%dma_wait3A_133 : memref<10016x128xf32, #tpu.memory_space<vmem_shared>>)
        tpu.yield
      }) : () -> ()
      %add3A_81 = arith.constant 4 : i32
      %add3A_82 = arith.addi %add3A_74, %add3A_81 : i32
      %lt3A_83 = arith.constant 180 : i32
      %lt3A_84 = arith.cmpi slt, %add3A_82, %lt3A_83 : i32
      %convert_element_type3A_85 = arith.extui %lt3A_84 : i1 to i32
      %cond3A_86 = arith.constant 0 : i32
      %cond3A_87 = arith.cmpi ne, %convert_element_type3A_85, %cond3A_86 : i32
      scf.if %cond3A_87 {
        %add3A_122 = arith.constant 4 : i32
        %add3A_123 = arith.addi %add3A_74, %add3A_122 : i32
        %dma_start3A_124 = arith.constant 0 : i32
        %dma_start3A_125 = tpu.memref_slice %arg7[%add3A_123, %dma_start3A_124] : memref<180x56xi32, #tpu.memory_space<vmem>> -> memref<1x56xi32, #tpu.memory_space<vmem>>
        %dma_start3A_126 = tpu.memref_squeeze %dma_start3A_125 : memref<1x56xi32, #tpu.memory_space<vmem>> -> memref<56xi32, #tpu.memory_space<vmem>>
        %dma_start3A_127 = arith.constant 0 : i32
        %dma_start3A_128 = arith.constant 0 : i32
        %dma_start3A_129 = tpu.memref_slice %arg2[%dma_start3A_127, %dma_start3A_128] : memref<10000x128xf32, #tpu.memory_space<hbm>> -> memref<10000x128xf32, #tpu.memory_space<hbm>>
        tpu.enqueue_indirect_dma source(%dma_start3A_129 : memref<10000x128xf32, #tpu.memory_space<hbm>>) target(%arg10 : memref<56x128xf32, #tpu.memory_space<vmem>>) offsets(%dma_start3A_126 : memref<56xi32, #tpu.memory_space<vmem>>) semaphore(%arg15 : memref<!tpu.dma_semaphore, #tpu.memory_space<semaphore_mem>>)
      } else {
      }
      %mul3A_88 = arith.constant 4 : i32
      %mul3A_89 = arith.muli %mul3A_88, %scan3A_54 : i32
      %add3A_90 = arith.constant 2 : i32
      %add3A_91 = arith.addi %mul3A_89, %add3A_90 : i32
      %dma_wait3A_92 = arith.constant 0 : i32
      %dma_wait3A_93 = tpu.memref_slice %arg7[%add3A_91, %dma_wait3A_92] : memref<180x56xi32, #tpu.memory_space<vmem>> -> memref<1x56xi32, #tpu.memory_space<vmem>>
      %dma_wait3A_94 = tpu.memref_squeeze %dma_wait3A_93 : memref<1x56xi32, #tpu.memory_space<vmem>> -> memref<56xi32, #tpu.memory_space<vmem>>
      %dma_wait3A_95 = arith.constant 0 : i32
      %dma_wait3A_96 = arith.constant 0 : i32
      %dma_wait3A_97 = tpu.memref_slice %arg2[%dma_wait3A_95, %dma_wait3A_96] : memref<10000x128xf32, #tpu.memory_space<hbm>> -> memref<10000x128xf32, #tpu.memory_space<hbm>>
      tpu.wait_indirect_dma semaphore(%arg16 : memref<!tpu.dma_semaphore, #tpu.memory_space<semaphore_mem>>) src(%dma_wait3A_97 : memref<10000x128xf32, #tpu.memory_space<hbm>>) dst(%arg11 : memref<56x128xf32, #tpu.memory_space<vmem>>)
      "tpu.region"() ({
        %run_scoped3A = tpu.sem_alloc : memref<!tpu.dma_semaphore, #tpu.memory_space<semaphore_mem>>
        %dma_start3A_122 = arith.constant 0 : i32
        %dma_start3A_123 = tpu.memref_slice %arg8[%add3A_91, %dma_start3A_122] : memref<180x56xi32, #tpu.memory_space<vmem>> -> memref<1x56xi32, #tpu.memory_space<vmem>>
        %dma_start3A_124 = tpu.memref_squeeze %dma_start3A_123 : memref<1x56xi32, #tpu.memory_space<vmem>> -> memref<56xi32, #tpu.memory_space<vmem>>
        %dma_start3A_125 = arith.constant 0 : i32
        %dma_start3A_126 = arith.constant 0 : i32
        %dma_start3A_127 = tpu.memref_slice %arg13[%dma_start3A_125, %dma_start3A_126] : memref<10016x128xf32, #tpu.memory_space<vmem_shared>> -> memref<10016x128xf32, #tpu.memory_space<vmem_shared>>
        tpu.enqueue_indirect_dma source(%arg11 : memref<56x128xf32, #tpu.memory_space<vmem>>) target(%dma_start3A_127 : memref<10016x128xf32, #tpu.memory_space<vmem_shared>>) offsets(%dma_start3A_124 : memref<56xi32, #tpu.memory_space<vmem>>) semaphore(%run_scoped3A : memref<!tpu.dma_semaphore, #tpu.memory_space<semaphore_mem>>) {add = true}
        %dma_wait3A_128 = arith.constant 0 : i32
        %dma_wait3A_129 = tpu.memref_slice %arg8[%add3A_91, %dma_wait3A_128] : memref<180x56xi32, #tpu.memory_space<vmem>> -> memref<1x56xi32, #tpu.memory_space<vmem>>
        %dma_wait3A_130 = tpu.memref_squeeze %dma_wait3A_129 : memref<1x56xi32, #tpu.memory_space<vmem>> -> memref<56xi32, #tpu.memory_space<vmem>>
        %dma_wait3A_131 = arith.constant 0 : i32
        %dma_wait3A_132 = arith.constant 0 : i32
        %dma_wait3A_133 = tpu.memref_slice %arg13[%dma_wait3A_131, %dma_wait3A_132] : memref<10016x128xf32, #tpu.memory_space<vmem_shared>> -> memref<10016x128xf32, #tpu.memory_space<vmem_shared>>
        tpu.wait_indirect_dma semaphore(%run_scoped3A : memref<!tpu.dma_semaphore, #tpu.memory_space<semaphore_mem>>) src(%arg11 : memref<56x128xf32, #tpu.memory_space<vmem>>) dst(%dma_wait3A_133 : memref<10016x128xf32, #tpu.memory_space<vmem_shared>>)
        tpu.yield
      }) : () -> ()
      %add3A_98 = arith.constant 4 : i32
      %add3A_99 = arith.addi %add3A_91, %add3A_98 : i32
      %lt3A_100 = arith.constant 180 : i32
      %lt3A_101 = arith.cmpi slt, %add3A_99, %lt3A_100 : i32
      %convert_element_type3A_102 = arith.extui %lt3A_101 : i1 to i32
      %cond3A_103 = arith.constant 0 : i32
      %cond3A_104 = arith.cmpi ne, %convert_element_type3A_102, %cond3A_103 : i32
      scf.if %cond3A_104 {
        %add3A_122 = arith.constant 4 : i32
        %add3A_123 = arith.addi %add3A_91, %add3A_122 : i32
        %dma_start3A_124 = arith.constant 0 : i32
        %dma_start3A_125 = tpu.memref_slice %arg7[%add3A_123, %dma_start3A_124] : memref<180x56xi32, #tpu.memory_space<vmem>> -> memref<1x56xi32, #tpu.memory_space<vmem>>
        %dma_start3A_126 = tpu.memref_squeeze %dma_start3A_125 : memref<1x56xi32, #tpu.memory_space<vmem>> -> memref<56xi32, #tpu.memory_space<vmem>>
        %dma_start3A_127 = arith.constant 0 : i32
        %dma_start3A_128 = arith.constant 0 : i32
        %dma_start3A_129 = tpu.memref_slice %arg2[%dma_start3A_127, %dma_start3A_128] : memref<10000x128xf32, #tpu.memory_space<hbm>> -> memref<10000x128xf32, #tpu.memory_space<hbm>>
        tpu.enqueue_indirect_dma source(%dma_start3A_129 : memref<10000x128xf32, #tpu.memory_space<hbm>>) target(%arg11 : memref<56x128xf32, #tpu.memory_space<vmem>>) offsets(%dma_start3A_126 : memref<56xi32, #tpu.memory_space<vmem>>) semaphore(%arg16 : memref<!tpu.dma_semaphore, #tpu.memory_space<semaphore_mem>>)
      } else {
      }
      %mul3A_105 = arith.constant 4 : i32
      %mul3A_106 = arith.muli %mul3A_105, %scan3A_54 : i32
      %add3A_107 = arith.constant 3 : i32
      %add3A_108 = arith.addi %mul3A_106, %add3A_107 : i32
      %dma_wait3A_109 = arith.constant 0 : i32
      %dma_wait3A_110 = tpu.memref_slice %arg7[%add3A_108, %dma_wait3A_109] : memref<180x56xi32, #tpu.memory_space<vmem>> -> memref<1x56xi32, #tpu.memory_space<vmem>>
      %dma_wait3A_111 = tpu.memref_squeeze %dma_wait3A_110 : memref<1x56xi32, #tpu.memory_space<vmem>> -> memref<56xi32, #tpu.memory_space<vmem>>
      %dma_wait3A_112 = arith.constant 0 : i32
      %dma_wait3A_113 = arith.constant 0 : i32
      %dma_wait3A_114 = tpu.memref_slice %arg2[%dma_wait3A_112, %dma_wait3A_113] : memref<10000x128xf32, #tpu.memory_space<hbm>> -> memref<10000x128xf32, #tpu.memory_space<hbm>>
      tpu.wait_indirect_dma semaphore(%arg17 : memref<!tpu.dma_semaphore, #tpu.memory_space<semaphore_mem>>) src(%dma_wait3A_114 : memref<10000x128xf32, #tpu.memory_space<hbm>>) dst(%arg12 : memref<56x128xf32, #tpu.memory_space<vmem>>)
      "tpu.region"() ({
        %run_scoped3A = tpu.sem_alloc : memref<!tpu.dma_semaphore, #tpu.memory_space<semaphore_mem>>
        %dma_start3A_122 = arith.constant 0 : i32
        %dma_start3A_123 = tpu.memref_slice %arg8[%add3A_108, %dma_start3A_122] : memref<180x56xi32, #tpu.memory_space<vmem>> -> memref<1x56xi32, #tpu.memory_space<vmem>>
        %dma_start3A_124 = tpu.memref_squeeze %dma_start3A_123 : memref<1x56xi32, #tpu.memory_space<vmem>> -> memref<56xi32, #tpu.memory_space<vmem>>
        %dma_start3A_125 = arith.constant 0 : i32
        %dma_start3A_126 = arith.constant 0 : i32
        %dma_start3A_127 = tpu.memref_slice %arg13[%dma_start3A_125, %dma_start3A_126] : memref<10016x128xf32, #tpu.memory_space<vmem_shared>> -> memref<10016x128xf32, #tpu.memory_space<vmem_shared>>
        tpu.enqueue_indirect_dma source(%arg12 : memref<56x128xf32, #tpu.memory_space<vmem>>) target(%dma_start3A_127 : memref<10016x128xf32, #tpu.memory_space<vmem_shared>>) offsets(%dma_start3A_124 : memref<56xi32, #tpu.memory_space<vmem>>) semaphore(%run_scoped3A : memref<!tpu.dma_semaphore, #tpu.memory_space<semaphore_mem>>) {add = true}
        %dma_wait3A_128 = arith.constant 0 : i32
        %dma_wait3A_129 = tpu.memref_slice %arg8[%add3A_108, %dma_wait3A_128] : memref<180x56xi32, #tpu.memory_space<vmem>> -> memref<1x56xi32, #tpu.memory_space<vmem>>
        %dma_wait3A_130 = tpu.memref_squeeze %dma_wait3A_129 : memref<1x56xi32, #tpu.memory_space<vmem>> -> memref<56xi32, #tpu.memory_space<vmem>>
        %dma_wait3A_131 = arith.constant 0 : i32
        %dma_wait3A_132 = arith.constant 0 : i32
        %dma_wait3A_133 = tpu.memref_slice %arg13[%dma_wait3A_131, %dma_wait3A_132] : memref<10016x128xf32, #tpu.memory_space<vmem_shared>> -> memref<10016x128xf32, #tpu.memory_space<vmem_shared>>
        tpu.wait_indirect_dma semaphore(%run_scoped3A : memref<!tpu.dma_semaphore, #tpu.memory_space<semaphore_mem>>) src(%arg12 : memref<56x128xf32, #tpu.memory_space<vmem>>) dst(%dma_wait3A_133 : memref<10016x128xf32, #tpu.memory_space<vmem_shared>>)
        tpu.yield
      }) : () -> ()
      %add3A_115 = arith.constant 4 : i32
      %add3A_116 = arith.addi %add3A_108, %add3A_115 : i32
      %lt3A_117 = arith.constant 180 : i32
      %lt3A_118 = arith.cmpi slt, %add3A_116, %lt3A_117 : i32
      %convert_element_type3A_119 = arith.extui %lt3A_118 : i1 to i32
      %cond3A_120 = arith.constant 0 : i32
      %cond3A_121 = arith.cmpi ne, %convert_element_type3A_119, %cond3A_120 : i32
      scf.if %cond3A_121 {
        %add3A_122 = arith.constant 4 : i32
        %add3A_123 = arith.addi %add3A_108, %add3A_122 : i32
        %dma_start3A_124 = arith.constant 0 : i32
        %dma_start3A_125 = tpu.memref_slice %arg7[%add3A_123, %dma_start3A_124] : memref<180x56xi32, #tpu.memory_space<vmem>> -> memref<1x56xi32, #tpu.memory_space<vmem>>
        %dma_start3A_126 = tpu.memref_squeeze %dma_start3A_125 : memref<1x56xi32, #tpu.memory_space<vmem>> -> memref<56xi32, #tpu.memory_space<vmem>>
        %dma_start3A_127 = arith.constant 0 : i32
        %dma_start3A_128 = arith.constant 0 : i32
        %dma_start3A_129 = tpu.memref_slice %arg2[%dma_start3A_127, %dma_start3A_128] : memref<10000x128xf32, #tpu.memory_space<hbm>> -> memref<10000x128xf32, #tpu.memory_space<hbm>>
        tpu.enqueue_indirect_dma source(%dma_start3A_129 : memref<10000x128xf32, #tpu.memory_space<hbm>>) target(%arg12 : memref<56x128xf32, #tpu.memory_space<vmem>>) offsets(%dma_start3A_126 : memref<56xi32, #tpu.memory_space<vmem>>) semaphore(%arg17 : memref<!tpu.dma_semaphore, #tpu.memory_space<semaphore_mem>>)
      } else {
      }
    }
    %scan3A_48 = arith.constant 45 : i32
    %barrier3A_49 = arith.constant 0 : index
    tpu.barrier barrier_id(%barrier3A_49)
    %mul3A_50 = arith.constant 625 : i32
    %mul3A_51 = arith.muli %arg1, %mul3A_50 : i32
    %mul3A_52 = arith.constant 625 : i32
    %mul3A_53 = arith.muli %arg1, %mul3A_52 : i32
    "tpu.region"() ({
      %run_scoped3A = tpu.sem_alloc : memref<!tpu.dma_semaphore, #tpu.memory_space<semaphore_mem>>
      %dma_start3A_54 = arith.constant 0 : i32
      %dma_start3A_55 = tpu.memref_slice %arg6[%arg0, %mul3A_53, %dma_start3A_54] : memref<2x10000x128xf32, #tpu.memory_space<hbm>> -> memref<1x625x128xf32, #tpu.memory_space<hbm>>
      %dma_start3A_56 = tpu.memref_squeeze %dma_start3A_55 : memref<1x625x128xf32, #tpu.memory_space<hbm>> -> memref<625x128xf32, #tpu.memory_space<hbm>>
      %dma_start3A_57 = arith.constant 0 : i32
      %dma_start3A_58 = tpu.memref_slice %arg13[%mul3A_51, %dma_start3A_57] : memref<10016x128xf32, #tpu.memory_space<vmem_shared>> -> memref<625x128xf32, #tpu.memory_space<vmem_shared>>
      tpu.enqueue_dma source(%dma_start3A_58 : memref<625x128xf32, #tpu.memory_space<vmem_shared>>) target(%dma_start3A_56 : memref<625x128xf32, #tpu.memory_space<hbm>>) target_semaphore(%run_scoped3A : memref<!tpu.dma_semaphore, #tpu.memory_space<semaphore_mem>>)
      %dma_wait3A = arith.constant 0 : i32
      %dma_wait3A_59 = tpu.memref_slice %arg6[%arg0, %mul3A_53, %dma_wait3A] : memref<2x10000x128xf32, #tpu.memory_space<hbm>> -> memref<1x625x128xf32, #tpu.memory_space<hbm>>
      %dma_wait3A_60 = tpu.memref_squeeze %dma_wait3A_59 : memref<1x625x128xf32, #tpu.memory_space<hbm>> -> memref<625x128xf32, #tpu.memory_space<hbm>>
      %dma_wait3A_61 = arith.constant 0 : i32
      %dma_wait3A_62 = tpu.memref_slice %arg13[%mul3A_51, %dma_wait3A_61] : memref<10016x128xf32, #tpu.memory_space<vmem_shared>> -> memref<625x128xf32, #tpu.memory_space<vmem_shared>>
      tpu.wait_dma2 semaphore(%run_scoped3A : memref<!tpu.dma_semaphore, #tpu.memory_space<semaphore_mem>>) src(%dma_wait3A_62 : memref<625x128xf32, #tpu.memory_space<vmem_shared>>) dst(%dma_wait3A_60 : memref<625x128xf32, #tpu.memory_space<hbm>>)
      tpu.yield
    }) : () -> ()
    return
  }
}

module attributes {stable_mosaic.version = 14 : i64} {
  func.func @_conv0_body(%arg0: i32, %arg1: memref<2000x128xf32, #tpu.memory_space<vmem>>, %arg2: memref<2000x32xf32, #tpu.memory_space<vmem>>, %arg3: memref<128x128xf32, #tpu.memory_space<vmem>>, %arg4: memref<2000x128xf32, #tpu.memory_space<vmem>>, %arg5: memref<2000x1xf32, #tpu.memory_space<vmem>>) attributes {dimension_semantics = [#tpu.dimension_semantics<arbitrary>], iteration_bounds = array<i64: 5>, scalar_prefetch = 0 : i64, scratch_operands = 0 : i64, tpu.core_type = #tpu.core_type<tc>, window_params = [{transform_indices = @transform_0, window_bounds = array<i64: 2000, 128>}, {transform_indices = @transform_1, window_bounds = array<i64: 2000, 32>}, {pipeline_mode = #tpu.pipeline_mode<synchronous>, transform_indices = @transform_2, window_bounds = array<i64: 128, 128>}, {transform_indices = @transform_3, window_bounds = array<i64: 2000, 128>}, {transform_indices = @transform_4, window_bounds = array<i64: 2000, 1>}]} {
    %get3A = arith.constant 0 : index
    %get3A_0 = arith.constant 0 : index
    %get3A_1 = vector.load %arg2[%get3A, %get3A_0] : memref<2000x32xf32, #tpu.memory_space<vmem>>, vector<2000x32xf32>
    %reduce_sum3A = arith.constant dense<0.000000e+00> : vector<2000xf32>
    %reduce_sum3A_2 = vector.multi_reduction <add>, %get3A_1, %reduce_sum3A [1] : vector<2000x32xf32> to vector<2000xf32>
    %add3A = arith.constant 1.000000e+00 : f32
    %add3A_3 = vector.broadcast %add3A : f32 to vector<2000xf32>
    %add3A_4 = arith.addf %reduce_sum3A_2, %add3A_3 : vector<2000xf32>
    %rsqrt3A = math.rsqrt %add3A_4 : vector<2000xf32>
    %broadcast_in_dim3A = vector.shape_cast %rsqrt3A : vector<2000xf32> to vector<2000x1xf32>
    %swap3A = arith.constant 0 : index
    %swap3A_5 = arith.constant 0 : index
    %swap3A_6 = vector.load %arg5[%swap3A, %swap3A_5] : memref<2000x1xf32, #tpu.memory_space<vmem>>, vector<2000x1xf32>
    tpu.vector_store %arg5[%swap3A, %swap3A_5], %broadcast_in_dim3A {strides = array<i32>} : memref<2000x1xf32, #tpu.memory_space<vmem>>, vector<2000x1xf32>,
    %get3A_7 = arith.constant 0 : index
    %get3A_8 = arith.constant 0 : index
    %get3A_9 = vector.load %arg1[%get3A_7, %get3A_8] : memref<2000x128xf32, #tpu.memory_space<vmem>>, vector<2000x128xf32>
    %get3A_10 = arith.constant 0 : index
    %get3A_11 = arith.constant 0 : index
    %get3A_12 = vector.load %arg3[%get3A_10, %get3A_11] : memref<128x128xf32, #tpu.memory_space<vmem>>, vector<128x128xf32>
    %dot_general3A = arith.constant dense<0.000000e+00> : vector<2000x128xf32>
    %dot_general3A_13 = tpu.matmul %get3A_9, %get3A_12, %dot_general3A {dimension_numbers = #tpu.dot_dimension_numbers<[1], [0], [0], [1], [0, 0, 1, 1], [], []>, transpose_lhs_hint = false} : vector<2000x128xf32>, vector<128x128xf32>, vector<2000x128xf32> -> vector<2000x128xf32>
    %mul3A = vector.broadcast %broadcast_in_dim3A : vector<2000x1xf32> to vector<2000x128xf32>
    %mul3A_14 = arith.mulf %dot_general3A_13, %mul3A : vector<2000x128xf32>
    %swap3A_15 = arith.constant 0 : index
    %swap3A_16 = arith.constant 0 : index
    %swap3A_17 = vector.load %arg4[%swap3A_15, %swap3A_16] : memref<2000x128xf32, #tpu.memory_space<vmem>>, vector<2000x128xf32>
    tpu.vector_store %arg4[%swap3A_15, %swap3A_16], %mul3A_14 {strides = array<i32>} : memref<2000x128xf32, #tpu.memory_space<vmem>>, vector<2000x128xf32>,
    return
  }
  func.func @transform_0(%arg0: i32) -> (i32, i32) {
    %c0_i32 = arith.constant 0 : i32
    %c0_i32_0 = arith.constant 0 : i32
    return %arg0, %c0_i32 : i32, i32
  }
  func.func @transform_1(%arg0: i32) -> (i32, i32) {
    %c0_i32 = arith.constant 0 : i32
    %c0_i32_0 = arith.constant 0 : i32
    return %arg0, %c0_i32 : i32, i32
  }
  func.func @transform_2(%arg0: i32) -> (i32, i32) {
    %c0_i32 = arith.constant 0 : i32
    %c0_i32_0 = arith.constant 0 : i32
    %c0_i32_1 = arith.constant 0 : i32
    return %c0_i32, %c0_i32_0 : i32, i32
  }
  func.func @transform_3(%arg0: i32) -> (i32, i32) {
    %c0_i32 = arith.constant 0 : i32
    %c0_i32_0 = arith.constant 0 : i32
    return %arg0, %c0_i32 : i32, i32
  }
  func.func @transform_4(%arg0: i32) -> (i32, i32) {
    %c0_i32 = arith.constant 0 : i32
    %c0_i32_0 = arith.constant 0 : i32
    return %arg0, %c0_i32 : i32, i32
  }
}

module attributes {stable_mosaic.version = 14 : i64} {
  func.func @_attn0_body(%arg0: i32, %arg1: memref<2000x128xf32, #tpu.memory_space<vmem>>, %arg2: memref<128x200xf32, #tpu.memory_space<vmem>>, %arg3: memref<1x200xf32, #tpu.memory_space<vmem>>, %arg4: memref<2000x100xf32, #tpu.memory_space<vmem>>, %arg5: memref<50x50xf32, #tpu.memory_space<vmem>>, %arg6: memref<2x50xf32, #tpu.memory_space<vmem>>) attributes {dimension_semantics = [#tpu.dimension_semantics<arbitrary>], iteration_bounds = array<i64: 5>, scalar_prefetch = 0 : i64, scratch_operands = 0 : i64, tpu.core_type = #tpu.core_type<tc>, window_params = [{transform_indices = @transform_0, window_bounds = array<i64: 2000, 128>}, {pipeline_mode = #tpu.pipeline_mode<synchronous>, transform_indices = @transform_1, window_bounds = array<i64: 128, 200>}, {pipeline_mode = #tpu.pipeline_mode<synchronous>, transform_indices = @transform_2, window_bounds = array<i64: 1, 200>}, {transform_indices = @transform_3, window_bounds = array<i64: 2000, 100>}, {pipeline_mode = #tpu.pipeline_mode<synchronous>, transform_indices = @transform_4, window_bounds = array<i64: 50, 50>}, {pipeline_mode = #tpu.pipeline_mode<synchronous>, transform_indices = @transform_5, window_bounds = array<i64: 2, 50>}]} {
    %get3A = arith.constant 0 : index
    %get3A_0 = arith.constant 0 : index
    %get3A_1 = vector.load %arg1[%get3A, %get3A_0] : memref<2000x128xf32, #tpu.memory_space<vmem>>, vector<2000x128xf32>
    %get3A_2 = arith.constant 0 : index
    %get3A_3 = arith.constant 0 : index
    %get3A_4 = vector.load %arg2[%get3A_2, %get3A_3] : memref<128x200xf32, #tpu.memory_space<vmem>>, vector<128x200xf32>
    %get3A_5 = arith.constant 0 : index
    %get3A_6 = arith.constant 0 : index
    %get3A_7 = vector.load %arg3[%get3A_5, %get3A_6] : memref<1x200xf32, #tpu.memory_space<vmem>>, vector<1x200xf32>
    %dot_general3A = arith.constant dense<0.000000e+00> : vector<2000x200xf32>
    %dot_general3A_8 = tpu.matmul %get3A_1, %get3A_4, %dot_general3A {dimension_numbers = #tpu.dot_dimension_numbers<[1], [0], [0], [1], [0, 0, 1, 1], [], []>, transpose_lhs_hint = false} : vector<2000x128xf32>, vector<128x200xf32>, vector<2000x200xf32> -> vector<2000x200xf32>
    %add3A = vector.broadcast %get3A_7 : vector<1x200xf32> to vector<2000x200xf32>
    %add3A_9 = arith.addf %dot_general3A_8, %add3A : vector<2000x200xf32>
    %max3A = arith.constant 0.000000e+00 : f32
    %max3A_10 = vector.broadcast %max3A : f32 to vector<2000x200xf32>
    %max3A_11 = arith.maximumf %add3A_9, %max3A_10 : vector<2000x200xf32>
    %slice3A = vector.extract_strided_slice %max3A_11 {offsets = [0, 0], sizes = [2000, 50], strides = [1, 1]} : vector<2000x200xf32> to vector<2000x50xf32>
    %slice3A_12 = vector.extract_strided_slice %max3A_11 {offsets = [0, 50], sizes = [2000, 50], strides = [1, 1]} : vector<2000x200xf32> to vector<2000x50xf32>
    %slice3A_13 = vector.extract_strided_slice %max3A_11 {offsets = [0, 100], sizes = [2000, 50], strides = [1, 1]} : vector<2000x200xf32> to vector<2000x50xf32>
    %slice3A_14 = vector.extract_strided_slice %max3A_11 {offsets = [0, 150], sizes = [2000, 50], strides = [1, 1]} : vector<2000x200xf32> to vector<2000x50xf32>
    %concatenate3A = tpu.concatenate %slice3A, %slice3A_14 in 1 : vector<2000x50xf32>, vector<2000x50xf32> -> vector<2000x100xf32>
    %swap3A = arith.constant 0 : index
    %swap3A_15 = arith.constant 0 : index
    %swap3A_16 = vector.load %arg4[%swap3A, %swap3A_15] : memref<2000x100xf32, #tpu.memory_space<vmem>>, vector<2000x100xf32>
    tpu.vector_store %arg4[%swap3A, %swap3A_15], %concatenate3A {strides = array<i32>} : memref<2000x100xf32, #tpu.memory_space<vmem>>, vector<2000x100xf32>,
    %dot_general3A_17 = arith.constant dense<0.000000e+00> : vector<50x50xf32>
    %dot_general3A_18 = tpu.matmul %slice3A_12, %slice3A_13, %dot_general3A_17 {dimension_numbers = #tpu.dot_dimension_numbers<[0], [0], [1], [1], [0, 1, 1, 1], [], []>, transpose_lhs_hint = false} : vector<2000x50xf32>, vector<2000x50xf32>, vector<50x50xf32> -> vector<50x50xf32>
    %reduce_sum3A = arith.constant dense<0.000000e+00> : vector<50xf32>
    %reduce_sum3A_19 = vector.multi_reduction <add>, %slice3A, %reduce_sum3A [0] : vector<2000x50xf32> to vector<50xf32>
    %broadcast_in_dim3A = vector.shape_cast %reduce_sum3A_19 : vector<50xf32> to vector<1x50xf32>
    %reduce_sum3A_20 = arith.constant dense<0.000000e+00> : vector<50xf32>
    %reduce_sum3A_21 = vector.multi_reduction <add>, %slice3A_12, %reduce_sum3A_20 [0] : vector<2000x50xf32> to vector<50xf32>
    %broadcast_in_dim3A_22 = vector.shape_cast %reduce_sum3A_21 : vector<50xf32> to vector<1x50xf32>
    %concatenate3A_23 = tpu.concatenate %broadcast_in_dim3A, %broadcast_in_dim3A_22 in 0 : vector<1x50xf32>, vector<1x50xf32> -> vector<2x50xf32>
    %eq3A = arith.constant 0 : i32
    %eq3A_24 = arith.cmpi eq, %arg0, %eq3A : i32
    %convert_element_type3A = arith.extui %eq3A_24 : i1 to i32
    %cond3A = arith.constant 0 : i32
    %cond3A_25 = arith.cmpi ne, %convert_element_type3A, %cond3A : i32
    scf.if %cond3A_25 {
      %broadcast_in_dim3A_40 = arith.constant 0.000000e+00 : f32
      %broadcast_in_dim3A_41 = vector.broadcast %broadcast_in_dim3A_40 : f32 to vector<50x50xf32>
      %swap3A_42 = arith.constant 0 : index
      %swap3A_43 = arith.constant 0 : index
      %swap3A_44 = vector.load %arg5[%swap3A_42, %swap3A_43] : memref<50x50xf32, #tpu.memory_space<vmem>>, vector<50x50xf32>
      tpu.vector_store %arg5[%swap3A_42, %swap3A_43], %broadcast_in_dim3A_41 {strides = array<i32>} : memref<50x50xf32, #tpu.memory_space<vmem>>, vector<50x50xf32>,
      %broadcast_in_dim3A_45 = arith.constant 0.000000e+00 : f32
      %broadcast_in_dim3A_46 = vector.broadcast %broadcast_in_dim3A_45 : f32 to vector<2x50xf32>
      %swap3A_47 = arith.constant 0 : index
      %swap3A_48 = arith.constant 0 : index
      %swap3A_49 = vector.load %arg6[%swap3A_47, %swap3A_48] : memref<2x50xf32, #tpu.memory_space<vmem>>, vector<2x50xf32>
      tpu.vector_store %arg6[%swap3A_47, %swap3A_48], %broadcast_in_dim3A_46 {strides = array<i32>} : memref<2x50xf32, #tpu.memory_space<vmem>>, vector<2x50xf32>,
    } else {
    }
    %get3A_26 = arith.constant 0 : index
    %get3A_27 = arith.constant 0 : index
    %get3A_28 = vector.load %arg5[%get3A_26, %get3A_27] : memref<50x50xf32, #tpu.memory_space<vmem>>, vector<50x50xf32>
    %add3A_29 = arith.addf %get3A_28, %dot_general3A_18 : vector<50x50xf32>
    %swap3A_30 = arith.constant 0 : index
    %swap3A_31 = arith.constant 0 : index
    %swap3A_32 = vector.load %arg5[%swap3A_30, %swap3A_31] : memref<50x50xf32, #tpu.memory_space<vmem>>, vector<50x50xf32>
    tpu.vector_store %arg5[%swap3A_30, %swap3A_31], %add3A_29 {strides = array<i32>} : memref<50x50xf32, #tpu.memory_space<vmem>>, vector<50x50xf32>,
    %get3A_33 = arith.constant 0 : index
    %get3A_34 = arith.constant 0 : index
    %get3A_35 = vector.load %arg6[%get3A_33, %get3A_34] : memref<2x50xf32, #tpu.memory_space<vmem>>, vector<2x50xf32>
    %add3A_36 = arith.addf %get3A_35, %concatenate3A_23 : vector<2x50xf32>
    %swap3A_37 = arith.constant 0 : index
    %swap3A_38 = arith.constant 0 : index
    %swap3A_39 = vector.load %arg6[%swap3A_37, %swap3A_38] : memref<2x50xf32, #tpu.memory_space<vmem>>, vector<2x50xf32>
    tpu.vector_store %arg6[%swap3A_37, %swap3A_38], %add3A_36 {strides = array<i32>} : memref<2x50xf32, #tpu.memory_space<vmem>>, vector<2x50xf32>,
    return
  }
  func.func @transform_0(%arg0: i32) -> (i32, i32) {
    %c0_i32 = arith.constant 0 : i32
    %c0_i32_0 = arith.constant 0 : i32
    return %arg0, %c0_i32 : i32, i32
  }
  func.func @transform_1(%arg0: i32) -> (i32, i32) {
    %c0_i32 = arith.constant 0 : i32
    %c0_i32_0 = arith.constant 0 : i32
    %c0_i32_1 = arith.constant 0 : i32
    return %c0_i32, %c0_i32_0 : i32, i32
  }
  func.func @transform_2(%arg0: i32) -> (i32, i32) {
    %c0_i32 = arith.constant 0 : i32
    %c0_i32_0 = arith.constant 0 : i32
    %c0_i32_1 = arith.constant 0 : i32
    return %c0_i32, %c0_i32_0 : i32, i32
  }
  func.func @transform_3(%arg0: i32) -> (i32, i32) {
    %c0_i32 = arith.constant 0 : i32
    %c0_i32_0 = arith.constant 0 : i32
    return %arg0, %c0_i32 : i32, i32
  }
  func.func @transform_4(%arg0: i32) -> (i32, i32) {
    %c0_i32 = arith.constant 0 : i32
    %c0_i32_0 = arith.constant 0 : i32
    %c0_i32_1 = arith.constant 0 : i32
    return %c0_i32, %c0_i32_0 : i32, i32
  }
  func.func @transform_5(%arg0: i32) -> (i32, i32) {
    %c0_i32 = arith.constant 0 : i32
    %c0_i32_0 = arith.constant 0 : i32
    %c0_i32_1 = arith.constant 0 : i32
    return %c0_i32, %c0_i32_0 : i32, i32
  }
}

module attributes {stable_mosaic.version = 14 : i64} {
  func.func @_comb0_body(%arg0: i32, %arg1: memref<2000x100xf32, #tpu.memory_space<vmem>>, %arg2: memref<50x50xf32, #tpu.memory_space<vmem>>, %arg3: memref<2x50xf32, #tpu.memory_space<vmem>>, %arg4: memref<2x2000x128xf32, #tpu.memory_space<vmem>>, %arg5: memref<2000x1xf32, #tpu.memory_space<vmem>>, %arg6: memref<1x128xf32, #tpu.memory_space<vmem>>, %arg7: memref<228x128xf32, #tpu.memory_space<vmem>>, %arg8: memref<1x128xf32, #tpu.memory_space<vmem>>, %arg9: memref<2000x128xf32, #tpu.memory_space<vmem>>, %arg10: memref<2x128xf32, #tpu.memory_space<vmem>>) attributes {dimension_semantics = [#tpu.dimension_semantics<arbitrary>], iteration_bounds = array<i64: 5>, scalar_prefetch = 0 : i64, scratch_operands = 0 : i64, tpu.core_type = #tpu.core_type<tc>, window_params = [{transform_indices = @transform_0, window_bounds = array<i64: 2000, 100>}, {pipeline_mode = #tpu.pipeline_mode<synchronous>, transform_indices = @transform_1, window_bounds = array<i64: 50, 50>}, {pipeline_mode = #tpu.pipeline_mode<synchronous>, transform_indices = @transform_2, window_bounds = array<i64: 2, 50>}, {transform_indices = @transform_3, window_bounds = array<i64: 2, 2000, 128>}, {transform_indices = @transform_4, window_bounds = array<i64: 2000, 1>}, {pipeline_mode = #tpu.pipeline_mode<synchronous>, transform_indices = @transform_5, window_bounds = array<i64: 1, 128>}, {pipeline_mode = #tpu.pipeline_mode<synchronous>, transform_indices = @transform_6, window_bounds = array<i64: 228, 128>}, {pipeline_mode = #tpu.pipeline_mode<synchronous>, transform_indices = @transform_7, window_bounds = array<i64: 1, 128>}, {transform_indices = @transform_8, window_bounds = array<i64: 2000, 128>}, {pipeline_mode = #tpu.pipeline_mode<synchronous>, transform_indices = @transform_9, window_bounds = array<i64: 2, 128>}]} {
    %get3A = arith.constant 0 : index
    %get3A_0 = arith.constant 0 : index
    %get3A_1 = vector.load %arg1[%get3A, %get3A_0] : memref<2000x100xf32, #tpu.memory_space<vmem>>, vector<2000x100xf32>
    %get3A_2 = arith.constant 0 : index
    %get3A_3 = arith.constant 0 : index
    %get3A_4 = vector.load %arg2[%get3A_2, %get3A_3] : memref<50x50xf32, #tpu.memory_space<vmem>>, vector<50x50xf32>
    %get3A_5 = arith.constant 0 : index
    %get3A_6 = arith.constant 0 : index
    %get3A_7 = vector.load %arg3[%get3A_5, %get3A_6] : memref<2x50xf32, #tpu.memory_space<vmem>>, vector<2x50xf32>
    %get3A_8 = arith.constant 0 : index
    %get3A_9 = arith.constant 0 : index
    %get3A_10 = arith.constant 0 : index
    %get3A_11 = vector.load %arg4[%get3A_8, %get3A_9, %get3A_10] : memref<2x2000x128xf32, #tpu.memory_space<vmem>>, vector<2x2000x128xf32>
    %get3A_12 = arith.constant 0 : index
    %get3A_13 = arith.constant 0 : index
    %get3A_14 = vector.load %arg5[%get3A_12, %get3A_13] : memref<2000x1xf32, #tpu.memory_space<vmem>>, vector<2000x1xf32>
    %get3A_15 = arith.constant 0 : index
    %get3A_16 = arith.constant 0 : index
    %get3A_17 = vector.load %arg6[%get3A_15, %get3A_16] : memref<1x128xf32, #tpu.memory_space<vmem>>, vector<1x128xf32>
    %get3A_18 = arith.constant 0 : index
    %get3A_19 = arith.constant 0 : index
    %get3A_20 = vector.load %arg7[%get3A_18, %get3A_19] : memref<228x128xf32, #tpu.memory_space<vmem>>, vector<228x128xf32>
    %get3A_21 = arith.constant 0 : index
    %get3A_22 = arith.constant 0 : index
    %get3A_23 = vector.load %arg8[%get3A_21, %get3A_22] : memref<1x128xf32, #tpu.memory_space<vmem>>, vector<1x128xf32>
    %slice3A = vector.extract_strided_slice %get3A_7 {offsets = [0, 0], sizes = [1, 50], strides = [1, 1]} : vector<2x50xf32> to vector<1x50xf32>
    %squeeze3A = vector.shape_cast %slice3A : vector<1x50xf32> to vector<50xf32>
    %slice3A_24 = vector.extract_strided_slice %get3A_7 {offsets = [1, 0], sizes = [1, 50], strides = [1, 1]} : vector<2x50xf32> to vector<1x50xf32>
    %squeeze3A_25 = vector.shape_cast %slice3A_24 : vector<1x50xf32> to vector<50xf32>
    %mul3A = arith.mulf %squeeze3A, %squeeze3A_25 : vector<50xf32>
    %reduce_sum3A = vector.shape_cast %mul3A : vector<50xf32> to vector<1x50xf32>
    %reduce_sum3A_26 = arith.constant dense<0.000000e+00> : vector<1xf32>
    %reduce_sum3A_27 = vector.multi_reduction <add>, %reduce_sum3A, %reduce_sum3A_26 [1] : vector<1x50xf32> to vector<1xf32>
    %reduce_sum3A_28 = vector.shape_cast %reduce_sum3A_27 : vector<1xf32> to vector<1x1xf32>
    %reduce_sum3A_29 = vector.extract %reduce_sum3A_28[0, 0] : f32 from vector<1x1xf32>
    %div3A = arith.constant 1.000000e+04 : f32
    %div3A_30 = arith.divf %reduce_sum3A_29, %div3A : f32
    %add3A = arith.constant 9.99999997E-7 : f32
    %add3A_31 = arith.addf %div3A_30, %add3A : f32
    %slice3A_32 = vector.extract_strided_slice %get3A_11 {offsets = [0, 0, 0], sizes = [1, 2000, 128], strides = [1, 1, 1]} : vector<2x2000x128xf32> to vector<1x2000x128xf32>
    %squeeze3A_33 = vector.shape_cast %slice3A_32 : vector<1x2000x128xf32> to vector<2000x128xf32>
    %slice3A_34 = vector.extract_strided_slice %get3A_11 {offsets = [1, 0, 0], sizes = [1, 2000, 128], strides = [1, 1, 1]} : vector<2x2000x128xf32> to vector<1x2000x128xf32>
    %squeeze3A_35 = vector.shape_cast %slice3A_34 : vector<1x2000x128xf32> to vector<2000x128xf32>
    %add3A_36 = arith.addf %squeeze3A_33, %squeeze3A_35 : vector<2000x128xf32>
    %mul3A_37 = vector.broadcast %get3A_14 : vector<2000x1xf32> to vector<2000x128xf32>
    %mul3A_38 = arith.mulf %mul3A_37, %add3A_36 : vector<2000x128xf32>
    %add3A_39 = vector.broadcast %get3A_17 : vector<1x128xf32> to vector<2000x128xf32>
    %add3A_40 = arith.addf %mul3A_38, %add3A_39 : vector<2000x128xf32>
    %max3A = arith.constant 0.000000e+00 : f32
    %max3A_41 = vector.broadcast %max3A : f32 to vector<2000x128xf32>
    %max3A_42 = arith.maximumf %add3A_40, %max3A_41 : vector<2000x128xf32>
    %slice3A_43 = vector.extract_strided_slice %get3A_1 {offsets = [0, 0], sizes = [2000, 50], strides = [1, 1]} : vector<2000x100xf32> to vector<2000x50xf32>
    %slice3A_44 = vector.extract_strided_slice %get3A_1 {offsets = [0, 50], sizes = [2000, 50], strides = [1, 1]} : vector<2000x100xf32> to vector<2000x50xf32>
    %slice3A_45 = vector.extract_strided_slice %get3A_20 {offsets = [0, 0], sizes = [50, 128], strides = [1, 1]} : vector<228x128xf32> to vector<50x128xf32>
    %dot_general3A = arith.constant dense<0.000000e+00> : vector<50x128xf32>
    %dot_general3A_46 = tpu.matmul %get3A_4, %slice3A_45, %dot_general3A {dimension_numbers = #tpu.dot_dimension_numbers<[1], [0], [0], [1], [0, 0, 1, 1], [], []>, transpose_lhs_hint = false} : vector<50x50xf32>, vector<50x128xf32>, vector<50x128xf32> -> vector<50x128xf32>
    %dot_general3A_47 = arith.constant dense<0.000000e+00> : vector<2000x128xf32>
    %dot_general3A_48 = tpu.matmul %slice3A_43, %dot_general3A_46, %dot_general3A_47 {dimension_numbers = #tpu.dot_dimension_numbers<[1], [0], [0], [1], [0, 0, 1, 1], [], []>, transpose_lhs_hint = false} : vector<2000x50xf32>, vector<50x128xf32>, vector<2000x128xf32> -> vector<2000x128xf32>
    %div3A_49 = vector.broadcast %add3A_31 : f32 to vector<2000x128xf32>
    %div3A_50 = arith.divf %dot_general3A_48, %div3A_49 : vector<2000x128xf32>
    %slice3A_51 = vector.extract_strided_slice %get3A_20 {offsets = [50, 0], sizes = [50, 128], strides = [1, 1]} : vector<228x128xf32> to vector<50x128xf32>
    %dot_general3A_52 = arith.constant dense<0.000000e+00> : vector<2000x128xf32>
    %dot_general3A_53 = tpu.matmul %slice3A_44, %slice3A_51, %dot_general3A_52 {dimension_numbers = #tpu.dot_dimension_numbers<[1], [0], [0], [1], [0, 0, 1, 1], [], []>, transpose_lhs_hint = false} : vector<2000x50xf32>, vector<50x128xf32>, vector<2000x128xf32> -> vector<2000x128xf32>
    %add3A_54 = arith.addf %div3A_50, %dot_general3A_53 : vector<2000x128xf32>
    %slice3A_55 = vector.extract_strided_slice %get3A_20 {offsets = [100, 0], sizes = [128, 128], strides = [1, 1]} : vector<228x128xf32> to vector<128x128xf32>
    %dot_general3A_56 = arith.constant dense<0.000000e+00> : vector<2000x128xf32>
    %dot_general3A_57 = tpu.matmul %max3A_42, %slice3A_55, %dot_general3A_56 {dimension_numbers = #tpu.dot_dimension_numbers<[1], [0], [0], [1], [0, 0, 1, 1], [], []>, transpose_lhs_hint = false} : vector<2000x128xf32>, vector<128x128xf32>, vector<2000x128xf32> -> vector<2000x128xf32>
    %add3A_58 = arith.addf %add3A_54, %dot_general3A_57 : vector<2000x128xf32>
    %add3A_59 = vector.broadcast %get3A_23 : vector<1x128xf32> to vector<2000x128xf32>
    %add3A_60 = arith.addf %add3A_58, %add3A_59 : vector<2000x128xf32>
    %max3A_61 = arith.constant 0.000000e+00 : f32
    %max3A_62 = vector.broadcast %max3A_61 : f32 to vector<2000x128xf32>
    %max3A_63 = arith.maximumf %add3A_60, %max3A_62 : vector<2000x128xf32>
    %swap3A = arith.constant 0 : index
    %swap3A_64 = arith.constant 0 : index
    %swap3A_65 = vector.load %arg9[%swap3A, %swap3A_64] : memref<2000x128xf32, #tpu.memory_space<vmem>>, vector<2000x128xf32>
    tpu.vector_store %arg9[%swap3A, %swap3A_64], %max3A_63 {strides = array<i32>} : memref<2000x128xf32, #tpu.memory_space<vmem>>, vector<2000x128xf32>,
    %reduce_sum3A_66 = arith.constant dense<0.000000e+00> : vector<128xf32>
    %reduce_sum3A_67 = vector.multi_reduction <add>, %max3A_63, %reduce_sum3A_66 [0] : vector<2000x128xf32> to vector<128xf32>
    %broadcast_in_dim3A = vector.shape_cast %reduce_sum3A_67 : vector<128xf32> to vector<1x128xf32>
    %mul3A_68 = arith.mulf %max3A_63, %max3A_63 : vector<2000x128xf32>
    %reduce_sum3A_69 = arith.constant dense<0.000000e+00> : vector<128xf32>
    %reduce_sum3A_70 = vector.multi_reduction <add>, %mul3A_68, %reduce_sum3A_69 [0] : vector<2000x128xf32> to vector<128xf32>
    %broadcast_in_dim3A_71 = vector.shape_cast %reduce_sum3A_70 : vector<128xf32> to vector<1x128xf32>
    %concatenate3A = tpu.concatenate %broadcast_in_dim3A, %broadcast_in_dim3A_71 in 0 : vector<1x128xf32>, vector<1x128xf32> -> vector<2x128xf32>
    %eq3A = arith.constant 0 : i32
    %eq3A_72 = arith.cmpi eq, %arg0, %eq3A : i32
    %convert_element_type3A = arith.extui %eq3A_72 : i1 to i32
    %cond3A = arith.constant 0 : i32
    %cond3A_73 = arith.cmpi ne, %convert_element_type3A, %cond3A : i32
    scf.if %cond3A_73 {
      %broadcast_in_dim3A_81 = arith.constant 0.000000e+00 : f32
      %broadcast_in_dim3A_82 = vector.broadcast %broadcast_in_dim3A_81 : f32 to vector<2x128xf32>
      %swap3A_83 = arith.constant 0 : index
      %swap3A_84 = arith.constant 0 : index
      %swap3A_85 = vector.load %arg10[%swap3A_83, %swap3A_84] : memref<2x128xf32, #tpu.memory_space<vmem>>, vector<2x128xf32>
      tpu.vector_store %arg10[%swap3A_83, %swap3A_84], %broadcast_in_dim3A_82 {strides = array<i32>} : memref<2x128xf32, #tpu.memory_space<vmem>>, vector<2x128xf32>,
    } else {
    }
    %get3A_74 = arith.constant 0 : index
    %get3A_75 = arith.constant 0 : index
    %get3A_76 = vector.load %arg10[%get3A_74, %get3A_75] : memref<2x128xf32, #tpu.memory_space<vmem>>, vector<2x128xf32>
    %add3A_77 = arith.addf %get3A_76, %concatenate3A : vector<2x128xf32>
    %swap3A_78 = arith.constant 0 : index
    %swap3A_79 = arith.constant 0 : index
    %swap3A_80 = vector.load %arg10[%swap3A_78, %swap3A_79] : memref<2x128xf32, #tpu.memory_space<vmem>>, vector<2x128xf32>
    tpu.vector_store %arg10[%swap3A_78, %swap3A_79], %add3A_77 {strides = array<i32>} : memref<2x128xf32, #tpu.memory_space<vmem>>, vector<2x128xf32>,
    return
  }
  func.func @transform_0(%arg0: i32) -> (i32, i32) {
    %c0_i32 = arith.constant 0 : i32
    %c0_i32_0 = arith.constant 0 : i32
    return %arg0, %c0_i32 : i32, i32
  }
  func.func @transform_1(%arg0: i32) -> (i32, i32) {
    %c0_i32 = arith.constant 0 : i32
    %c0_i32_0 = arith.constant 0 : i32
    %c0_i32_1 = arith.constant 0 : i32
    return %c0_i32, %c0_i32_0 : i32, i32
  }
  func.func @transform_2(%arg0: i32) -> (i32, i32) {
    %c0_i32 = arith.constant 0 : i32
    %c0_i32_0 = arith.constant 0 : i32
    %c0_i32_1 = arith.constant 0 : i32
    return %c0_i32, %c0_i32_0 : i32, i32
  }
  func.func @transform_3(%arg0: i32) -> (i32, i32, i32) {
    %c0_i32 = arith.constant 0 : i32
    %c0_i32_0 = arith.constant 0 : i32
    %c0_i32_1 = arith.constant 0 : i32
    return %c0_i32, %arg0, %c0_i32_0 : i32, i32, i32
  }
  func.func @transform_4(%arg0: i32) -> (i32, i32) {
    %c0_i32 = arith.constant 0 : i32
    %c0_i32_0 = arith.constant 0 : i32
    return %arg0, %c0_i32 : i32, i32
  }
  func.func @transform_5(%arg0: i32) -> (i32, i32) {
    %c0_i32 = arith.constant 0 : i32
    %c0_i32_0 = arith.constant 0 : i32
    %c0_i32_1 = arith.constant 0 : i32
    return %c0_i32, %c0_i32_0 : i32, i32
  }
  func.func @transform_6(%arg0: i32) -> (i32, i32) {
    %c0_i32 = arith.constant 0 : i32
    %c0_i32_0 = arith.constant 0 : i32
    %c0_i32_1 = arith.constant 0 : i32
    return %c0_i32, %c0_i32_0 : i32, i32
  }
  func.func @transform_7(%arg0: i32) -> (i32, i32) {
    %c0_i32 = arith.constant 0 : i32
    %c0_i32_0 = arith.constant 0 : i32
    %c0_i32_1 = arith.constant 0 : i32
    return %c0_i32, %c0_i32_0 : i32, i32
  }
  func.func @transform_8(%arg0: i32) -> (i32, i32) {
    %c0_i32 = arith.constant 0 : i32
    %c0_i32_0 = arith.constant 0 : i32
    return %arg0, %c0_i32 : i32, i32
  }
  func.func @transform_9(%arg0: i32) -> (i32, i32) {
    %c0_i32 = arith.constant 0 : i32
    %c0_i32_0 = arith.constant 0 : i32
    %c0_i32_1 = arith.constant 0 : i32
    return %c0_i32, %c0_i32_0 : i32, i32
  }
}

module attributes {stable_mosaic.version = 14 : i64} {
  func.func @_conv1_body(%arg0: i32, %arg1: memref<2000x128xf32, #tpu.memory_space<vmem>>, %arg2: memref<2x128xf32, #tpu.memory_space<vmem>>, %arg3: memref<1x128xf32, #tpu.memory_space<vmem>>, %arg4: memref<1x128xf32, #tpu.memory_space<vmem>>, %arg5: memref<2000x1xf32, #tpu.memory_space<vmem>>, %arg6: memref<128x128xf32, #tpu.memory_space<vmem>>, %arg7: memref<2000x128xf32, #tpu.memory_space<vmem>>) attributes {dimension_semantics = [#tpu.dimension_semantics<arbitrary>], iteration_bounds = array<i64: 5>, scalar_prefetch = 0 : i64, scratch_operands = 0 : i64, tpu.core_type = #tpu.core_type<tc>, window_params = [{transform_indices = @transform_0, window_bounds = array<i64: 2000, 128>}, {pipeline_mode = #tpu.pipeline_mode<synchronous>, transform_indices = @transform_1, window_bounds = array<i64: 2, 128>}, {pipeline_mode = #tpu.pipeline_mode<synchronous>, transform_indices = @transform_2, window_bounds = array<i64: 1, 128>}, {pipeline_mode = #tpu.pipeline_mode<synchronous>, transform_indices = @transform_3, window_bounds = array<i64: 1, 128>}, {transform_indices = @transform_4, window_bounds = array<i64: 2000, 1>}, {pipeline_mode = #tpu.pipeline_mode<synchronous>, transform_indices = @transform_5, window_bounds = array<i64: 128, 128>}, {transform_indices = @transform_6, window_bounds = array<i64: 2000, 128>}]} {
    %get3A = arith.constant 0 : index
    %get3A_0 = arith.constant 0 : index
    %get3A_1 = vector.load %arg1[%get3A, %get3A_0] : memref<2000x128xf32, #tpu.memory_space<vmem>>, vector<2000x128xf32>
    %get3A_2 = arith.constant 0 : index
    %get3A_3 = arith.constant 0 : index
    %get3A_4 = vector.load %arg2[%get3A_2, %get3A_3] : memref<2x128xf32, #tpu.memory_space<vmem>>, vector<2x128xf32>
    %get3A_5 = arith.constant 0 : index
    %get3A_6 = arith.constant 0 : index
    %get3A_7 = vector.load %arg3[%get3A_5, %get3A_6] : memref<1x128xf32, #tpu.memory_space<vmem>>, vector<1x128xf32>
    %get3A_8 = arith.constant 0 : index
    %get3A_9 = arith.constant 0 : index
    %get3A_10 = vector.load %arg4[%get3A_8, %get3A_9] : memref<1x128xf32, #tpu.memory_space<vmem>>, vector<1x128xf32>
    %slice3A = vector.extract_strided_slice %get3A_4 {offsets = [0, 0], sizes = [1, 128], strides = [1, 1]} : vector<2x128xf32> to vector<1x128xf32>
    %div3A = arith.constant 1.000000e+04 : f32
    %div3A_11 = vector.broadcast %div3A : f32 to vector<1x128xf32>
    %div3A_12 = arith.divf %slice3A, %div3A_11 : vector<1x128xf32>
    %slice3A_13 = vector.extract_strided_slice %get3A_4 {offsets = [1, 0], sizes = [1, 128], strides = [1, 1]} : vector<2x128xf32> to vector<1x128xf32>
    %div3A_14 = arith.constant 1.000000e+04 : f32
    %div3A_15 = vector.broadcast %div3A_14 : f32 to vector<1x128xf32>
    %div3A_16 = arith.divf %slice3A_13, %div3A_15 : vector<1x128xf32>
    %mul3A = arith.mulf %div3A_12, %div3A_12 : vector<1x128xf32>
    %sub3A = arith.subf %div3A_16, %mul3A : vector<1x128xf32>
    %sub3A_17 = vector.broadcast %div3A_12 : vector<1x128xf32> to vector<2000x128xf32>
    %sub3A_18 = arith.subf %get3A_1, %sub3A_17 : vector<2000x128xf32>
    %add3A = arith.constant 9.99999974E-6 : f32
    %add3A_19 = vector.broadcast %add3A : f32 to vector<1x128xf32>
    %add3A_20 = arith.addf %sub3A, %add3A_19 : vector<1x128xf32>
    %rsqrt3A = math.rsqrt %add3A_20 : vector<1x128xf32>
    %mul3A_21 = vector.broadcast %rsqrt3A : vector<1x128xf32> to vector<2000x128xf32>
    %mul3A_22 = arith.mulf %sub3A_18, %mul3A_21 : vector<2000x128xf32>
    %mul3A_23 = vector.broadcast %get3A_7 : vector<1x128xf32> to vector<2000x128xf32>
    %mul3A_24 = arith.mulf %mul3A_22, %mul3A_23 : vector<2000x128xf32>
    %add3A_25 = vector.broadcast %get3A_10 : vector<1x128xf32> to vector<2000x128xf32>
    %add3A_26 = arith.addf %mul3A_24, %add3A_25 : vector<2000x128xf32>
    %get3A_27 = arith.constant 0 : index
    %get3A_28 = arith.constant 0 : index
    %get3A_29 = vector.load %arg6[%get3A_27, %get3A_28] : memref<128x128xf32, #tpu.memory_space<vmem>>, vector<128x128xf32>
    %dot_general3A = arith.constant dense<0.000000e+00> : vector<2000x128xf32>
    %dot_general3A_30 = tpu.matmul %add3A_26, %get3A_29, %dot_general3A {dimension_numbers = #tpu.dot_dimension_numbers<[1], [0], [0], [1], [0, 0, 1, 1], [], []>, transpose_lhs_hint = false} : vector<2000x128xf32>, vector<128x128xf32>, vector<2000x128xf32> -> vector<2000x128xf32>
    %get3A_31 = arith.constant 0 : index
    %get3A_32 = arith.constant 0 : index
    %get3A_33 = vector.load %arg5[%get3A_31, %get3A_32] : memref<2000x1xf32, #tpu.memory_space<vmem>>, vector<2000x1xf32>
    %mul3A_34 = vector.broadcast %get3A_33 : vector<2000x1xf32> to vector<2000x128xf32>
    %mul3A_35 = arith.mulf %dot_general3A_30, %mul3A_34 : vector<2000x128xf32>
    %swap3A = arith.constant 0 : index
    %swap3A_36 = arith.constant 0 : index
    %swap3A_37 = vector.load %arg7[%swap3A, %swap3A_36] : memref<2000x128xf32, #tpu.memory_space<vmem>>, vector<2000x128xf32>
    tpu.vector_store %arg7[%swap3A, %swap3A_36], %mul3A_35 {strides = array<i32>} : memref<2000x128xf32, #tpu.memory_space<vmem>>, vector<2000x128xf32>,
    return
  }
  func.func @transform_0(%arg0: i32) -> (i32, i32) {
    %c0_i32 = arith.constant 0 : i32
    %c0_i32_0 = arith.constant 0 : i32
    return %arg0, %c0_i32 : i32, i32
  }
  func.func @transform_1(%arg0: i32) -> (i32, i32) {
    %c0_i32 = arith.constant 0 : i32
    %c0_i32_0 = arith.constant 0 : i32
    %c0_i32_1 = arith.constant 0 : i32
    return %c0_i32, %c0_i32_0 : i32, i32
  }
  func.func @transform_2(%arg0: i32) -> (i32, i32) {
    %c0_i32 = arith.constant 0 : i32
    %c0_i32_0 = arith.constant 0 : i32
    %c0_i32_1 = arith.constant 0 : i32
    return %c0_i32, %c0_i32_0 : i32, i32
  }
  func.func @transform_3(%arg0: i32) -> (i32, i32) {
    %c0_i32 = arith.constant 0 : i32
    %c0_i32_0 = arith.constant 0 : i32
    %c0_i32_1 = arith.constant 0 : i32
    return %c0_i32, %c0_i32_0 : i32, i32
  }
  func.func @transform_4(%arg0: i32) -> (i32, i32) {
    %c0_i32 = arith.constant 0 : i32
    %c0_i32_0 = arith.constant 0 : i32
    return %arg0, %c0_i32 : i32, i32
  }
  func.func @transform_5(%arg0: i32) -> (i32, i32) {
    %c0_i32 = arith.constant 0 : i32
    %c0_i32_0 = arith.constant 0 : i32
    %c0_i32_1 = arith.constant 0 : i32
    return %c0_i32, %c0_i32_0 : i32, i32
  }
  func.func @transform_6(%arg0: i32) -> (i32, i32) {
    %c0_i32 = arith.constant 0 : i32
    %c0_i32_0 = arith.constant 0 : i32
    return %arg0, %c0_i32 : i32, i32
  }
}

module attributes {stable_mosaic.version = 14 : i64} {
  func.func @_attn1_body(%arg0: i32, %arg1: memref<2000x128xf32, #tpu.memory_space<vmem>>, %arg2: memref<2x128xf32, #tpu.memory_space<vmem>>, %arg3: memref<1x128xf32, #tpu.memory_space<vmem>>, %arg4: memref<1x128xf32, #tpu.memory_space<vmem>>, %arg5: memref<128x200xf32, #tpu.memory_space<vmem>>, %arg6: memref<1x200xf32, #tpu.memory_space<vmem>>, %arg7: memref<2000x100xf32, #tpu.memory_space<vmem>>, %arg8: memref<50x50xf32, #tpu.memory_space<vmem>>, %arg9: memref<2x50xf32, #tpu.memory_space<vmem>>) attributes {dimension_semantics = [#tpu.dimension_semantics<arbitrary>], iteration_bounds = array<i64: 5>, scalar_prefetch = 0 : i64, scratch_operands = 0 : i64, tpu.core_type = #tpu.core_type<tc>, window_params = [{transform_indices = @transform_0, window_bounds = array<i64: 2000, 128>}, {pipeline_mode = #tpu.pipeline_mode<synchronous>, transform_indices = @transform_1, window_bounds = array<i64: 2, 128>}, {pipeline_mode = #tpu.pipeline_mode<synchronous>, transform_indices = @transform_2, window_bounds = array<i64: 1, 128>}, {pipeline_mode = #tpu.pipeline_mode<synchronous>, transform_indices = @transform_3, window_bounds = array<i64: 1, 128>}, {pipeline_mode = #tpu.pipeline_mode<synchronous>, transform_indices = @transform_4, window_bounds = array<i64: 128, 200>}, {pipeline_mode = #tpu.pipeline_mode<synchronous>, transform_indices = @transform_5, window_bounds = array<i64: 1, 200>}, {transform_indices = @transform_6, window_bounds = array<i64: 2000, 100>}, {pipeline_mode = #tpu.pipeline_mode<synchronous>, transform_indices = @transform_7, window_bounds = array<i64: 50, 50>}, {pipeline_mode = #tpu.pipeline_mode<synchronous>, transform_indices = @transform_8, window_bounds = array<i64: 2, 50>}]} {
    %get3A = arith.constant 0 : index
    %get3A_0 = arith.constant 0 : index
    %get3A_1 = vector.load %arg1[%get3A, %get3A_0] : memref<2000x128xf32, #tpu.memory_space<vmem>>, vector<2000x128xf32>
    %get3A_2 = arith.constant 0 : index
    %get3A_3 = arith.constant 0 : index
    %get3A_4 = vector.load %arg2[%get3A_2, %get3A_3] : memref<2x128xf32, #tpu.memory_space<vmem>>, vector<2x128xf32>
    %get3A_5 = arith.constant 0 : index
    %get3A_6 = arith.constant 0 : index
    %get3A_7 = vector.load %arg3[%get3A_5, %get3A_6] : memref<1x128xf32, #tpu.memory_space<vmem>>, vector<1x128xf32>
    %get3A_8 = arith.constant 0 : index
    %get3A_9 = arith.constant 0 : index
    %get3A_10 = vector.load %arg4[%get3A_8, %get3A_9] : memref<1x128xf32, #tpu.memory_space<vmem>>, vector<1x128xf32>
    %slice3A = vector.extract_strided_slice %get3A_4 {offsets = [0, 0], sizes = [1, 128], strides = [1, 1]} : vector<2x128xf32> to vector<1x128xf32>
    %div3A = arith.constant 1.000000e+04 : f32
    %div3A_11 = vector.broadcast %div3A : f32 to vector<1x128xf32>
    %div3A_12 = arith.divf %slice3A, %div3A_11 : vector<1x128xf32>
    %slice3A_13 = vector.extract_strided_slice %get3A_4 {offsets = [1, 0], sizes = [1, 128], strides = [1, 1]} : vector<2x128xf32> to vector<1x128xf32>
    %div3A_14 = arith.constant 1.000000e+04 : f32
    %div3A_15 = vector.broadcast %div3A_14 : f32 to vector<1x128xf32>
    %div3A_16 = arith.divf %slice3A_13, %div3A_15 : vector<1x128xf32>
    %mul3A = arith.mulf %div3A_12, %div3A_12 : vector<1x128xf32>
    %sub3A = arith.subf %div3A_16, %mul3A : vector<1x128xf32>
    %sub3A_17 = vector.broadcast %div3A_12 : vector<1x128xf32> to vector<2000x128xf32>
    %sub3A_18 = arith.subf %get3A_1, %sub3A_17 : vector<2000x128xf32>
    %add3A = arith.constant 9.99999974E-6 : f32
    %add3A_19 = vector.broadcast %add3A : f32 to vector<1x128xf32>
    %add3A_20 = arith.addf %sub3A, %add3A_19 : vector<1x128xf32>
    %rsqrt3A = math.rsqrt %add3A_20 : vector<1x128xf32>
    %mul3A_21 = vector.broadcast %rsqrt3A : vector<1x128xf32> to vector<2000x128xf32>
    %mul3A_22 = arith.mulf %sub3A_18, %mul3A_21 : vector<2000x128xf32>
    %mul3A_23 = vector.broadcast %get3A_7 : vector<1x128xf32> to vector<2000x128xf32>
    %mul3A_24 = arith.mulf %mul3A_22, %mul3A_23 : vector<2000x128xf32>
    %add3A_25 = vector.broadcast %get3A_10 : vector<1x128xf32> to vector<2000x128xf32>
    %add3A_26 = arith.addf %mul3A_24, %add3A_25 : vector<2000x128xf32>
    %get3A_27 = arith.constant 0 : index
    %get3A_28 = arith.constant 0 : index
    %get3A_29 = vector.load %arg5[%get3A_27, %get3A_28] : memref<128x200xf32, #tpu.memory_space<vmem>>, vector<128x200xf32>
    %get3A_30 = arith.constant 0 : index
    %get3A_31 = arith.constant 0 : index
    %get3A_32 = vector.load %arg6[%get3A_30, %get3A_31] : memref<1x200xf32, #tpu.memory_space<vmem>>, vector<1x200xf32>
    %dot_general3A = arith.constant dense<0.000000e+00> : vector<2000x200xf32>
    %dot_general3A_33 = tpu.matmul %add3A_26, %get3A_29, %dot_general3A {dimension_numbers = #tpu.dot_dimension_numbers<[1], [0], [0], [1], [0, 0, 1, 1], [], []>, transpose_lhs_hint = false} : vector<2000x128xf32>, vector<128x200xf32>, vector<2000x200xf32> -> vector<2000x200xf32>
    %add3A_34 = vector.broadcast %get3A_32 : vector<1x200xf32> to vector<2000x200xf32>
    %add3A_35 = arith.addf %dot_general3A_33, %add3A_34 : vector<2000x200xf32>
    %max3A = arith.constant 0.000000e+00 : f32
    %max3A_36 = vector.broadcast %max3A : f32 to vector<2000x200xf32>
    %max3A_37 = arith.maximumf %add3A_35, %max3A_36 : vector<2000x200xf32>
    %slice3A_38 = vector.extract_strided_slice %max3A_37 {offsets = [0, 0], sizes = [2000, 50], strides = [1, 1]} : vector<2000x200xf32> to vector<2000x50xf32>
    %slice3A_39 = vector.extract_strided_slice %max3A_37 {offsets = [0, 50], sizes = [2000, 50], strides = [1, 1]} : vector<2000x200xf32> to vector<2000x50xf32>
    %slice3A_40 = vector.extract_strided_slice %max3A_37 {offsets = [0, 100], sizes = [2000, 50], strides = [1, 1]} : vector<2000x200xf32> to vector<2000x50xf32>
    %slice3A_41 = vector.extract_strided_slice %max3A_37 {offsets = [0, 150], sizes = [2000, 50], strides = [1, 1]} : vector<2000x200xf32> to vector<2000x50xf32>
    %concatenate3A = tpu.concatenate %slice3A_38, %slice3A_41 in 1 : vector<2000x50xf32>, vector<2000x50xf32> -> vector<2000x100xf32>
    %swap3A = arith.constant 0 : index
    %swap3A_42 = arith.constant 0 : index
    %swap3A_43 = vector.load %arg7[%swap3A, %swap3A_42] : memref<2000x100xf32, #tpu.memory_space<vmem>>, vector<2000x100xf32>
    tpu.vector_store %arg7[%swap3A, %swap3A_42], %concatenate3A {strides = array<i32>} : memref<2000x100xf32, #tpu.memory_space<vmem>>, vector<2000x100xf32>,
    %dot_general3A_44 = arith.constant dense<0.000000e+00> : vector<50x50xf32>
    %dot_general3A_45 = tpu.matmul %slice3A_39, %slice3A_40, %dot_general3A_44 {dimension_numbers = #tpu.dot_dimension_numbers<[0], [0], [1], [1], [0, 1, 1, 1], [], []>, transpose_lhs_hint = false} : vector<2000x50xf32>, vector<2000x50xf32>, vector<50x50xf32> -> vector<50x50xf32>
    %reduce_sum3A = arith.constant dense<0.000000e+00> : vector<50xf32>
    %reduce_sum3A_46 = vector.multi_reduction <add>, %slice3A_38, %reduce_sum3A [0] : vector<2000x50xf32> to vector<50xf32>
    %broadcast_in_dim3A = vector.shape_cast %reduce_sum3A_46 : vector<50xf32> to vector<1x50xf32>
    %reduce_sum3A_47 = arith.constant dense<0.000000e+00> : vector<50xf32>
    %reduce_sum3A_48 = vector.multi_reduction <add>, %slice3A_39, %reduce_sum3A_47 [0] : vector<2000x50xf32> to vector<50xf32>
    %broadcast_in_dim3A_49 = vector.shape_cast %reduce_sum3A_48 : vector<50xf32> to vector<1x50xf32>
    %concatenate3A_50 = tpu.concatenate %broadcast_in_dim3A, %broadcast_in_dim3A_49 in 0 : vector<1x50xf32>, vector<1x50xf32> -> vector<2x50xf32>
    %eq3A = arith.constant 0 : i32
    %eq3A_51 = arith.cmpi eq, %arg0, %eq3A : i32
    %convert_element_type3A = arith.extui %eq3A_51 : i1 to i32
    %cond3A = arith.constant 0 : i32
    %cond3A_52 = arith.cmpi ne, %convert_element_type3A, %cond3A : i32
    scf.if %cond3A_52 {
      %broadcast_in_dim3A_67 = arith.constant 0.000000e+00 : f32
      %broadcast_in_dim3A_68 = vector.broadcast %broadcast_in_dim3A_67 : f32 to vector<50x50xf32>
      %swap3A_69 = arith.constant 0 : index
      %swap3A_70 = arith.constant 0 : index
      %swap3A_71 = vector.load %arg8[%swap3A_69, %swap3A_70] : memref<50x50xf32, #tpu.memory_space<vmem>>, vector<50x50xf32>
      tpu.vector_store %arg8[%swap3A_69, %swap3A_70], %broadcast_in_dim3A_68 {strides = array<i32>} : memref<50x50xf32, #tpu.memory_space<vmem>>, vector<50x50xf32>,
      %broadcast_in_dim3A_72 = arith.constant 0.000000e+00 : f32
      %broadcast_in_dim3A_73 = vector.broadcast %broadcast_in_dim3A_72 : f32 to vector<2x50xf32>
      %swap3A_74 = arith.constant 0 : index
      %swap3A_75 = arith.constant 0 : index
      %swap3A_76 = vector.load %arg9[%swap3A_74, %swap3A_75] : memref<2x50xf32, #tpu.memory_space<vmem>>, vector<2x50xf32>
      tpu.vector_store %arg9[%swap3A_74, %swap3A_75], %broadcast_in_dim3A_73 {strides = array<i32>} : memref<2x50xf32, #tpu.memory_space<vmem>>, vector<2x50xf32>,
    } else {
    }
    %get3A_53 = arith.constant 0 : index
    %get3A_54 = arith.constant 0 : index
    %get3A_55 = vector.load %arg8[%get3A_53, %get3A_54] : memref<50x50xf32, #tpu.memory_space<vmem>>, vector<50x50xf32>
    %add3A_56 = arith.addf %get3A_55, %dot_general3A_45 : vector<50x50xf32>
    %swap3A_57 = arith.constant 0 : index
    %swap3A_58 = arith.constant 0 : index
    %swap3A_59 = vector.load %arg8[%swap3A_57, %swap3A_58] : memref<50x50xf32, #tpu.memory_space<vmem>>, vector<50x50xf32>
    tpu.vector_store %arg8[%swap3A_57, %swap3A_58], %add3A_56 {strides = array<i32>} : memref<50x50xf32, #tpu.memory_space<vmem>>, vector<50x50xf32>,
    %get3A_60 = arith.constant 0 : index
    %get3A_61 = arith.constant 0 : index
    %get3A_62 = vector.load %arg9[%get3A_60, %get3A_61] : memref<2x50xf32, #tpu.memory_space<vmem>>, vector<2x50xf32>
    %add3A_63 = arith.addf %get3A_62, %concatenate3A_50 : vector<2x50xf32>
    %swap3A_64 = arith.constant 0 : index
    %swap3A_65 = arith.constant 0 : index
    %swap3A_66 = vector.load %arg9[%swap3A_64, %swap3A_65] : memref<2x50xf32, #tpu.memory_space<vmem>>, vector<2x50xf32>
    tpu.vector_store %arg9[%swap3A_64, %swap3A_65], %add3A_63 {strides = array<i32>} : memref<2x50xf32, #tpu.memory_space<vmem>>, vector<2x50xf32>,
    return
  }
  func.func @transform_0(%arg0: i32) -> (i32, i32) {
    %c0_i32 = arith.constant 0 : i32
    %c0_i32_0 = arith.constant 0 : i32
    return %arg0, %c0_i32 : i32, i32
  }
  func.func @transform_1(%arg0: i32) -> (i32, i32) {
    %c0_i32 = arith.constant 0 : i32
    %c0_i32_0 = arith.constant 0 : i32
    %c0_i32_1 = arith.constant 0 : i32
    return %c0_i32, %c0_i32_0 : i32, i32
  }
  func.func @transform_2(%arg0: i32) -> (i32, i32) {
    %c0_i32 = arith.constant 0 : i32
    %c0_i32_0 = arith.constant 0 : i32
    %c0_i32_1 = arith.constant 0 : i32
    return %c0_i32, %c0_i32_0 : i32, i32
  }
  func.func @transform_3(%arg0: i32) -> (i32, i32) {
    %c0_i32 = arith.constant 0 : i32
    %c0_i32_0 = arith.constant 0 : i32
    %c0_i32_1 = arith.constant 0 : i32
    return %c0_i32, %c0_i32_0 : i32, i32
  }
  func.func @transform_4(%arg0: i32) -> (i32, i32) {
    %c0_i32 = arith.constant 0 : i32
    %c0_i32_0 = arith.constant 0 : i32
    %c0_i32_1 = arith.constant 0 : i32
    return %c0_i32, %c0_i32_0 : i32, i32
  }
  func.func @transform_5(%arg0: i32) -> (i32, i32) {
    %c0_i32 = arith.constant 0 : i32
    %c0_i32_0 = arith.constant 0 : i32
    %c0_i32_1 = arith.constant 0 : i32
    return %c0_i32, %c0_i32_0 : i32, i32
  }
  func.func @transform_6(%arg0: i32) -> (i32, i32) {
    %c0_i32 = arith.constant 0 : i32
    %c0_i32_0 = arith.constant 0 : i32
    return %arg0, %c0_i32 : i32, i32
  }
  func.func @transform_7(%arg0: i32) -> (i32, i32) {
    %c0_i32 = arith.constant 0 : i32
    %c0_i32_0 = arith.constant 0 : i32
    %c0_i32_1 = arith.constant 0 : i32
    return %c0_i32, %c0_i32_0 : i32, i32
  }
  func.func @transform_8(%arg0: i32) -> (i32, i32) {
    %c0_i32 = arith.constant 0 : i32
    %c0_i32_0 = arith.constant 0 : i32
    %c0_i32_1 = arith.constant 0 : i32
    return %c0_i32, %c0_i32_0 : i32, i32
  }
}

module attributes {stable_mosaic.version = 14 : i64} {
  func.func @_comb1_body(%arg0: i32, %arg1: memref<2000x100xf32, #tpu.memory_space<vmem>>, %arg2: memref<50x50xf32, #tpu.memory_space<vmem>>, %arg3: memref<2x50xf32, #tpu.memory_space<vmem>>, %arg4: memref<2x2000x128xf32, #tpu.memory_space<vmem>>, %arg5: memref<2000x1xf32, #tpu.memory_space<vmem>>, %arg6: memref<1x128xf32, #tpu.memory_space<vmem>>, %arg7: memref<228x128xf32, #tpu.memory_space<vmem>>, %arg8: memref<1x128xf32, #tpu.memory_space<vmem>>, %arg9: memref<2000x128xf32, #tpu.memory_space<vmem>>) attributes {dimension_semantics = [#tpu.dimension_semantics<arbitrary>], iteration_bounds = array<i64: 5>, scalar_prefetch = 0 : i64, scratch_operands = 0 : i64, tpu.core_type = #tpu.core_type<tc>, window_params = [{transform_indices = @transform_0, window_bounds = array<i64: 2000, 100>}, {pipeline_mode = #tpu.pipeline_mode<synchronous>, transform_indices = @transform_1, window_bounds = array<i64: 50, 50>}, {pipeline_mode = #tpu.pipeline_mode<synchronous>, transform_indices = @transform_2, window_bounds = array<i64: 2, 50>}, {transform_indices = @transform_3, window_bounds = array<i64: 2, 2000, 128>}, {transform_indices = @transform_4, window_bounds = array<i64: 2000, 1>}, {pipeline_mode = #tpu.pipeline_mode<synchronous>, transform_indices = @transform_5, window_bounds = array<i64: 1, 128>}, {pipeline_mode = #tpu.pipeline_mode<synchronous>, transform_indices = @transform_6, window_bounds = array<i64: 228, 128>}, {pipeline_mode = #tpu.pipeline_mode<synchronous>, transform_indices = @transform_7, window_bounds = array<i64: 1, 128>}, {transform_indices = @transform_8, window_bounds = array<i64: 2000, 128>}]} {
    %get3A = arith.constant 0 : index
    %get3A_0 = arith.constant 0 : index
    %get3A_1 = vector.load %arg1[%get3A, %get3A_0] : memref<2000x100xf32, #tpu.memory_space<vmem>>, vector<2000x100xf32>
    %get3A_2 = arith.constant 0 : index
    %get3A_3 = arith.constant 0 : index
    %get3A_4 = vector.load %arg2[%get3A_2, %get3A_3] : memref<50x50xf32, #tpu.memory_space<vmem>>, vector<50x50xf32>
    %get3A_5 = arith.constant 0 : index
    %get3A_6 = arith.constant 0 : index
    %get3A_7 = vector.load %arg3[%get3A_5, %get3A_6] : memref<2x50xf32, #tpu.memory_space<vmem>>, vector<2x50xf32>
    %get3A_8 = arith.constant 0 : index
    %get3A_9 = arith.constant 0 : index
    %get3A_10 = arith.constant 0 : index
    %get3A_11 = vector.load %arg4[%get3A_8, %get3A_9, %get3A_10] : memref<2x2000x128xf32, #tpu.memory_space<vmem>>, vector<2x2000x128xf32>
    %get3A_12 = arith.constant 0 : index
    %get3A_13 = arith.constant 0 : index
    %get3A_14 = vector.load %arg5[%get3A_12, %get3A_13] : memref<2000x1xf32, #tpu.memory_space<vmem>>, vector<2000x1xf32>
    %get3A_15 = arith.constant 0 : index
    %get3A_16 = arith.constant 0 : index
    %get3A_17 = vector.load %arg6[%get3A_15, %get3A_16] : memref<1x128xf32, #tpu.memory_space<vmem>>, vector<1x128xf32>
    %get3A_18 = arith.constant 0 : index
    %get3A_19 = arith.constant 0 : index
    %get3A_20 = vector.load %arg7[%get3A_18, %get3A_19] : memref<228x128xf32, #tpu.memory_space<vmem>>, vector<228x128xf32>
    %get3A_21 = arith.constant 0 : index
    %get3A_22 = arith.constant 0 : index
    %get3A_23 = vector.load %arg8[%get3A_21, %get3A_22] : memref<1x128xf32, #tpu.memory_space<vmem>>, vector<1x128xf32>
    %slice3A = vector.extract_strided_slice %get3A_7 {offsets = [0, 0], sizes = [1, 50], strides = [1, 1]} : vector<2x50xf32> to vector<1x50xf32>
    %squeeze3A = vector.shape_cast %slice3A : vector<1x50xf32> to vector<50xf32>
    %slice3A_24 = vector.extract_strided_slice %get3A_7 {offsets = [1, 0], sizes = [1, 50], strides = [1, 1]} : vector<2x50xf32> to vector<1x50xf32>
    %squeeze3A_25 = vector.shape_cast %slice3A_24 : vector<1x50xf32> to vector<50xf32>
    %mul3A = arith.mulf %squeeze3A, %squeeze3A_25 : vector<50xf32>
    %reduce_sum3A = vector.shape_cast %mul3A : vector<50xf32> to vector<1x50xf32>
    %reduce_sum3A_26 = arith.constant dense<0.000000e+00> : vector<1xf32>
    %reduce_sum3A_27 = vector.multi_reduction <add>, %reduce_sum3A, %reduce_sum3A_26 [1] : vector<1x50xf32> to vector<1xf32>
    %reduce_sum3A_28 = vector.shape_cast %reduce_sum3A_27 : vector<1xf32> to vector<1x1xf32>
    %reduce_sum3A_29 = vector.extract %reduce_sum3A_28[0, 0] : f32 from vector<1x1xf32>
    %div3A = arith.constant 1.000000e+04 : f32
    %div3A_30 = arith.divf %reduce_sum3A_29, %div3A : f32
    %add3A = arith.constant 9.99999997E-7 : f32
    %add3A_31 = arith.addf %div3A_30, %add3A : f32
    %slice3A_32 = vector.extract_strided_slice %get3A_11 {offsets = [0, 0, 0], sizes = [1, 2000, 128], strides = [1, 1, 1]} : vector<2x2000x128xf32> to vector<1x2000x128xf32>
    %squeeze3A_33 = vector.shape_cast %slice3A_32 : vector<1x2000x128xf32> to vector<2000x128xf32>
    %slice3A_34 = vector.extract_strided_slice %get3A_11 {offsets = [1, 0, 0], sizes = [1, 2000, 128], strides = [1, 1, 1]} : vector<2x2000x128xf32> to vector<1x2000x128xf32>
    %squeeze3A_35 = vector.shape_cast %slice3A_34 : vector<1x2000x128xf32> to vector<2000x128xf32>
    %add3A_36 = arith.addf %squeeze3A_33, %squeeze3A_35 : vector<2000x128xf32>
    %mul3A_37 = vector.broadcast %get3A_14 : vector<2000x1xf32> to vector<2000x128xf32>
    %mul3A_38 = arith.mulf %mul3A_37, %add3A_36 : vector<2000x128xf32>
    %add3A_39 = vector.broadcast %get3A_17 : vector<1x128xf32> to vector<2000x128xf32>
    %add3A_40 = arith.addf %mul3A_38, %add3A_39 : vector<2000x128xf32>
    %max3A = arith.constant 0.000000e+00 : f32
    %max3A_41 = vector.broadcast %max3A : f32 to vector<2000x128xf32>
    %max3A_42 = arith.maximumf %add3A_40, %max3A_41 : vector<2000x128xf32>
    %slice3A_43 = vector.extract_strided_slice %get3A_1 {offsets = [0, 0], sizes = [2000, 50], strides = [1, 1]} : vector<2000x100xf32> to vector<2000x50xf32>
    %slice3A_44 = vector.extract_strided_slice %get3A_1 {offsets = [0, 50], sizes = [2000, 50], strides = [1, 1]} : vector<2000x100xf32> to vector<2000x50xf32>
    %slice3A_45 = vector.extract_strided_slice %get3A_20 {offsets = [0, 0], sizes = [50, 128], strides = [1, 1]} : vector<228x128xf32> to vector<50x128xf32>
    %dot_general3A = arith.constant dense<0.000000e+00> : vector<50x128xf32>
    %dot_general3A_46 = tpu.matmul %get3A_4, %slice3A_45, %dot_general3A {dimension_numbers = #tpu.dot_dimension_numbers<[1], [0], [0], [1], [0, 0, 1, 1], [], []>, transpose_lhs_hint = false} : vector<50x50xf32>, vector<50x128xf32>, vector<50x128xf32> -> vector<50x128xf32>
    %dot_general3A_47 = arith.constant dense<0.000000e+00> : vector<2000x128xf32>
    %dot_general3A_48 = tpu.matmul %slice3A_43, %dot_general3A_46, %dot_general3A_47 {dimension_numbers = #tpu.dot_dimension_numbers<[1], [0], [0], [1], [0, 0, 1, 1], [], []>, transpose_lhs_hint = false} : vector<2000x50xf32>, vector<50x128xf32>, vector<2000x128xf32> -> vector<2000x128xf32>
    %div3A_49 = vector.broadcast %add3A_31 : f32 to vector<2000x128xf32>
    %div3A_50 = arith.divf %dot_general3A_48, %div3A_49 : vector<2000x128xf32>
    %slice3A_51 = vector.extract_strided_slice %get3A_20 {offsets = [50, 0], sizes = [50, 128], strides = [1, 1]} : vector<228x128xf32> to vector<50x128xf32>
    %dot_general3A_52 = arith.constant dense<0.000000e+00> : vector<2000x128xf32>
    %dot_general3A_53 = tpu.matmul %slice3A_44, %slice3A_51, %dot_general3A_52 {dimension_numbers = #tpu.dot_dimension_numbers<[1], [0], [0], [1], [0, 0, 1, 1], [], []>, transpose_lhs_hint = false} : vector<2000x50xf32>, vector<50x128xf32>, vector<2000x128xf32> -> vector<2000x128xf32>
    %add3A_54 = arith.addf %div3A_50, %dot_general3A_53 : vector<2000x128xf32>
    %slice3A_55 = vector.extract_strided_slice %get3A_20 {offsets = [100, 0], sizes = [128, 128], strides = [1, 1]} : vector<228x128xf32> to vector<128x128xf32>
    %dot_general3A_56 = arith.constant dense<0.000000e+00> : vector<2000x128xf32>
    %dot_general3A_57 = tpu.matmul %max3A_42, %slice3A_55, %dot_general3A_56 {dimension_numbers = #tpu.dot_dimension_numbers<[1], [0], [0], [1], [0, 0, 1, 1], [], []>, transpose_lhs_hint = false} : vector<2000x128xf32>, vector<128x128xf32>, vector<2000x128xf32> -> vector<2000x128xf32>
    %add3A_58 = arith.addf %add3A_54, %dot_general3A_57 : vector<2000x128xf32>
    %add3A_59 = vector.broadcast %get3A_23 : vector<1x128xf32> to vector<2000x128xf32>
    %add3A_60 = arith.addf %add3A_58, %add3A_59 : vector<2000x128xf32>
    %swap3A = arith.constant 0 : index
    %swap3A_61 = arith.constant 0 : index
    %swap3A_62 = vector.load %arg9[%swap3A, %swap3A_61] : memref<2000x128xf32, #tpu.memory_space<vmem>>, vector<2000x128xf32>
    tpu.vector_store %arg9[%swap3A, %swap3A_61], %add3A_60 {strides = array<i32>} : memref<2000x128xf32, #tpu.memory_space<vmem>>, vector<2000x128xf32>,
    return
  }
  func.func @transform_0(%arg0: i32) -> (i32, i32) {
    %c0_i32 = arith.constant 0 : i32
    %c0_i32_0 = arith.constant 0 : i32
    return %arg0, %c0_i32 : i32, i32
  }
  func.func @transform_1(%arg0: i32) -> (i32, i32) {
    %c0_i32 = arith.constant 0 : i32
    %c0_i32_0 = arith.constant 0 : i32
    %c0_i32_1 = arith.constant 0 : i32
    return %c0_i32, %c0_i32_0 : i32, i32
  }
  func.func @transform_2(%arg0: i32) -> (i32, i32) {
    %c0_i32 = arith.constant 0 : i32
    %c0_i32_0 = arith.constant 0 : i32
    %c0_i32_1 = arith.constant 0 : i32
    return %c0_i32, %c0_i32_0 : i32, i32
  }
  func.func @transform_3(%arg0: i32) -> (i32, i32, i32) {
    %c0_i32 = arith.constant 0 : i32
    %c0_i32_0 = arith.constant 0 : i32
    %c0_i32_1 = arith.constant 0 : i32
    return %c0_i32, %arg0, %c0_i32_0 : i32, i32, i32
  }
  func.func @transform_4(%arg0: i32) -> (i32, i32) {
    %c0_i32 = arith.constant 0 : i32
    %c0_i32_0 = arith.constant 0 : i32
    return %arg0, %c0_i32 : i32, i32
  }
  func.func @transform_5(%arg0: i32) -> (i32, i32) {
    %c0_i32 = arith.constant 0 : i32
    %c0_i32_0 = arith.constant 0 : i32
    %c0_i32_1 = arith.constant 0 : i32
    return %c0_i32, %c0_i32_0 : i32, i32
  }
  func.func @transform_6(%arg0: i32) -> (i32, i32) {
    %c0_i32 = arith.constant 0 : i32
    %c0_i32_0 = arith.constant 0 : i32
    %c0_i32_1 = arith.constant 0 : i32
    return %c0_i32, %c0_i32_0 : i32, i32
  }
  func.func @transform_7(%arg0: i32) -> (i32, i32) {
    %c0_i32 = arith.constant 0 : i32
    %c0_i32_0 = arith.constant 0 : i32
    %c0_i32_1 = arith.constant 0 : i32
    return %c0_i32, %c0_i32_0 : i32, i32
  }
  func.func @transform_8(%arg0: i32) -> (i32, i32) {
    %c0_i32 = arith.constant 0 : i32
    %c0_i32_0 = arith.constant 0 : i32
    return %arg0, %c0_i32 : i32, i32
  }
}

module attributes {stable_mosaic.version = 14 : i64} {
  func.func @_pred_body(%arg0: i32, %arg1: memref<4096x128xf32, #tpu.memory_space<vmem>>, %arg2: memref<4096x128xf32, #tpu.memory_space<vmem>>, %arg3: memref<128x128xf32, #tpu.memory_space<vmem>>, %arg4: memref<1x128xf32, #tpu.memory_space<vmem>>, %arg5: memref<128x1xf32, #tpu.memory_space<vmem>>, %arg6: memref<1x1xf32, #tpu.memory_space<vmem>>, %arg7: memref<4096x1xf32, #tpu.memory_space<vmem>>) attributes {dimension_semantics = [#tpu.dimension_semantics<arbitrary>], iteration_bounds = array<i64: 16>, scalar_prefetch = 0 : i64, scratch_operands = 0 : i64, tpu.core_type = #tpu.core_type<tc>, window_params = [{transform_indices = @transform_0, window_bounds = array<i64: 4096, 128>}, {transform_indices = @transform_1, window_bounds = array<i64: 4096, 128>}, {pipeline_mode = #tpu.pipeline_mode<synchronous>, transform_indices = @transform_2, window_bounds = array<i64: 128, 128>}, {pipeline_mode = #tpu.pipeline_mode<synchronous>, transform_indices = @transform_3, window_bounds = array<i64: 1, 128>}, {pipeline_mode = #tpu.pipeline_mode<synchronous>, transform_indices = @transform_4, window_bounds = array<i64: 128, 1>}, {pipeline_mode = #tpu.pipeline_mode<synchronous>, transform_indices = @transform_5, window_bounds = array<i64: 1, 1>}, {transform_indices = @transform_6, window_bounds = array<i64: 4096, 1>}]} {
    %get3A = arith.constant 0 : index
    %get3A_0 = arith.constant 0 : index
    %get3A_1 = vector.load %arg1[%get3A, %get3A_0] : memref<4096x128xf32, #tpu.memory_space<vmem>>, vector<4096x128xf32>
    %get3A_2 = arith.constant 0 : index
    %get3A_3 = arith.constant 0 : index
    %get3A_4 = vector.load %arg2[%get3A_2, %get3A_3] : memref<4096x128xf32, #tpu.memory_space<vmem>>, vector<4096x128xf32>
    %mul3A = arith.mulf %get3A_1, %get3A_4 : vector<4096x128xf32>
    %get3A_5 = arith.constant 0 : index
    %get3A_6 = arith.constant 0 : index
    %get3A_7 = vector.load %arg3[%get3A_5, %get3A_6] : memref<128x128xf32, #tpu.memory_space<vmem>>, vector<128x128xf32>
    %dot_general3A = arith.constant dense<0.000000e+00> : vector<4096x128xf32>
    %dot_general3A_8 = tpu.matmul %mul3A, %get3A_7, %dot_general3A {dimension_numbers = #tpu.dot_dimension_numbers<[1], [0], [0], [1], [0, 0, 1, 1], [], []>, transpose_lhs_hint = false} : vector<4096x128xf32>, vector<128x128xf32>, vector<4096x128xf32> -> vector<4096x128xf32>
    %get3A_9 = arith.constant 0 : index
    %get3A_10 = arith.constant 0 : index
    %get3A_11 = vector.load %arg4[%get3A_9, %get3A_10] : memref<1x128xf32, #tpu.memory_space<vmem>>, vector<1x128xf32>
    %add3A = vector.broadcast %get3A_11 : vector<1x128xf32> to vector<4096x128xf32>
    %add3A_12 = arith.addf %dot_general3A_8, %add3A : vector<4096x128xf32>
    %max3A = arith.constant 0.000000e+00 : f32
    %max3A_13 = vector.broadcast %max3A : f32 to vector<4096x128xf32>
    %max3A_14 = arith.maximumf %add3A_12, %max3A_13 : vector<4096x128xf32>
    %get3A_15 = arith.constant 0 : index
    %get3A_16 = arith.constant 0 : index
    %get3A_17 = vector.load %arg5[%get3A_15, %get3A_16] : memref<128x1xf32, #tpu.memory_space<vmem>>, vector<128x1xf32>
    %dot_general3A_18 = arith.constant dense<0.000000e+00> : vector<4096x1xf32>
    %dot_general3A_19 = tpu.matmul %max3A_14, %get3A_17, %dot_general3A_18 {dimension_numbers = #tpu.dot_dimension_numbers<[1], [0], [0], [1], [0, 0, 1, 1], [], []>, transpose_lhs_hint = false} : vector<4096x128xf32>, vector<128x1xf32>, vector<4096x1xf32> -> vector<4096x1xf32>
    %get3A_20 = arith.constant 0 : index
    %get3A_21 = arith.constant 0 : index
    %get3A_22 = vector.load %arg6[%get3A_20, %get3A_21] : memref<1x1xf32, #tpu.memory_space<vmem>>, vector<1x1xf32>
    %add3A_23 = vector.broadcast %get3A_22 : vector<1x1xf32> to vector<4096x1xf32>
    %add3A_24 = arith.addf %dot_general3A_19, %add3A_23 : vector<4096x1xf32>
    %logistic3A = arith.negf %add3A_24 : vector<4096x1xf32>
    %logistic3A_25 = math.exp %logistic3A : vector<4096x1xf32>
    %logistic3A_26 = arith.constant 1.000000e+00 : f32
    %logistic3A_27 = vector.broadcast %logistic3A_26 : f32 to vector<4096x1xf32>
    %logistic3A_28 = arith.addf %logistic3A_27, %logistic3A_25 : vector<4096x1xf32>
    %logistic3A_29 = arith.divf %logistic3A_27, %logistic3A_28 : vector<4096x1xf32>
    %swap3A = arith.constant 0 : index
    %swap3A_30 = arith.constant 0 : index
    %swap3A_31 = vector.load %arg7[%swap3A, %swap3A_30] : memref<4096x1xf32, #tpu.memory_space<vmem>>, vector<4096x1xf32>
    tpu.vector_store %arg7[%swap3A, %swap3A_30], %logistic3A_29 {strides = array<i32>} : memref<4096x1xf32, #tpu.memory_space<vmem>>, vector<4096x1xf32>,
    return
  }
  func.func @transform_0(%arg0: i32) -> (i32, i32) {
    %c0_i32 = arith.constant 0 : i32
    %c0_i32_0 = arith.constant 0 : i32
    return %arg0, %c0_i32 : i32, i32
  }
  func.func @transform_1(%arg0: i32) -> (i32, i32) {
    %c0_i32 = arith.constant 0 : i32
    %c0_i32_0 = arith.constant 0 : i32
    return %arg0, %c0_i32 : i32, i32
  }
  func.func @transform_2(%arg0: i32) -> (i32, i32) {
    %c0_i32 = arith.constant 0 : i32
    %c0_i32_0 = arith.constant 0 : i32
    %c0_i32_1 = arith.constant 0 : i32
    return %c0_i32, %c0_i32_0 : i32, i32
  }
  func.func @transform_3(%arg0: i32) -> (i32, i32) {
    %c0_i32 = arith.constant 0 : i32
    %c0_i32_0 = arith.constant 0 : i32
    %c0_i32_1 = arith.constant 0 : i32
    return %c0_i32, %c0_i32_0 : i32, i32
  }
  func.func @transform_4(%arg0: i32) -> (i32, i32) {
    %c0_i32 = arith.constant 0 : i32
    %c0_i32_0 = arith.constant 0 : i32
    %c0_i32_1 = arith.constant 0 : i32
    return %c0_i32, %c0_i32_0 : i32, i32
  }
  func.func @transform_5(%arg0: i32) -> (i32, i32) {
    %c0_i32 = arith.constant 0 : i32
    %c0_i32_0 = arith.constant 0 : i32
    %c0_i32_1 = arith.constant 0 : i32
    return %c0_i32, %c0_i32_0 : i32, i32
  }
  func.func @transform_6(%arg0: i32) -> (i32, i32) {
    %c0_i32 = arith.constant 0 : i32
    %c0_i32_0 = arith.constant 0 : i32
    return %arg0, %c0_i32 : i32, i32
  }
}

</mosaic_0001>

<sc_bundles>
// kernel: kernel.13.cloned.1.call-start
scs
__scs_entry_jumppad:
0x0: {  	(pc) =	sbr.rel $0x88, $3  }
0x1: {  	(tag) =	ssettag $0x0;
	lr =	simm.s32 $0x1  }
0x2: {  	[smem:$0x3F8C] =	sst lr;
	_ =	strace $0xD0000000  }
0x3: {  	_ = 	snop  }
0x4: {  	_ = 	snop  }
0x5: {  	_ = 	snop  }
0x6: {  	_ = 	snop  }
0x7: {  	_ = 	snop  }
__scs_overlays_trampoline_lowered:
0x8: {  	[smem:$0x3F9B] =	sst s0  }
0x9: {  	[smem:$0x3F9C] =	sst s1  }
0xa: {  	[smem:$0x3F9D] =	sst s2  }
0xb: {  	[smem:$0x3F9E] =	sst s3  }
0xc: {  	[smem:$0x3F9F] =	sst s4  }
0xd: {  	[smem:$0x3FA0] =	sst s5  }
0xe: {  	[smem:$0x3FA1] =	sst s6  }
0xf: {  	[smem:$0x3FA2] =	sst s7  }
0x10: {  	[smem:$0x3FA3] =	sst s8  }
0x11: {  	[smem:$0x3FA4] =	sst s9;
	s0 =	simm.s32 @!p0 $0x0  }
0x12: {  	s1 =	sld [smem:$0x3F8A];
	s0 =	simm.s32 @p0 $0x1  }
0x13: {  	[smem:$0x3FA5] =	sst s0;
	s0 =	simm.s32 @!p1 $0x0  }
0x14: {  	s2 =	sld [smem:$0x3F89];
	s0 =	simm.s32 @p1 $0x1  }
0x15: {  	[smem:$0x3FA6] =	sst s0;
	s0 =	simm.s32 @!p2 $0x0  }
0x16: {  	s3 =	sld [smem:$0x3FDB];
	s0 =	simm.s32 @p2 $0x1  }
0x17: {  	s4 =	simm.s32 $0x1BF5;
	[smem:$0x3FA8] =	sst s0  }
0x18: {  	s0 =	sld [smem:$0x3F8B];
	_ =	swait.ge [sflag:s4], $0x0  }
0x19: {  	s7 =	sld [smem:$0x3F8C]  }
0x1a: {  	s8 =	sadd.s32 $0xFFFFE003, lr  }
0x1b: {  	s9 =	sadd.s32 $0xFFFFFEF7, lr;
	s5 =	simm.s32 $0xFFFFFFFF;
	p2 =	slt.u32 s8, $0xFFFFF086  }
0x1c: {  	p1 =	slt.u32 s9, $0xF7A;
	s5 =	simm.s32 @!p2 $0x0  }
0x1d: {  	s5 =	simm.s32 @p1 $0x1;
	p0 =	seq.s32 s7, s2  }
0x1e: {  	s7 =	smul.u32 @!p0 $0xF7A, s2;
	p2 =	seq.s32 @!p0 s5, $0x0  }
0x1f: {  	s9 =	smul.u32 $0xF7A, s1;
	s8 =	simm.s32 @!p0 $0x1BF5;
	p2 =	por !p2, p0  }
0x20: {  	[sflag:s8] =	ssyncset.s32 @!p0 $0xFFFFF086;
	s6 =	sadd.s32 @!p0 s3, s7;
	s7 =	simm.s32 @!p0 $0x108  }
0x21: {  	s3 =	sadd.s32 s3, s9;
	s6 =	sadd.s32 @!p0 $0x88, s6;
	s7 =	simm.s32 @p2 $0x1082  }
0x22: {  	[simem:s7], [sflag:s8] =	dma.local @!p0 [hbm:s6], $0xF7A  }
0x23: {  	s9 =	sor.u32 $0xD0000000, s2;
	s6 =	simm.s32 $0x108;
	_ =	swait.ge @!p0 [sflag:s8], $0x0  }
0x24: {  	s3 =	sadd.s32 $0x88, s3;
	s6 =	simm.s32 @!p1 $0x1082;
	[sflag:s4] =	ssyncset.s32 $0xFFFFF086  }
0x25: {  	[simem:s6], [sflag:s4] =	dma.local [hbm:s3], $0xF7A  }
0x26: {  	[smem:$0x3F8C] =	sst s1;
	(tag) =	ssettag s2;
	_ =	strace s9  }
0x27: {  	s1 =	sld [smem:$0x3F9C]  }
0x28: {  	s2 =	sld [smem:$0x3F9D]  }
0x29: {  	s4 =	sld [smem:$0x3F9F]  }
0x2a: {  	p0 =	seq.s32 s5, $0x0;
	s5 =	sld [smem:$0x3FA0]  }
0x2b: {  	s6 =	sld [smem:$0x3FA1]  }
0x2c: {  	s7 =	sld [smem:$0x3FA2]  }
0x2d: {  	s3 =	simm.s32 $0x108;
	s8 =	sld [smem:$0x3FA3]  }
0x2e: {  	s3 =	simm.s32 @!p0 $0x1082;
	s9 =	sld [smem:$0x3FA4]  }
0x2f: {  	lr =	sadd.s32 s0, s3;
	s0 =	sld [smem:$0x3F9B]  }
0x30: {  	s3 =	sld [smem:$0x3F9E]  }
0x31: {  	[smem:$0x3FA7] =	sst s10  }
0x32: {  	s10 =	sld [smem:$0x3FA5];
	_ =	sdelay $0x3  }
0x33: {  	p0 =	seq.s32 s10, $0x1;
	s10 =	sld [smem:$0x3FA7];
	_ =	sdelay $0x3  }
0x34: {  	[smem:$0x3FA7] =	sst s10  }
0x35: {  	s10 =	sld [smem:$0x3FA6];
	_ =	sdelay $0x3  }
0x36: {  	p1 =	seq.s32 s10, $0x1;
	s10 =	sld [smem:$0x3FA7];
	_ =	sdelay $0x3  }
0x37: {  	[smem:$0x3FA7] =	sst s10  }
0x38: {  	s10 =	sld [smem:$0x3FA8]  }
0x39: {  	_ = 	snop;
	(pc) =	sbr.ind lr, $3  }
0x3a: {  	_ = 	snop  }
0x3b: {  	_ = 	snop  }
0x3c: {  	p2 =	seq.s32 s10, $0x1;
	s10 =	sld [smem:$0x3FA7]  }
0x3d: {  	_ =	shalt  }
0x3e: {  	_ =	shalt  }
0x3f: {  	_ =	shalt  }
0x40: {  	_ =	shalt  }
0x41: {  	_ =	shalt  }
0x42: {  	_ =	shalt  }
0x43: {  	_ =	shalt  }
0x44: {  	_ =	shalt  }
0x45: {  	_ =	shalt  }
0x46: {  	_ =	shalt  }
0x47: {  	_ =	shalt  }
0x48: {  	_ =	shalt  }
0x49: {  	_ =	shalt  }
0x4a: {  	_ =	shalt  }
0x4b: {  	_ =	shalt  }
0x4c: {  	_ =	shalt  }
0x4d: {  	_ =	shalt  }
0x4e: {  	_ =	shalt  }
0x4f: {  	_ =	shalt  }
0x50: {  	_ =	shalt  }
0x51: {  	_ =	shalt  }
0x52: {  	_ =	shalt  }
0x53: {  	_ =	shalt  }
0x54: {  	_ =	shalt  }
0x55: {  	_ =	shalt  }
0x56: {  	_ =	shalt  }
0x57: {  	_ =	shalt  }
0x58: {  	_ =	shalt  }
0x59: {  	_ =	shalt  }
0x5a: {  	_ =	shalt  }
0x5b: {  	_ =	shalt  }
0x5c: {  	_ =	shalt  }
0x5d: {  	_ =	shalt  }
0x5e: {  	_ =	shalt  }
0x5f: {  	_ =	shalt  }
0x60: {  	_ =	shalt  }
0x61: {  	_ =	shalt  }
0x62: {  	_ =	shalt  }
0x63: {  	_ =	shalt  }
0x64: {  	_ =	shalt  }
0x65: {  	_ =	shalt  }
0x66: {  	_ =	shalt  }
0x67: {  	_ =	shalt  }
0x68: {  	_ =	shalt  }
0x69: {  	_ =	shalt  }
0x6a: {  	_ =	shalt  }
0x6b: {  	_ =	shalt  }
0x6c: {  	_ =	shalt  }
0x6d: {  	_ =	shalt  }
0x6e: {  	_ =	shalt  }
0x6f: {  	_ =	shalt  }
0x70: {  	_ =	shalt  }
0x71: {  	_ =	shalt  }
0x72: {  	_ =	shalt  }
0x73: {  	_ =	shalt  }
0x74: {  	_ =	shalt  }
0x75: {  	_ =	shalt  }
0x76: {  	_ =	shalt  }
0x77: {  	_ =	shalt  }
0x78: {  	_ =	shalt  }
0x79: {  	_ =	shalt  }
0x7a: {  	_ =	shalt  }
0x7b: {  	_ =	shalt  }
0x7c: {  	_ =	shalt  }
0x7d: {  	_ =	shalt  }
0x7e: {  	_ =	shalt  }
0x7f: {  	_ =	shalt  }
0x80: {  	_ =	shalt  }
0x81: {  	_ =	shalt  }
0x82: {  	_ =	shalt  }
0x83: {  	_ =	shalt  }
0x84: {  	_ =	shalt  }
0x85: {  	_ =	shalt  }
0x86: {  	_ =	shalt  }
0x87: {  	_ =	shalt  }
.Lfunc_end0:
.L_simem_size_0:
called_computation_lowered:
.L_overlay_start_0:
0x88: {  	s2 =	sld [smem:$0x3FD9]  }
0x89: {  	s3 =	sld [smem:$0x3FFE];
	_ =	sdelay $0x1  }
0x8a: {  	s1 =	srdreg.scid  }
0x8b: {  	s0 =	sand.u32 $0x1, s1  }
0x8c: {  	s16 =	sshll.u32 s0, $0xA;
	s2 =	sadd.s32 s3, s2  }
0x8d: {  	s2 =	sadd.s32 s2, s16  }
0x8e: {  	[smem:$0x3FB3] =	sst s2  }
0x8f: {  	_ = 	snop  }
0x90: {  	(tm) =	ssettm $0x1  }
0x91: {  	s17 =	sld [smem:$0x3FFB];
	_ =	sdelay $0x3  }
0x92: {  	_ =	strace s17  }
0x93: {  	s2 =	sld [smem:$0x3FFC];
	_ =	sdelay $0x3  }
0x94: {  	_ =	strace s2  }
0x95: {  	s2 =	sld [smem:$0x3FFD];
	_ =	sdelay $0x3  }
0x96: {  	_ =	strace s2  }
0x97: {  	_ =	strace $0x8FFFFFFF  }
0x98: {  	s18 =	sld [smem:$0x3FDB];
	_ =	sdelay $0x1  }
0x99: {  	s19 =	simm.s32 $_scs_section_size  }
0x9a: {  	s4 =	simm.s32 $_size__tile_overlayer_lowered;
	s5 =	simm.s32 $_tile_overlayer_lowered  }
0x9b: {  	s22 =	simm.s32 $0x1BFF;
	s21 =	sshll.u32 s5, $0x1;
	s2 =	sadd.s32 s19, s18  }
0x9c: {  	s6 =	simm.s32 $0x0;
	s20 =	sshll.u32 s4, $0x1;
	s4 =	sadd.s32 s21, s2  }
0x9d: {  	[timem:s6], [sflag:s22] =	dma.local [hbm:s4], s20  }
0x9e: {  	_ =	swait.ge [sflag:s22], s20  }
0x9f: {  	s3 =	ssub.s32 $0x0, s20;
	[sflag:s22] =	ssyncset.done $0x0  }
0xa0: {  	[sflag:s22] =	ssyncadd.s32 s3;
	_ =	sdelay $0x1  }
0xa1: {  	s23 =	simm.s32 $0x1B8B  }
0xa2: {  	_ =	swait.ge [sflag:s23], $0x1  }
0xa3: {  	[sflag:s23] =	ssyncset.done $0x0  }
0xa4: {  	s25 =	simm.s32 $0x1B8E;
	s24 =	sld [smem:$0x3FFE];
	[sflag:s23] =	ssyncadd.s32 $0xFFFFFFFF  }
0xa5: {  	s26 =	simm.s32 $execute0_lowered;
	[smem:$0x3FD2] =	sst s25  }
0xa6: {  	s4 =	sshll.u32 s26, $0x1;
	_ =	strace $0x80000046;
	[dreg:$0x1] =	wrdreg $0xFFFFFFFF  }
0xa7: {  	s28 =	simm.s32 $_size_execute0_lowered;
	s2 =	sadd.s32 s2, s4;
	[dreg:$0x0] =	wrdreg $0x0  }
0xa8: {  	s4 =	sshll.u32 s28, $0x1;
	[dreg:$0x2] =	wrdreg s2  }
0xa9: {  	[dreg:$0x3] =	wrdreg s4  }
0xaa: {  	[dreg:$0x4] =	wrdreg $0xC0  }
0xab: {  	_ =	task [dreg:s6], $0x5FFFF  }
0xac: {  	[dreg:$0x1] =	wrdreg $0xFFFFFFFF  }
0xad: {  	[dreg:$0x0] =	wrdreg $0x60  }
0xae: {  	[dreg:$0x2] =	wrdreg s24  }
0xaf: {  	[dreg:$0x3] =	wrdreg $0x9  }
0xb0: {  	_ =	task.clear_ibuf [dreg:s6], $0x4FFFF;
	_ =	strace $0x90000046  }
0xb1: {  	s29 =	simm.s32 $0x9;
	_ =	strace $0x80000048  }
0xb2: {  	_ =	swait.ge [sflag:s29], $0x1  }
0xb3: {  	[sflag:s29] =	ssyncadd.s32 $0xFFFFFFFF  }
0xb4: {  	_ =	strace $0x90000048  }
0xb5: {  	_ =	sfence  }
0xb6: {  	s30 =	sld [smem:$0x0];
	_ =	sdelay $0x2  }
0xb7: {  	s31 =	sshll.u32 s1, $0xD;
	s1 =	sshrl.u32 s1, $0x2  }
0xb8: {  	s3 =	sand.u32 $0x4000, s31;
	s1 =	sadd.s32 s1, s30  }
0xb9: {  	s0 =	sor.u32 s3, s0;
	s1 =	sshll.u32 s1, $0x11  }
0xba: {  	s0 =	sor.u32 s1, s0  }
0xbb: {  	s0 =	sadd.s32 $0x8F2B, s0  }
0xbc: {  	[sflag:s0] =	ssyncadd.remote.s32 $0x1  }
0xbd: {  	_ =	sfence.sel $0xFFFF  }
0xbe: {  	[dreg:$0x0] =	wrdreg $0xFFFFFFFF;
	(pc) =	sbr.abs _section_cstart, $3  }
0xbf: {  	[dreg:$0x1] =	wrdreg $0xFFFFFFFF  }
0xc0: {  	_ =	task.clear_ibuf [dreg:s6], $0x2FFFF;
	_ =	strace $0x9FFFFFFF  }
0xc1: {  	(tm) =	ssettm $0x7FFFFFFF  }
tec
execute0_lowered:
.L_overlay_start_1:
0x0: {  	(tag) =	ssettag $0x1  }
0x1: {  	s0 =	srdreg.scid  }
0x2: {  	s3 =	sand.u32 $0x1, s0  }
0x3: {  	s4 =	rddreg [dreg:$0x0];
	s0 =	stileid.u32;
	s1 =	sshll.u32 s3, $0x4  }
0x4: {  	s2 =	simm.s32 $0x0;
	s8 =	simm.s32 $0x0;
	s5 =	sor.u32 s0, s1  }
0x5: {  	[smem:$0x7FF] =	sst s2;
	s3 =	ssub.s32 $0x2, s3;
	s6 =	smul.u32 $0x4EC, s5  }
0x6: {  	s1 =	rddreg [dreg:$0x1];
	s7 =	sshrl.u32 s3, $0x1;
	s5 =	smul.u32 $0x4F0, s5  }
0x7: {  	_ =	strace $0x80000047;
	s31 =	ssub.s32 s3, s7;
	s7 =	simm.s32 $0x2760  }
0x8: {  	s6 =	sadd.s32 s6, s4;
	s4 =	sadd.s32 s5, s4;
	s5 =	smax.u32 s31, $0x1  }
0x9: {  	v0 =	vimm.f32 $0.0e+00;
	v1 =	vimm.f32 $1.000000000e+00;
	s3 =	sadd.s32 $0x4800, s6;
	s4 =	sadd.s32 $0xE600, s4;
	s6 =	simm.s32 $0x1  }
.LBB2_1:
0xa: {  	[tilespmem:s2], [sflag:$0x1] =	stream.linear.gather [hbm4b:s3+s2], $0x2760, $0x38;
	[tilespmem:$0x4EE0] =	vst v63  }
0xb: {  	_ =	swait.ge [sflag:s6], $0x2760  }
0xc: {  	[sflag:s6] =	ssyncset.done $0x0  }
0xd: {  	s9 =	simm.s32 $0x0;
	[sflag:s6] =	ssyncadd.s32 $0xFFFFD8A0  }
.LBB2_2:
0xe: {  	p0 =	sne.s32 s9, $0x9DC0  }
.Ltmp0:
0xf: {  	_ = 	snop;
	(pc) =	sbr.rel @p0 .LBB2_2-.Ltmp0, $3  }
0x10: {  	_ =	sdelay $0x1  }
0x11: {  	s10 =	sshra.s32 s9, $0x2  }
0x12: {  	s9 =	sadd.s32 $0x40, s9;
	[tilespmem:s10+$0x2760] =	vst v0  }
0x13: {  	s10 =	simm.s32 $0x0;
	s9 =	simm.s32 $0x40  }
.LBB2_4:
0x14: {  	p0 =	sne.s32 s9, $0x9D40;
	v2 =	vld [tilespmem:s10+$0x0];
	_ =	sdelay $0x3  }
.Ltmp1:
0x15: {  	(pc) =	sbr.rel @p0 .LBB2_4-.Ltmp1, $2  }
0x16: {  	_ =	sdelay $0x2  }
0x17: {  	s10 =	sshra.s32 s9, $0x2;
	s9 =	sadd.s32 $0x40, s9;
	[tilespmem:v2+s7+$0x0] =	vst.idx.add.f32.msk $0xffff, v1  }
0x18: {  	v2 =	vld [tilespmem:s10+$0x0];
	_ =	sdelay $0x5  }
0x19: {  	s8 =	sadd.s32 $0x1, s8  }
0x1a: {  	p0 =	sne.s32 s8, s5  }
.Ltmp2:
0x1b: {  	[tilespmem:v2+s7+$0x0] =	vst.idx.add.f32.msk $0xffff, v1;
	(pc) =	sbr.rel @p0 .LBB2_1-.Ltmp2, $4  }
0x1c: {  	[hbm4b:s4+s2] =	stream.linear.scatter [tilespmem:s7], [sflag:$0x1], $0x2780, $0x38;
	[tilespmem:$0x4EE0] =	vst v63  }
0x1d: {  	_ =	swait.ge [sflag:s6], $0x2780  }
0x1e: {  	[sflag:s6] =	ssyncset.done $0x0  }
0x1f: {  	[sflag:s6] =	ssyncadd.s32 $0xFFFFD880  }
0x20: {  	_ =	sfence.sel $0x180000  }
0x21: {  	[bflag:$0x0] =	sbarrier.arrive $0xFFFF  }
0x22: {  	p0 =	sne.s32 s0, $0x0;
	_ =	strace $0x90000047  }
0x23: {  	s0 =	sadd.s32 @!p0 $0x100000, s1;
	[bflag:$0x2] =	sbarrier.arrive $0xFFFF  }
0x24: {  	[sflag:s0] =	ssyncadd.tile.s32 @!p0 $0x1;
	_ =	shalt  }
.Lfunc_end2:
_tile_overlayer_lowered:
.L_overlay_start_2:
0x25: {  	(tag) =	ssettag $0x2  }
0x26: {  	s0 =	rddreg [dreg:$0x0];
	s2 =	stileid.u32  }
0x27: {  	s1 =	rddreg [dreg:$0x1];
	p0 =	sne.s32 s2, $0x0  }
0x28: {  	s3 =	rddreg [dreg:$0x2];
	[bflag:$0x3] =	sbarrier.arrive $0xFFFF;
	s2 =	simm.s32 @!p0 $0x1C01  }
0x29: {  	[timem:s3], [sflag:s2] =	dma.local @!p0 [hbm:s0], s1  }
0x2a: {  	s0 =	simm.s32 @!p0 $0x1  }
0x2b: {  	_ =	swait.ge @!p0 [sflag:s0], s1  }
0x2c: {  	s1 =	ssub.s32 @!p0 $0x0, s1;
	[sflag:s0] =	ssyncset.done @!p0 $0x0  }
0x2d: {  	[sflag:s0] =	ssyncadd.s32 @!p0 s1  }
0x2e: {  	[bflag:$0x3] =	sbarrier.arrive $0xFFFF  }
0x2f: {  	_ =	shalt  }

// kernel: kernel.16.cloned.1.call-start
scs
__scs_entry_jumppad:
0x0: {  	(pc) =	sbr.rel $0x88, $3  }
0x1: {  	(tag) =	ssettag $0x0;
	lr =	simm.s32 $0x1  }
0x2: {  	[smem:$0x3F8C] =	sst lr;
	_ =	strace $0xD0000000  }
0x3: {  	_ = 	snop  }
0x4: {  	_ = 	snop  }
0x5: {  	_ = 	snop  }
0x6: {  	_ = 	snop  }
0x7: {  	_ = 	snop  }
__scs_overlays_trampoline_lowered:
0x8: {  	[smem:$0x3F9B] =	sst s0  }
0x9: {  	[smem:$0x3F9C] =	sst s1  }
0xa: {  	[smem:$0x3F9D] =	sst s2  }
0xb: {  	[smem:$0x3F9E] =	sst s3  }
0xc: {  	[smem:$0x3F9F] =	sst s4  }
0xd: {  	[smem:$0x3FA0] =	sst s5  }
0xe: {  	[smem:$0x3FA1] =	sst s6  }
0xf: {  	[smem:$0x3FA2] =	sst s7  }
0x10: {  	[smem:$0x3FA3] =	sst s8  }
0x11: {  	[smem:$0x3FA4] =	sst s9;
	s0 =	simm.s32 @!p0 $0x0  }
0x12: {  	s1 =	sld [smem:$0x3F8A];
	s0 =	simm.s32 @p0 $0x1  }
0x13: {  	[smem:$0x3FA5] =	sst s0;
	s0 =	simm.s32 @!p1 $0x0  }
0x14: {  	s2 =	sld [smem:$0x3F89];
	s0 =	simm.s32 @p1 $0x1  }
0x15: {  	[smem:$0x3FA6] =	sst s0;
	s0 =	simm.s32 @!p2 $0x0  }
0x16: {  	s3 =	sld [smem:$0x3FDB];
	s0 =	simm.s32 @p2 $0x1  }
0x17: {  	s4 =	simm.s32 $0x1BF5;
	[smem:$0x3FA8] =	sst s0  }
0x18: {  	s0 =	sld [smem:$0x3F8B];
	_ =	swait.ge [sflag:s4], $0x0  }
0x19: {  	s7 =	sld [smem:$0x3F8C]  }
0x1a: {  	s8 =	sadd.s32 $0xFFFFE003, lr  }
0x1b: {  	s9 =	sadd.s32 $0xFFFFFEF7, lr;
	s5 =	simm.s32 $0xFFFFFFFF;
	p2 =	slt.u32 s8, $0xFFFFF086  }
0x1c: {  	p1 =	slt.u32 s9, $0xF7A;
	s5 =	simm.s32 @!p2 $0x0  }
0x1d: {  	s5 =	simm.s32 @p1 $0x1;
	p0 =	seq.s32 s7, s2  }
0x1e: {  	s7 =	smul.u32 @!p0 $0xF7A, s2;
	p2 =	seq.s32 @!p0 s5, $0x0  }
0x1f: {  	s9 =	smul.u32 $0xF7A, s1;
	s8 =	simm.s32 @!p0 $0x1BF5;
	p2 =	por !p2, p0  }
0x20: {  	[sflag:s8] =	ssyncset.s32 @!p0 $0xFFFFF086;
	s6 =	sadd.s32 @!p0 s3, s7;
	s7 =	simm.s32 @!p0 $0x108  }
0x21: {  	s3 =	sadd.s32 s3, s9;
	s6 =	sadd.s32 @!p0 $0x88, s6;
	s7 =	simm.s32 @p2 $0x1082  }
0x22: {  	[simem:s7], [sflag:s8] =	dma.local @!p0 [hbm:s6], $0xF7A  }
0x23: {  	s9 =	sor.u32 $0xD0000000, s2;
	s6 =	simm.s32 $0x108;
	_ =	swait.ge @!p0 [sflag:s8], $0x0  }
0x24: {  	s3 =	sadd.s32 $0x88, s3;
	s6 =	simm.s32 @!p1 $0x1082;
	[sflag:s4] =	ssyncset.s32 $0xFFFFF086  }
0x25: {  	[simem:s6], [sflag:s4] =	dma.local [hbm:s3], $0xF7A  }
0x26: {  	[smem:$0x3F8C] =	sst s1;
	(tag) =	ssettag s2;
	_ =	strace s9  }
0x27: {  	s1 =	sld [smem:$0x3F9C]  }
0x28: {  	s2 =	sld [smem:$0x3F9D]  }
0x29: {  	s4 =	sld [smem:$0x3F9F]  }
0x2a: {  	p0 =	seq.s32 s5, $0x0;
	s5 =	sld [smem:$0x3FA0]  }
0x2b: {  	s6 =	sld [smem:$0x3FA1]  }
0x2c: {  	s7 =	sld [smem:$0x3FA2]  }
0x2d: {  	s3 =	simm.s32 $0x108;
	s8 =	sld [smem:$0x3FA3]  }
0x2e: {  	s3 =	simm.s32 @!p0 $0x1082;
	s9 =	sld [smem:$0x3FA4]  }
0x2f: {  	lr =	sadd.s32 s0, s3;
	s0 =	sld [smem:$0x3F9B]  }
0x30: {  	s3 =	sld [smem:$0x3F9E]  }
0x31: {  	[smem:$0x3FA7] =	sst s10  }
0x32: {  	s10 =	sld [smem:$0x3FA5];
	_ =	sdelay $0x3  }
0x33: {  	p0 =	seq.s32 s10, $0x1;
	s10 =	sld [smem:$0x3FA7];
	_ =	sdelay $0x3  }
0x34: {  	[smem:$0x3FA7] =	sst s10  }
0x35: {  	s10 =	sld [smem:$0x3FA6];
	_ =	sdelay $0x3  }
0x36: {  	p1 =	seq.s32 s10, $0x1;
	s10 =	sld [smem:$0x3FA7];
	_ =	sdelay $0x3  }
0x37: {  	[smem:$0x3FA7] =	sst s10  }
0x38: {  	s10 =	sld [smem:$0x3FA8]  }
0x39: {  	_ = 	snop;
	(pc) =	sbr.ind lr, $3  }
0x3a: {  	_ = 	snop  }
0x3b: {  	_ = 	snop  }
0x3c: {  	p2 =	seq.s32 s10, $0x1;
	s10 =	sld [smem:$0x3FA7]  }
0x3d: {  	_ =	shalt  }
0x3e: {  	_ =	shalt  }
0x3f: {  	_ =	shalt  }
0x40: {  	_ =	shalt  }
0x41: {  	_ =	shalt  }
0x42: {  	_ =	shalt  }
0x43: {  	_ =	shalt  }
0x44: {  	_ =	shalt  }
0x45: {  	_ =	shalt  }
0x46: {  	_ =	shalt  }
0x47: {  	_ =	shalt  }
0x48: {  	_ =	shalt  }
0x49: {  	_ =	shalt  }
0x4a: {  	_ =	shalt  }
0x4b: {  	_ =	shalt  }
0x4c: {  	_ =	shalt  }
0x4d: {  	_ =	shalt  }
0x4e: {  	_ =	shalt  }
0x4f: {  	_ =	shalt  }
0x50: {  	_ =	shalt  }
0x51: {  	_ =	shalt  }
0x52: {  	_ =	shalt  }
0x53: {  	_ =	shalt  }
0x54: {  	_ =	shalt  }
0x55: {  	_ =	shalt  }
0x56: {  	_ =	shalt  }
0x57: {  	_ =	shalt  }
0x58: {  	_ =	shalt  }
0x59: {  	_ =	shalt  }
0x5a: {  	_ =	shalt  }
0x5b: {  	_ =	shalt  }
0x5c: {  	_ =	shalt  }
0x5d: {  	_ =	shalt  }
0x5e: {  	_ =	shalt  }
0x5f: {  	_ =	shalt  }
0x60: {  	_ =	shalt  }
0x61: {  	_ =	shalt  }
0x62: {  	_ =	shalt  }
0x63: {  	_ =	shalt  }
0x64: {  	_ =	shalt  }
0x65: {  	_ =	shalt  }
0x66: {  	_ =	shalt  }
0x67: {  	_ =	shalt  }
0x68: {  	_ =	shalt  }
0x69: {  	_ =	shalt  }
0x6a: {  	_ =	shalt  }
0x6b: {  	_ =	shalt  }
0x6c: {  	_ =	shalt  }
0x6d: {  	_ =	shalt  }
0x6e: {  	_ =	shalt  }
0x6f: {  	_ =	shalt  }
0x70: {  	_ =	shalt  }
0x71: {  	_ =	shalt  }
0x72: {  	_ =	shalt  }
0x73: {  	_ =	shalt  }
0x74: {  	_ =	shalt  }
0x75: {  	_ =	shalt  }
0x76: {  	_ =	shalt  }
0x77: {  	_ =	shalt  }
0x78: {  	_ =	shalt  }
0x79: {  	_ =	shalt  }
0x7a: {  	_ =	shalt  }
0x7b: {  	_ =	shalt  }
0x7c: {  	_ =	shalt  }
0x7d: {  	_ =	shalt  }
0x7e: {  	_ =	shalt  }
0x7f: {  	_ =	shalt  }
0x80: {  	_ =	shalt  }
0x81: {  	_ =	shalt  }
0x82: {  	_ =	shalt  }
0x83: {  	_ =	shalt  }
0x84: {  	_ =	shalt  }
0x85: {  	_ =	shalt  }
0x86: {  	_ =	shalt  }
0x87: {  	_ =	shalt  }
.Lfunc_end0:
.L_simem_size_0:
called_computation.1_lowered:
.L_overlay_start_0:
0x88: {  	s2 =	sld [smem:$0x3FD9]  }
0x89: {  	s3 =	sld [smem:$0x3FFE];
	_ =	sdelay $0x1  }
0x8a: {  	s1 =	srdreg.scid  }
0x8b: {  	s0 =	sand.u32 $0x1, s1  }
0x8c: {  	s16 =	sshll.u32 s0, $0xA;
	s2 =	sadd.s32 s3, s2  }
0x8d: {  	s2 =	sadd.s32 s2, s16  }
0x8e: {  	[smem:$0x3FB3] =	sst s2  }
0x8f: {  	_ = 	snop  }
0x90: {  	(tm) =	ssettm $0x1  }
0x91: {  	s17 =	sld [smem:$0x3FFB];
	_ =	sdelay $0x3  }
0x92: {  	_ =	strace s17  }
0x93: {  	s2 =	sld [smem:$0x3FFC];
	_ =	sdelay $0x3  }
0x94: {  	_ =	strace s2  }
0x95: {  	s2 =	sld [smem:$0x3FFD];
	_ =	sdelay $0x3  }
0x96: {  	_ =	strace s2  }
0x97: {  	_ =	strace $0x8FFFFFFF  }
0x98: {  	s18 =	sld [smem:$0x3FDB];
	_ =	sdelay $0x1  }
0x99: {  	s19 =	simm.s32 $_scs_section_size  }
0x9a: {  	s4 =	simm.s32 $_size__tile_overlayer_lowered;
	s5 =	simm.s32 $_tile_overlayer_lowered  }
0x9b: {  	s22 =	simm.s32 $0x1BFF;
	s21 =	sshll.u32 s5, $0x1;
	s2 =	sadd.s32 s19, s18  }
0x9c: {  	s6 =	simm.s32 $0x0;
	s20 =	sshll.u32 s4, $0x1;
	s4 =	sadd.s32 s21, s2  }
0x9d: {  	[timem:s6], [sflag:s22] =	dma.local [hbm:s4], s20  }
0x9e: {  	_ =	swait.ge [sflag:s22], s20  }
0x9f: {  	s3 =	ssub.s32 $0x0, s20;
	[sflag:s22] =	ssyncset.done $0x0  }
0xa0: {  	[sflag:s22] =	ssyncadd.s32 s3;
	_ =	sdelay $0x1  }
0xa1: {  	s23 =	simm.s32 $0x1B8B  }
0xa2: {  	_ =	swait.ge [sflag:s23], $0x1  }
0xa3: {  	[sflag:s23] =	ssyncset.done $0x0  }
0xa4: {  	s25 =	simm.s32 $0x1B8E;
	s24 =	sld [smem:$0x3FFE];
	[sflag:s23] =	ssyncadd.s32 $0xFFFFFFFF  }
0xa5: {  	s26 =	simm.s32 $execute0_lowered;
	[smem:$0x3FD2] =	sst s25  }
0xa6: {  	s4 =	sshll.u32 s26, $0x1;
	_ =	strace $0x80000049;
	[dreg:$0x1] =	wrdreg $0xFFFFFFFF  }
0xa7: {  	s28 =	simm.s32 $_size_execute0_lowered;
	s2 =	sadd.s32 s2, s4;
	[dreg:$0x0] =	wrdreg $0x0  }
0xa8: {  	s4 =	sshll.u32 s28, $0x1;
	[dreg:$0x2] =	wrdreg s2  }
0xa9: {  	[dreg:$0x3] =	wrdreg s4  }
0xaa: {  	[dreg:$0x4] =	wrdreg $0xC0  }
0xab: {  	_ =	task [dreg:s6], $0x5FFFF  }
0xac: {  	[dreg:$0x1] =	wrdreg $0xFFFFFFFF  }
0xad: {  	[dreg:$0x0] =	wrdreg $0x60  }
0xae: {  	[dreg:$0x2] =	wrdreg s24  }
0xaf: {  	[dreg:$0x3] =	wrdreg $0xBEC00  }
0xb0: {  	[dreg:$0x4] =	wrdreg $0x9  }
0xb1: {  	_ =	task.clear_ibuf [dreg:s6], $0x5FFFF;
	_ =	strace $0x90000049  }
0xb2: {  	s29 =	simm.s32 $0x9;
	_ =	strace $0x8000004B  }
0xb3: {  	_ =	swait.ge [sflag:s29], $0x1  }
0xb4: {  	[sflag:s29] =	ssyncadd.s32 $0xFFFFFFFF  }
0xb5: {  	_ =	strace $0x9000004B  }
0xb6: {  	_ =	sfence  }
0xb7: {  	s30 =	sld [smem:$0x0];
	_ =	sdelay $0x2  }
0xb8: {  	s31 =	sshll.u32 s1, $0xD;
	s1 =	sshrl.u32 s1, $0x2  }
0xb9: {  	s3 =	sand.u32 $0x4000, s31;
	s1 =	sadd.s32 s1, s30  }
0xba: {  	s0 =	sor.u32 s3, s0;
	s1 =	sshll.u32 s1, $0x11  }
0xbb: {  	s0 =	sor.u32 s1, s0  }
0xbc: {  	s0 =	sadd.s32 $0x8F2B, s0  }
0xbd: {  	[sflag:s0] =	ssyncadd.remote.s32 $0x1  }
0xbe: {  	_ =	sfence.sel $0xFFFF  }
0xbf: {  	[dreg:$0x0] =	wrdreg $0xFFFFFFFF;
	(pc) =	sbr.abs _section_cstart, $3  }
0xc0: {  	[dreg:$0x1] =	wrdreg $0xFFFFFFFF  }
0xc1: {  	_ =	task.clear_ibuf [dreg:s6], $0x2FFFF;
	_ =	strace $0x9FFFFFFF  }
0xc2: {  	(tm) =	ssettm $0x7FFFFFFF  }
0xc3: {  	_ =	shalt  }
tec
execute0_lowered:
.L_overlay_start_1:
0x0: {  	(tag) =	ssettag $0x1  }
0x1: {  	s0 =	srdreg.scid  }
0x2: {  	s16 =	stileid.u32;
	s6 =	rddreg [dreg:$0x0]  }
0x3: {  	s2 =	rddreg [dreg:$0x1];
	s3 =	simm.s32 $0x0;
	s18 =	simm.s32 $0x5  }
0x4: {  	s20 =	simm.s32 $0x38;
	s21 =	simm.s32 $0x4EC0;
	s22 =	simm.s32 $0x6AC0  }
0x5: {  	s28 =	simm.s32 $0xA2C0;
	s29 =	simm.s32 $0x1;
	s30 =	simm.s32 $0x2  }
0x6: {  	s31 =	simm.s32 $0x3;
	s19 =	simm.s32 $0x0;
	s0 =	sand.u32 $0x1, s0  }
0x7: {  	[smem:$0x7FF] =	sst s3;
	s11 =	smul.u32 $0x13880, s16;
	s4 =	sadd.s32 $0x2C000, s6  }
0x8: {  	p1 =	sne.s32 s16, $0xF;
	s9 =	smul.u32 $0x4E400, s16;
	s14 =	sadd.s32 $0x125700, s2  }
0x9: {  	p2 =	seq.s32 s16, $0xF;
	s25 =	smul.u32 $0x13900, s16;
	s15 =	sadd.s32 $0x138800, s2  }
0xa: {  	s1 =	sshll.u32 s0, $0x4;
	s5 =	smul.u32 $0x138800, s0;
	_ =	strace $0x8000004A  }
0xb: {  	s8 =	ssub.s32 $0x2, s0;
	p0 =	seq.s32 s0, $0x0;
	s1 =	sor.u32 s16, s1  }
0xc: {  	s23 =	sshrl.u32 s8, $0x1;
	p1 =	por !p0, !p1;
	p2 =	por !p0, !p2  }
0xd: {  	s24 =	sshrl.u32 s9, $0x2;
	s17 =	sadd.s32 s25, s2;
	s26 =	sadd.s32 s11, s2  }
0xe: {  	s1 =	smul.u32 $0x4EC, s1;
	s7 =	sadd.s32 s11, s5;
	s5 =	sadd.s32 $0x4800, s6  }
0xf: {  	s12 =	ssub.s32 s8, s23;
	p0 =	por !p1, !p1;
	p2 =	por !p2, !p2  }
0x10: {  	s13 =	sadd.s32 s24, s2;
	s24 =	simm.s32 $0x86C0;
	s7 =	sshrl.u32 s7, $0x3  }
0x11: {  	p1 =	por p2, p0;
	s11 =	smax.u32 s12, $0x1;
	s17 =	sshrl.u32 @p0 s17, $0x3  }
0x12: {  	s1 =	sadd.s32 s1, s6;
	s10 =	sadd.s32 s7, s6;
	s6 =	sadd.s32 $0x50AE0, s6  }
0x13: {  	s7 =	sshrl.u32 s25, $0x3;
	p1 =	seq.s32 @!p1 s0, $0x0;
	s25 =	sshrl.u32 s26, $0x3  }
0x14: {  	s7 =	sadd.s32 s4, s7;
	s8 =	sadd.s32 $0x22200, s1;
	p1 =	por @!p0 p1, p2  }
0x15: {  	s9 =	sadd.s32 $0x18400, s1;
	p2 =	por !p2, p0;
	p1 =	por p1, p0  }
0x16: {  	s10 =	sadd.s32 $0x53200, s10;
	s14 =	sshrl.u32 @!p2 s14, $0x3;
	s1 =	sshll.u32 @!p1 s16, $0x6  }
0x17: {  	s15 =	sshrl.u32 @!p2 s15, $0x3;
	s12 =	sor.u32 @!p1 $0x1C05, s1;
	s1 =	sshll.u32 @p0 s16, $0x6  }
0x18: {  	s13 =	sshrl.u32 @!p1 s13, $0x3;
	s16 =	sor.u32 @p0 $0x1C05, s1;
	s1 =	simm.s32 $0x4  }
.LBB2_1:
0x19: {  	[spmem:s13], [sflag:s12] =	dma.local @!p1 [hbm:s5], $0x2720  }
0x1a: {  	s0 =	simm.s32 @!p1 $0x5  }
0x1b: {  	_ =	swait.ge @!p1 [sflag:s0], $0x2720  }
0x1c: {  	[sflag:s0] =	ssyncset.done @!p1 $0x0  }
0x1d: {  	s23 =	simm.s32 @!p2 $0x5;
	[sflag:s0] =	ssyncadd.s32 @!p1 $0xFFFFD8E0;
	s0 =	simm.s32 @!p2 $0x1FC5  }
0x1e: {  	[spmem:s14], [sflag:s0] =	dma.local @!p2 [hbm:s6], $0x2620  }
0x1f: {  	_ =	swait.ge @!p2 [sflag:s23], $0x2620  }
0x20: {  	[sflag:s23] =	ssyncset.done @!p2 $0x0  }
0x21: {  	[sflag:s23] =	ssyncadd.s32 @!p2 $0xFFFFD9E0  }
0x22: {  	[spmem:s15], [sflag:s0] =	dma.local @!p2 [hbm:s5], $0x100  }
0x23: {  	_ =	swait.ge @!p2 [sflag:s23], $0x100  }
0x24: {  	[sflag:s23] =	ssyncset.done @!p2 $0x0  }
0x25: {  	s0 =	simm.s32 @p0 $0x5;
	[sflag:s23] =	ssyncadd.s32 @!p2 $0xFFFFFF00  }
0x26: {  	[spmem:s17], [sflag:s16] =	dma.local @p0 [hbm:s7], $0x2720  }
0x27: {  	_ =	swait.ge @p0 [sflag:s0], $0x2720  }
0x28: {  	[sflag:s0] =	ssyncset.done @p0 $0x0  }
0x29: {  	[sflag:s0] =	ssyncadd.s32 @p0 $0xFFFFD8E0  }
0x2a: {  	[tilespmem:s3], [sflag:$0x5] =	stream.linear.gather [hbm4b:s8+s3], $0x2760, $0x38;
	[tilespmem:$0x1F7C0] =	vst v63  }
0x2b: {  	_ =	swait.ge [sflag:s18], $0x2760  }
0x2c: {  	[sflag:s18] =	ssyncset.done $0x0  }
0x2d: {  	s23 =	simm.s32 $0x2760;
	[sflag:s18] =	ssyncadd.s32 $0xFFFFD8A0  }
0x2e: {  	[tilespmem:s23], [sflag:$0x5] =	stream.linear.gather [hbm4b:s9+s3], $0x2760, $0x38;
	[tilespmem:$0x1F7C0] =	vst v63  }
0x2f: {  	_ =	swait.ge [sflag:s18], $0x2760  }
0x30: {  	[sflag:s18] =	ssyncset.done $0x0  }
0x31: {  	[sflag:s18] =	ssyncadd.s32 $0xFFFFD8A0  }
0x32: {  	[bflag:$0x0] =	sbarrier.arrive $0xFFFF  }
0x33: {  	[tilespmem:s21], [sflag:$0x1] =	stream.indirect.gather [hbm4b:s4+s20], $0x80, s3, s20, $0xb8;
	[tilespmem:$0x1F7C0] =	vst v63  }
0x34: {  	_ = 	snop  }
0x35: {  	[tilespmem:s22], [sflag:$0x2] =	stream.indirect.gather [hbm4b:s4+s20], $0x80, s20, s20, $0xb8;
	[tilespmem:$0x1F7C0] =	vst v63  }
0x36: {  	s26 =	simm.s32 $0x70  }
0x37: {  	[tilespmem:s24], [sflag:$0x3] =	stream.indirect.gather [hbm4b:s4+s20], $0x80, s26, s20, $0xb8;
	[tilespmem:$0x1F7C0] =	vst v63  }
0x38: {  	s23 =	simm.s32 $0xA8  }
0x39: {  	[tilespmem:s28], [sflag:$0x4] =	stream.indirect.gather [hbm4b:s4+s20], $0x80, s23, s20, $0xb8;
	[tilespmem:$0x1F7C0] =	vst v63  }
0x3a: {  	_ =	swait.ge [sflag:s29], $0x1C00  }
0x3b: {  	[sflag:s29] =	ssyncset.done $0x0  }
0x3c: {  	s26 =	simm.s32 $0x2760;
	[sflag:s29] =	ssyncadd.s32 $0xFFFFE400  }
0x3d: {  	[spmem:s2] =	stream.indirect.scatter.add.f32 [tilespmem:s21], [sflag:$0x5], $0x80, s26, s20, $0xb8;
	[tilespmem:$0x1F7C0] =	vst v63  }
0x3e: {  	_ =	swait.ge [sflag:s18], $0x1C00  }
0x3f: {  	[sflag:s18] =	ssyncset.done $0x0  }
0x40: {  	s23 =	simm.s32 $0xE0;
	[sflag:s18] =	ssyncadd.s32 $0xFFFFE400  }
0x41: {  	[tilespmem:s21], [sflag:$0x1] =	stream.indirect.gather [hbm4b:s4+s20], $0x80, s23, s20, $0xb8;
	[tilespmem:$0x1F7C0] =	vst v63  }
0x42: {  	_ =	swait.ge [sflag:s30], $0x1C00  }
0x43: {  	[sflag:s30] =	ssyncset.done $0x0  }
0x44: {  	s26 =	simm.s32 $0x2798;
	[sflag:s30] =	ssyncadd.s32 $0xFFFFE400  }
0x45: {  	[spmem:s2] =	stream.indirect.scatter.add.f32 [tilespmem:s22], [sflag:$0x5], $0x80, s26, s20, $0xb8;
	[tilespmem:$0x1F7C0] =	vst v63  }
0x46: {  	_ =	swait.ge [sflag:s18], $0x1C00  }
0x47: {  	[sflag:s18] =	ssyncset.done $0x0  }
0x48: {  	s23 =	simm.s32 $0x118;
	[sflag:s18] =	ssyncadd.s32 $0xFFFFE400  }
0x49: {  	[tilespmem:s22], [sflag:$0x2] =	stream.indirect.gather [hbm4b:s4+s20], $0x80, s23, s20, $0xb8;
	[tilespmem:$0x1F7C0] =	vst v63  }
0x4a: {  	_ =	swait.ge [sflag:s31], $0x1C00  }
0x4b: {  	[sflag:s31] =	ssyncset.done $0x0  }
0x4c: {  	s26 =	simm.s32 $0x27D0;
	[sflag:s31] =	ssyncadd.s32 $0xFFFFE400  }
0x4d: {  	[spmem:s2] =	stream.indirect.scatter.add.f32 [tilespmem:s24], [sflag:$0x5], $0x80, s26, s20, $0xb8;
	[tilespmem:$0x1F7C0] =	vst v63  }
0x4e: {  	_ =	swait.ge [sflag:s18], $0x1C00  }
0x4f: {  	[sflag:s18] =	ssyncset.done $0x0  }
0x50: {  	s23 =	simm.s32 $0x150;
	[sflag:s18] =	ssyncadd.s32 $0xFFFFE400  }
0x51: {  	[tilespmem:s24], [sflag:$0x3] =	stream.indirect.gather [hbm4b:s4+s20], $0x80, s23, s20, $0xb8;
	[tilespmem:$0x1F7C0] =	vst v63  }
0x52: {  	_ =	swait.ge [sflag:s1], $0x1C00  }
0x53: {  	[sflag:s1] =	ssyncset.done $0x0  }
0x54: {  	s26 =	simm.s32 $0x2808;
	[sflag:s1] =	ssyncadd.s32 $0xFFFFE400  }
0x55: {  	[spmem:s2] =	stream.indirect.scatter.add.f32 [tilespmem:s28], [sflag:$0x5], $0x80, s26, s20, $0xb8;
	[tilespmem:$0x1F7C0] =	vst v63  }
0x56: {  	_ =	swait.ge [sflag:s18], $0x1C00  }
0x57: {  	[sflag:s18] =	ssyncset.done $0x0  }
0x58: {  	s0 =	simm.s32 $0x380;
	s23 =	simm.s32 $0x188;
	[sflag:s18] =	ssyncadd.s32 $0xFFFFE400  }
.LBB2_2:
0x59: {  	[tilespmem:s28], [sflag:$0x4] =	stream.indirect.gather [hbm4b:s4+s20], $0x80, s23, s20, $0xb8;
	[tilespmem:$0x1F7C0] =	vst v63  }
0x5a: {  	s23 =	smov.u32 s0  }
0x5b: {  	p3 =	sne.s32 s0, $0x9680;
	s0 =	sadd.s32 $0x380, s0;
	_ =	swait.ge [sflag:s29], $0x1C00  }
0x5c: {  	s23 =	sshra.s32 s23, $0x2;
	[sflag:s29] =	ssyncset.done $0x0  }
0x5d: {  	s26 =	sadd.s32 $0x2760, s23;
	[sflag:s29] =	ssyncadd.s32 $0xFFFFE400  }
0x5e: {  	[spmem:s2] =	stream.indirect.scatter.add.f32 [tilespmem:s21], [sflag:$0x5], $0x80, s26, s20, $0xb8;
	[tilespmem:$0x1F7C0] =	vst v63  }
0x5f: {  	_ =	swait.ge [sflag:s18], $0x1C00  }
0x60: {  	[sflag:s18] =	ssyncset.done $0x0  }
0x61: {  	s26 =	sadd.s32 $0xE0, s23;
	[sflag:s18] =	ssyncadd.s32 $0xFFFFE400  }
0x62: {  	[tilespmem:s21], [sflag:$0x1] =	stream.indirect.gather [hbm4b:s4+s20], $0x80, s26, s20, $0xb8;
	[tilespmem:$0x1F7C0] =	vst v63  }
0x63: {  	_ =	swait.ge [sflag:s30], $0x1C00  }
0x64: {  	[sflag:s30] =	ssyncset.done $0x0  }
0x65: {  	s26 =	sadd.s32 $0x2798, s23;
	[sflag:s30] =	ssyncadd.s32 $0xFFFFE400  }
0x66: {  	[spmem:s2] =	stream.indirect.scatter.add.f32 [tilespmem:s22], [sflag:$0x5], $0x80, s26, s20, $0xb8;
	[tilespmem:$0x1F7C0] =	vst v63  }
0x67: {  	_ =	swait.ge [sflag:s18], $0x1C00  }
0x68: {  	[sflag:s18] =	ssyncset.done $0x0  }
0x69: {  	s26 =	sadd.s32 $0x118, s23;
	[sflag:s18] =	ssyncadd.s32 $0xFFFFE400  }
0x6a: {  	[tilespmem:s22], [sflag:$0x2] =	stream.indirect.gather [hbm4b:s4+s20], $0x80, s26, s20, $0xb8;
	[tilespmem:$0x1F7C0] =	vst v63  }
0x6b: {  	_ =	swait.ge [sflag:s31], $0x1C00  }
0x6c: {  	[sflag:s31] =	ssyncset.done $0x0  }
0x6d: {  	s26 =	sadd.s32 $0x27D0, s23;
	[sflag:s31] =	ssyncadd.s32 $0xFFFFE400  }
0x6e: {  	[spmem:s2] =	stream.indirect.scatter.add.f32 [tilespmem:s24], [sflag:$0x5], $0x80, s26, s20, $0xb8;
	[tilespmem:$0x1F7C0] =	vst v63  }
0x6f: {  	_ =	swait.ge [sflag:s18], $0x1C00  }
0x70: {  	[sflag:s18] =	ssyncset.done $0x0  }
0x71: {  	s26 =	sadd.s32 $0x150, s23;
	[sflag:s18] =	ssyncadd.s32 $0xFFFFE400  }
0x72: {  	[tilespmem:s24], [sflag:$0x3] =	stream.indirect.gather [hbm4b:s4+s20], $0x80, s26, s20, $0xb8;
	[tilespmem:$0x1F7C0] =	vst v63  }
0x73: {  	_ =	swait.ge [sflag:s1], $0x1C00  }
0x74: {  	[sflag:s1] =	ssyncset.done $0x0  }
.Ltmp0:
0x75: {  	s26 =	sadd.s32 $0x2808, s23;
	[sflag:s1] =	ssyncadd.s32 $0xFFFFE400;
	(pc) =	sbr.rel @p3 .LBB2_2-.Ltmp0, $4  }
0x76: {  	[spmem:s2] =	stream.indirect.scatter.add.f32 [tilespmem:s28], [sflag:$0x5], $0x80, s26, s20, $0xb8;
	[tilespmem:$0x1F7C0] =	vst v63  }
0x77: {  	_ =	swait.ge [sflag:s18], $0x1C00  }
0x78: {  	[sflag:s18] =	ssyncset.done $0x0  }
0x79: {  	s23 =	sadd.s32 $0x188, s23;
	[sflag:s18] =	ssyncadd.s32 $0xFFFFE400  }
0x7a: {  	[tilespmem:s28], [sflag:$0x4] =	stream.indirect.gather [hbm4b:s4+s20], $0x80, s23, s20, $0xb8;
	[tilespmem:$0x1F7C0] =	vst v63  }
0x7b: {  	_ =	swait.ge [sflag:s29], $0x1C00  }
0x7c: {  	[sflag:s29] =	ssyncset.done $0x0  }
0x7d: {  	s0 =	simm.s32 $0x4DE0;
	[sflag:s29] =	ssyncadd.s32 $0xFFFFE400  }
0x7e: {  	[spmem:s2] =	stream.indirect.scatter.add.f32 [tilespmem:s21], [sflag:$0x5], $0x80, s0, s20, $0xb8;
	[tilespmem:$0x1F7C0] =	vst v63  }
0x7f: {  	_ =	swait.ge [sflag:s18], $0x1C00  }
0x80: {  	[sflag:s18] =	ssyncset.done $0x0  }
0x81: {  	[sflag:s18] =	ssyncadd.s32 $0xFFFFE400  }
0x82: {  	_ =	swait.ge [sflag:s30], $0x1C00  }
0x83: {  	[sflag:s30] =	ssyncset.done $0x0  }
0x84: {  	s23 =	simm.s32 $0x4E18;
	[sflag:s30] =	ssyncadd.s32 $0xFFFFE400  }
0x85: {  	[spmem:s2] =	stream.indirect.scatter.add.f32 [tilespmem:s22], [sflag:$0x5], $0x80, s23, s20, $0xb8;
	[tilespmem:$0x1F7C0] =	vst v63  }
0x86: {  	_ =	swait.ge [sflag:s18], $0x1C00  }
0x87: {  	[sflag:s18] =	ssyncset.done $0x0  }
0x88: {  	[sflag:s18] =	ssyncadd.s32 $0xFFFFE400  }
0x89: {  	_ =	swait.ge [sflag:s31], $0x1C00  }
0x8a: {  	[sflag:s31] =	ssyncset.done $0x0  }
0x8b: {  	s26 =	simm.s32 $0x4E50;
	[sflag:s31] =	ssyncadd.s32 $0xFFFFE400  }
0x8c: {  	[spmem:s2] =	stream.indirect.scatter.add.f32 [tilespmem:s24], [sflag:$0x5], $0x80, s26, s20, $0xb8;
	[tilespmem:$0x1F7C0] =	vst v63  }
0x8d: {  	_ =	swait.ge [sflag:s18], $0x1C00  }
0x8e: {  	[sflag:s18] =	ssyncset.done $0x0  }
0x8f: {  	[sflag:s18] =	ssyncadd.s32 $0xFFFFE400  }
0x90: {  	_ =	swait.ge [sflag:s1], $0x1C00  }
0x91: {  	[sflag:s1] =	ssyncset.done $0x0  }
0x92: {  	s23 =	simm.s32 $0x4E88;
	[sflag:s1] =	ssyncadd.s32 $0xFFFFE400  }
0x93: {  	[spmem:s2] =	stream.indirect.scatter.add.f32 [tilespmem:s28], [sflag:$0x5], $0x80, s23, s20, $0xb8;
	[tilespmem:$0x1F7C0] =	vst v63  }
0x94: {  	_ =	swait.ge [sflag:s18], $0x1C00  }
0x95: {  	s19 =	sadd.s32 $0x1, s19;
	s26 =	stileid.u32;
	[sflag:s18] =	ssyncset.done $0x0  }
0x96: {  	p3 =	sne.s32 s19, s11;
	s0 =	sshll.u32 s26, $0x6;
	[sflag:s18] =	ssyncadd.s32 $0xFFFFE400  }
.Ltmp1:
0x97: {  	s0 =	sor.u32 $0x1C05, s0;
	[bflag:$0x0] =	sbarrier.arrive $0xFFFF;
	(pc) =	sbr.rel @p3 .LBB2_1-.Ltmp1, $4  }
0x98: {  	[hbm:s10], [sflag:s0] =	dma.local [spmem:s25], $0x2710  }
0x99: {  	_ =	swait.ge [sflag:s18], $0x2710  }
0x9a: {  	[sflag:s18] =	ssyncset.done $0x0  }
0x9b: {  	[sflag:s18] =	ssyncadd.s32 $0xFFFFD8F0  }
0x9c: {  	_ =	sfence.sel $0x180000  }
0x9d: {  	[bflag:$0x0] =	sbarrier.arrive $0xFFFF  }
0x9e: {  	_ =	strace $0x9000004A  }
0x9f: {  	s0 =	stileid.u32;
	[bflag:$0x2] =	sbarrier.arrive $0xFFFF  }
0xa0: {  	p0 =	sne.s32 s0, $0x0;
	s0 =	rddreg [dreg:$0x2]  }
0xa1: {  	s0 =	sadd.s32 @!p0 $0x100000, s0  }
0xa2: {  	[sflag:s0] =	ssyncadd.tile.s32 @!p0 $0x1;
	_ =	shalt  }
.Lfunc_end2:
_tile_overlayer_lowered:
.L_overlay_start_2:
0xa3: {  	(tag) =	ssettag $0x2  }
0xa4: {  	s0 =	rddreg [dreg:$0x0];
	s2 =	stileid.u32  }
0xa5: {  	s1 =	rddreg [dreg:$0x1];
	p0 =	sne.s32 s2, $0x0  }
0xa6: {  	s3 =	rddreg [dreg:$0x2];
	[bflag:$0x3] =	sbarrier.arrive $0xFFFF;
	s2 =	simm.s32 @!p0 $0x1C05  }
0xa7: {  	[timem:s3], [sflag:s2] =	dma.local @!p0 [hbm:s0], s1  }
0xa8: {  	s0 =	simm.s32 @!p0 $0x5  }
0xa9: {  	_ =	swait.ge @!p0 [sflag:s0], s1  }
0xaa: {  	s1 =	ssub.s32 @!p0 $0x0, s1;
	[sflag:s0] =	ssyncset.done @!p0 $0x0  }
0xab: {  	[sflag:s0] =	ssyncadd.s32 @!p0 s1  }
0xac: {  	[bflag:$0x3] =	sbarrier.arrive $0xFFFF  }
0xad: {  	_ =	shalt  }

// kernel: kernel.19.cloned.1.call-start
scs
__scs_entry_jumppad:
0x0: {  	(pc) =	sbr.rel $0x88, $3  }
0x1: {  	(tag) =	ssettag $0x0;
	lr =	simm.s32 $0x1  }
0x2: {  	[smem:$0x3F8C] =	sst lr;
	_ =	strace $0xD0000000  }
0x3: {  	_ = 	snop  }
0x4: {  	_ = 	snop  }
0x5: {  	_ = 	snop  }
0x6: {  	_ = 	snop  }
0x7: {  	_ = 	snop  }
__scs_overlays_trampoline_lowered:
0x8: {  	[smem:$0x3F9B] =	sst s0  }
0x9: {  	[smem:$0x3F9C] =	sst s1  }
0xa: {  	[smem:$0x3F9D] =	sst s2  }
0xb: {  	[smem:$0x3F9E] =	sst s3  }
0xc: {  	[smem:$0x3F9F] =	sst s4  }
0xd: {  	[smem:$0x3FA0] =	sst s5  }
0xe: {  	[smem:$0x3FA1] =	sst s6  }
0xf: {  	[smem:$0x3FA2] =	sst s7  }
0x10: {  	[smem:$0x3FA3] =	sst s8  }
0x11: {  	[smem:$0x3FA4] =	sst s9;
	s0 =	simm.s32 @!p0 $0x0  }
0x12: {  	s1 =	sld [smem:$0x3F8A];
	s0 =	simm.s32 @p0 $0x1  }
0x13: {  	[smem:$0x3FA5] =	sst s0;
	s0 =	simm.s32 @!p1 $0x0  }
0x14: {  	s2 =	sld [smem:$0x3F89];
	s0 =	simm.s32 @p1 $0x1  }
0x15: {  	[smem:$0x3FA6] =	sst s0;
	s0 =	simm.s32 @!p2 $0x0  }
0x16: {  	s3 =	sld [smem:$0x3FDB];
	s0 =	simm.s32 @p2 $0x1  }
0x17: {  	s4 =	simm.s32 $0x1BF5;
	[smem:$0x3FA8] =	sst s0  }
0x18: {  	s0 =	sld [smem:$0x3F8B];
	_ =	swait.ge [sflag:s4], $0x0  }
0x19: {  	s7 =	sld [smem:$0x3F8C]  }
0x1a: {  	s8 =	sadd.s32 $0xFFFFE003, lr  }
0x1b: {  	s9 =	sadd.s32 $0xFFFFFEF7, lr;
	s5 =	simm.s32 $0xFFFFFFFF;
	p2 =	slt.u32 s8, $0xFFFFF086  }
0x1c: {  	p1 =	slt.u32 s9, $0xF7A;
	s5 =	simm.s32 @!p2 $0x0  }
0x1d: {  	s5 =	simm.s32 @p1 $0x1;
	p0 =	seq.s32 s7, s2  }
0x1e: {  	s7 =	smul.u32 @!p0 $0xF7A, s2;
	p2 =	seq.s32 @!p0 s5, $0x0  }
0x1f: {  	s9 =	smul.u32 $0xF7A, s1;
	s8 =	simm.s32 @!p0 $0x1BF5;
	p2 =	por !p2, p0  }
0x20: {  	[sflag:s8] =	ssyncset.s32 @!p0 $0xFFFFF086;
	s6 =	sadd.s32 @!p0 s3, s7;
	s7 =	simm.s32 @!p0 $0x108  }
0x21: {  	s3 =	sadd.s32 s3, s9;
	s6 =	sadd.s32 @!p0 $0x88, s6;
	s7 =	simm.s32 @p2 $0x1082  }
0x22: {  	[simem:s7], [sflag:s8] =	dma.local @!p0 [hbm:s6], $0xF7A  }
0x23: {  	s9 =	sor.u32 $0xD0000000, s2;
	s6 =	simm.s32 $0x108;
	_ =	swait.ge @!p0 [sflag:s8], $0x0  }
0x24: {  	s3 =	sadd.s32 $0x88, s3;
	s6 =	simm.s32 @!p1 $0x1082;
	[sflag:s4] =	ssyncset.s32 $0xFFFFF086  }
0x25: {  	[simem:s6], [sflag:s4] =	dma.local [hbm:s3], $0xF7A  }
0x26: {  	[smem:$0x3F8C] =	sst s1;
	(tag) =	ssettag s2;
	_ =	strace s9  }
0x27: {  	s1 =	sld [smem:$0x3F9C]  }
0x28: {  	s2 =	sld [smem:$0x3F9D]  }
0x29: {  	s4 =	sld [smem:$0x3F9F]  }
0x2a: {  	p0 =	seq.s32 s5, $0x0;
	s5 =	sld [smem:$0x3FA0]  }
0x2b: {  	s6 =	sld [smem:$0x3FA1]  }
0x2c: {  	s7 =	sld [smem:$0x3FA2]  }
0x2d: {  	s3 =	simm.s32 $0x108;
	s8 =	sld [smem:$0x3FA3]  }
0x2e: {  	s3 =	simm.s32 @!p0 $0x1082;
	s9 =	sld [smem:$0x3FA4]  }
0x2f: {  	lr =	sadd.s32 s0, s3;
	s0 =	sld [smem:$0x3F9B]  }
0x30: {  	s3 =	sld [smem:$0x3F9E]  }
0x31: {  	[smem:$0x3FA7] =	sst s10  }
0x32: {  	s10 =	sld [smem:$0x3FA5];
	_ =	sdelay $0x3  }
0x33: {  	p0 =	seq.s32 s10, $0x1;
	s10 =	sld [smem:$0x3FA7];
	_ =	sdelay $0x3  }
0x34: {  	[smem:$0x3FA7] =	sst s10  }
0x35: {  	s10 =	sld [smem:$0x3FA6];
	_ =	sdelay $0x3  }
0x36: {  	p1 =	seq.s32 s10, $0x1;
	s10 =	sld [smem:$0x3FA7];
	_ =	sdelay $0x3  }
0x37: {  	[smem:$0x3FA7] =	sst s10  }
0x38: {  	s10 =	sld [smem:$0x3FA8]  }
0x39: {  	_ = 	snop;
	(pc) =	sbr.ind lr, $3  }
0x3a: {  	_ = 	snop  }
0x3b: {  	_ = 	snop  }
0x3c: {  	p2 =	seq.s32 s10, $0x1;
	s10 =	sld [smem:$0x3FA7]  }
0x3d: {  	_ =	shalt  }
0x3e: {  	_ =	shalt  }
0x3f: {  	_ =	shalt  }
0x40: {  	_ =	shalt  }
0x41: {  	_ =	shalt  }
0x42: {  	_ =	shalt  }
0x43: {  	_ =	shalt  }
0x44: {  	_ =	shalt  }
0x45: {  	_ =	shalt  }
0x46: {  	_ =	shalt  }
0x47: {  	_ =	shalt  }
0x48: {  	_ =	shalt  }
0x49: {  	_ =	shalt  }
0x4a: {  	_ =	shalt  }
0x4b: {  	_ =	shalt  }
0x4c: {  	_ =	shalt  }
0x4d: {  	_ =	shalt  }
0x4e: {  	_ =	shalt  }
0x4f: {  	_ =	shalt  }
0x50: {  	_ =	shalt  }
0x51: {  	_ =	shalt  }
0x52: {  	_ =	shalt  }
0x53: {  	_ =	shalt  }
0x54: {  	_ =	shalt  }
0x55: {  	_ =	shalt  }
0x56: {  	_ =	shalt  }
0x57: {  	_ =	shalt  }
0x58: {  	_ =	shalt  }
0x59: {  	_ =	shalt  }
0x5a: {  	_ =	shalt  }
0x5b: {  	_ =	shalt  }
0x5c: {  	_ =	shalt  }
0x5d: {  	_ =	shalt  }
0x5e: {  	_ =	shalt  }
0x5f: {  	_ =	shalt  }
0x60: {  	_ =	shalt  }
0x61: {  	_ =	shalt  }
0x62: {  	_ =	shalt  }
0x63: {  	_ =	shalt  }
0x64: {  	_ =	shalt  }
0x65: {  	_ =	shalt  }
0x66: {  	_ =	shalt  }
0x67: {  	_ =	shalt  }
0x68: {  	_ =	shalt  }
0x69: {  	_ =	shalt  }
0x6a: {  	_ =	shalt  }
0x6b: {  	_ =	shalt  }
0x6c: {  	_ =	shalt  }
0x6d: {  	_ =	shalt  }
0x6e: {  	_ =	shalt  }
0x6f: {  	_ =	shalt  }
0x70: {  	_ =	shalt  }
0x71: {  	_ =	shalt  }
0x72: {  	_ =	shalt  }
0x73: {  	_ =	shalt  }
0x74: {  	_ =	shalt  }
0x75: {  	_ =	shalt  }
0x76: {  	_ =	shalt  }
0x77: {  	_ =	shalt  }
0x78: {  	_ =	shalt  }
0x79: {  	_ =	shalt  }
0x7a: {  	_ =	shalt  }
0x7b: {  	_ =	shalt  }
0x7c: {  	_ =	shalt  }
0x7d: {  	_ =	shalt  }
0x7e: {  	_ =	shalt  }
0x7f: {  	_ =	shalt  }
0x80: {  	_ =	shalt  }
0x81: {  	_ =	shalt  }
0x82: {  	_ =	shalt  }
0x83: {  	_ =	shalt  }
0x84: {  	_ =	shalt  }
0x85: {  	_ =	shalt  }
0x86: {  	_ =	shalt  }
0x87: {  	_ =	shalt  }
.Lfunc_end0:
.L_simem_size_0:
called_computation.2_lowered:
.L_overlay_start_0:
0x88: {  	s2 =	sld [smem:$0x3FD9]  }
0x89: {  	s3 =	sld [smem:$0x3FFE];
	_ =	sdelay $0x1  }
0x8a: {  	s1 =	srdreg.scid  }
0x8b: {  	s0 =	sand.u32 $0x1, s1  }
0x8c: {  	s16 =	sshll.u32 s0, $0xA;
	s2 =	sadd.s32 s3, s2  }
0x8d: {  	s2 =	sadd.s32 s2, s16  }
0x8e: {  	[smem:$0x3FB3] =	sst s2  }
0x8f: {  	_ = 	snop  }
0x90: {  	(tm) =	ssettm $0x1  }
0x91: {  	s17 =	sld [smem:$0x3FFB];
	_ =	sdelay $0x3  }
0x92: {  	_ =	strace s17  }
0x93: {  	s2 =	sld [smem:$0x3FFC];
	_ =	sdelay $0x3  }
0x94: {  	_ =	strace s2  }
0x95: {  	s2 =	sld [smem:$0x3FFD];
	_ =	sdelay $0x3  }
0x96: {  	_ =	strace s2  }
0x97: {  	_ =	strace $0x8FFFFFFF  }
0x98: {  	s18 =	sld [smem:$0x3FDB];
	_ =	sdelay $0x1  }
0x99: {  	s19 =	simm.s32 $_scs_section_size  }
0x9a: {  	s4 =	simm.s32 $_size__tile_overlayer_lowered;
	s5 =	simm.s32 $_tile_overlayer_lowered  }
0x9b: {  	s22 =	simm.s32 $0x1BFF;
	s21 =	sshll.u32 s5, $0x1;
	s2 =	sadd.s32 s19, s18  }
0x9c: {  	s6 =	simm.s32 $0x0;
	s20 =	sshll.u32 s4, $0x1;
	s4 =	sadd.s32 s21, s2  }
0x9d: {  	[timem:s6], [sflag:s22] =	dma.local [hbm:s4], s20  }
0x9e: {  	_ =	swait.ge [sflag:s22], s20  }
0x9f: {  	s3 =	ssub.s32 $0x0, s20;
	[sflag:s22] =	ssyncset.done $0x0  }
0xa0: {  	[sflag:s22] =	ssyncadd.s32 s3;
	_ =	sdelay $0x1  }
0xa1: {  	s23 =	simm.s32 $0x1B8B  }
0xa2: {  	_ =	swait.ge [sflag:s23], $0x1  }
0xa3: {  	[sflag:s23] =	ssyncset.done $0x0  }
0xa4: {  	s25 =	simm.s32 $0x1B8E;
	s24 =	sld [smem:$0x3FFE];
	[sflag:s23] =	ssyncadd.s32 $0xFFFFFFFF  }
0xa5: {  	s26 =	simm.s32 $execute0_lowered;
	[smem:$0x3FD2] =	sst s25  }
0xa6: {  	s4 =	sshll.u32 s26, $0x1;
	_ =	strace $0x8000004C;
	[dreg:$0x1] =	wrdreg $0xFFFFFFFF  }
0xa7: {  	s28 =	simm.s32 $_size_execute0_lowered;
	s2 =	sadd.s32 s2, s4;
	[dreg:$0x0] =	wrdreg $0x0  }
0xa8: {  	s4 =	sshll.u32 s28, $0x1;
	[dreg:$0x2] =	wrdreg s2  }
0xa9: {  	[dreg:$0x3] =	wrdreg s4  }
0xaa: {  	[dreg:$0x4] =	wrdreg $0xC0  }
0xab: {  	_ =	task [dreg:s6], $0x5FFFF  }
0xac: {  	[dreg:$0x1] =	wrdreg $0xFFFFFFFF  }
0xad: {  	[dreg:$0x0] =	wrdreg $0x60  }
0xae: {  	[dreg:$0x2] =	wrdreg s24  }
0xaf: {  	[dreg:$0x3] =	wrdreg $0xBEC00  }
0xb0: {  	[dreg:$0x4] =	wrdreg $0x9  }
0xb1: {  	_ =	task.clear_ibuf [dreg:s6], $0x5FFFF;
	_ =	strace $0x9000004C  }
0xb2: {  	s29 =	simm.s32 $0x9;
	_ =	strace $0x8000004E  }
0xb3: {  	_ =	swait.ge [sflag:s29], $0x1  }
0xb4: {  	[sflag:s29] =	ssyncadd.s32 $0xFFFFFFFF  }
0xb5: {  	_ =	strace $0x9000004E  }
0xb6: {  	_ =	sfence  }
0xb7: {  	s30 =	sld [smem:$0x0];
	_ =	sdelay $0x2  }
0xb8: {  	s31 =	sshll.u32 s1, $0xD;
	s1 =	sshrl.u32 s1, $0x2  }
0xb9: {  	s3 =	sand.u32 $0x4000, s31;
	s1 =	sadd.s32 s1, s30  }
0xba: {  	s0 =	sor.u32 s3, s0;
	s1 =	sshll.u32 s1, $0x11  }
0xbb: {  	s0 =	sor.u32 s1, s0  }
0xbc: {  	s0 =	sadd.s32 $0x8F2B, s0  }
0xbd: {  	[sflag:s0] =	ssyncadd.remote.s32 $0x1  }
0xbe: {  	_ =	sfence.sel $0xFFFF  }
0xbf: {  	[dreg:$0x0] =	wrdreg $0xFFFFFFFF;
	(pc) =	sbr.abs _section_cstart, $3  }
0xc0: {  	[dreg:$0x1] =	wrdreg $0xFFFFFFFF  }
0xc1: {  	_ =	task.clear_ibuf [dreg:s6], $0x2FFFF;
	_ =	strace $0x9FFFFFFF  }
0xc2: {  	(tm) =	ssettm $0x7FFFFFFF  }
0xc3: {  	_ =	shalt  }
tec
execute0_lowered:
.L_overlay_start_1:
0x0: {  	(tag) =	ssettag $0x1  }
0x1: {  	s0 =	srdreg.scid  }
0x2: {  	s16 =	stileid.u32;
	s6 =	rddreg [dreg:$0x0]  }
0x3: {  	s2 =	rddreg [dreg:$0x1];
	s3 =	simm.s32 $0x0;
	s18 =	simm.s32 $0x5  }
0x4: {  	s20 =	simm.s32 $0x38;
	s21 =	simm.s32 $0x4EC0;
	s22 =	simm.s32 $0x6AC0  }
0x5: {  	s28 =	simm.s32 $0xA2C0;
	s29 =	simm.s32 $0x1;
	s30 =	simm.s32 $0x2  }
0x6: {  	s31 =	simm.s32 $0x3;
	s19 =	simm.s32 $0x0;
	s0 =	sand.u32 $0x1, s0  }
0x7: {  	[smem:$0x7FF] =	sst s3;
	s11 =	smul.u32 $0x13880, s16;
	s4 =	sadd.s32 $0x2C000, s6  }
0x8: {  	p1 =	sne.s32 s16, $0xF;
	s9 =	smul.u32 $0x4E400, s16;
	s14 =	sadd.s32 $0x125700, s2  }
0x9: {  	p2 =	seq.s32 s16, $0xF;
	s25 =	smul.u32 $0x13900, s16;
	s15 =	sadd.s32 $0x138800, s2  }
0xa: {  	s1 =	sshll.u32 s0, $0x4;
	s5 =	smul.u32 $0x138800, s0;
	_ =	strace $0x8000004D  }
0xb: {  	s8 =	ssub.s32 $0x2, s0;
	p0 =	seq.s32 s0, $0x0;
	s1 =	sor.u32 s16, s1  }
0xc: {  	s23 =	sshrl.u32 s8, $0x1;
	p1 =	por !p0, !p1;
	p2 =	por !p0, !p2  }
0xd: {  	s24 =	sshrl.u32 s9, $0x2;
	s17 =	sadd.s32 s25, s2;
	s26 =	sadd.s32 s11, s2  }
0xe: {  	s1 =	smul.u32 $0x4EC, s1;
	s7 =	sadd.s32 s11, s5;
	s5 =	sadd.s32 $0x4800, s6  }
0xf: {  	s12 =	ssub.s32 s8, s23;
	p0 =	por !p1, !p1;
	p2 =	por !p2, !p2  }
0x10: {  	s13 =	sadd.s32 s24, s2;
	s24 =	simm.s32 $0x86C0;
	s7 =	sshrl.u32 s7, $0x3  }
0x11: {  	p1 =	por p2, p0;
	s11 =	smax.u32 s12, $0x1;
	s17 =	sshrl.u32 @p0 s17, $0x3  }
0x12: {  	s1 =	sadd.s32 s1, s6;
	s10 =	sadd.s32 s7, s6;
	s6 =	sadd.s32 $0x50AE0, s6  }
0x13: {  	s7 =	sshrl.u32 s25, $0x3;
	p1 =	seq.s32 @!p1 s0, $0x0;
	s25 =	sshrl.u32 s26, $0x3  }
0x14: {  	s7 =	sadd.s32 s4, s7;
	s8 =	sadd.s32 $0x22200, s1;
	p1 =	por @!p0 p1, p2  }
0x15: {  	s9 =	sadd.s32 $0x18400, s1;
	p2 =	por !p2, p0;
	p1 =	por p1, p0  }
0x16: {  	s10 =	sadd.s32 $0x53200, s10;
	s14 =	sshrl.u32 @!p2 s14, $0x3;
	s1 =	sshll.u32 @!p1 s16, $0x6  }
0x17: {  	s15 =	sshrl.u32 @!p2 s15, $0x3;
	s12 =	sor.u32 @!p1 $0x1C05, s1;
	s1 =	sshll.u32 @p0 s16, $0x6  }
0x18: {  	s13 =	sshrl.u32 @!p1 s13, $0x3;
	s16 =	sor.u32 @p0 $0x1C05, s1;
	s1 =	simm.s32 $0x4  }
.LBB2_1:
0x19: {  	[spmem:s13], [sflag:s12] =	dma.local @!p1 [hbm:s5], $0x2720  }
0x1a: {  	s0 =	simm.s32 @!p1 $0x5  }
0x1b: {  	_ =	swait.ge @!p1 [sflag:s0], $0x2720  }
0x1c: {  	[sflag:s0] =	ssyncset.done @!p1 $0x0  }
0x1d: {  	s23 =	simm.s32 @!p2 $0x5;
	[sflag:s0] =	ssyncadd.s32 @!p1 $0xFFFFD8E0;
	s0 =	simm.s32 @!p2 $0x1FC5  }
0x1e: {  	[spmem:s14], [sflag:s0] =	dma.local @!p2 [hbm:s6], $0x2620  }
0x1f: {  	_ =	swait.ge @!p2 [sflag:s23], $0x2620  }
0x20: {  	[sflag:s23] =	ssyncset.done @!p2 $0x0  }
0x21: {  	[sflag:s23] =	ssyncadd.s32 @!p2 $0xFFFFD9E0  }
0x22: {  	[spmem:s15], [sflag:s0] =	dma.local @!p2 [hbm:s5], $0x100  }
0x23: {  	_ =	swait.ge @!p2 [sflag:s23], $0x100  }
0x24: {  	[sflag:s23] =	ssyncset.done @!p2 $0x0  }
0x25: {  	s0 =	simm.s32 @p0 $0x5;
	[sflag:s23] =	ssyncadd.s32 @!p2 $0xFFFFFF00  }
0x26: {  	[spmem:s17], [sflag:s16] =	dma.local @p0 [hbm:s7], $0x2720  }
0x27: {  	_ =	swait.ge @p0 [sflag:s0], $0x2720  }
0x28: {  	[sflag:s0] =	ssyncset.done @p0 $0x0  }
0x29: {  	[sflag:s0] =	ssyncadd.s32 @p0 $0xFFFFD8E0  }
0x2a: {  	[tilespmem:s3], [sflag:$0x5] =	stream.linear.gather [hbm4b:s8+s3], $0x2760, $0x38;
	[tilespmem:$0x1F7C0] =	vst v63  }
0x2b: {  	_ =	swait.ge [sflag:s18], $0x2760  }
0x2c: {  	[sflag:s18] =	ssyncset.done $0x0  }
0x2d: {  	s23 =	simm.s32 $0x2760;
	[sflag:s18] =	ssyncadd.s32 $0xFFFFD8A0  }
0x2e: {  	[tilespmem:s23], [sflag:$0x5] =	stream.linear.gather [hbm4b:s9+s3], $0x2760, $0x38;
	[tilespmem:$0x1F7C0] =	vst v63  }
0x2f: {  	_ =	swait.ge [sflag:s18], $0x2760  }
0x30: {  	[sflag:s18] =	ssyncset.done $0x0  }
0x31: {  	[sflag:s18] =	ssyncadd.s32 $0xFFFFD8A0  }
0x32: {  	[bflag:$0x0] =	sbarrier.arrive $0xFFFF  }
0x33: {  	[tilespmem:s21], [sflag:$0x1] =	stream.indirect.gather [hbm4b:s4+s20], $0x80, s3, s20, $0xb8;
	[tilespmem:$0x1F7C0] =	vst v63  }
0x34: {  	_ = 	snop  }
0x35: {  	[tilespmem:s22], [sflag:$0x2] =	stream.indirect.gather [hbm4b:s4+s20], $0x80, s20, s20, $0xb8;
	[tilespmem:$0x1F7C0] =	vst v63  }
0x36: {  	s26 =	simm.s32 $0x70  }
0x37: {  	[tilespmem:s24], [sflag:$0x3] =	stream.indirect.gather [hbm4b:s4+s20], $0x80, s26, s20, $0xb8;
	[tilespmem:$0x1F7C0] =	vst v63  }
0x38: {  	s23 =	simm.s32 $0xA8  }
0x39: {  	[tilespmem:s28], [sflag:$0x4] =	stream.indirect.gather [hbm4b:s4+s20], $0x80, s23, s20, $0xb8;
	[tilespmem:$0x1F7C0] =	vst v63  }
0x3a: {  	_ =	swait.ge [sflag:s29], $0x1C00  }
0x3b: {  	[sflag:s29] =	ssyncset.done $0x0  }
0x3c: {  	s26 =	simm.s32 $0x2760;
	[sflag:s29] =	ssyncadd.s32 $0xFFFFE400  }
0x3d: {  	[spmem:s2] =	stream.indirect.scatter.add.f32 [tilespmem:s21], [sflag:$0x5], $0x80, s26, s20, $0xb8;
	[tilespmem:$0x1F7C0] =	vst v63  }
0x3e: {  	_ =	swait.ge [sflag:s18], $0x1C00  }
0x3f: {  	[sflag:s18] =	ssyncset.done $0x0  }
0x40: {  	s23 =	simm.s32 $0xE0;
	[sflag:s18] =	ssyncadd.s32 $0xFFFFE400  }
0x41: {  	[tilespmem:s21], [sflag:$0x1] =	stream.indirect.gather [hbm4b:s4+s20], $0x80, s23, s20, $0xb8;
	[tilespmem:$0x1F7C0] =	vst v63  }
0x42: {  	_ =	swait.ge [sflag:s30], $0x1C00  }
0x43: {  	[sflag:s30] =	ssyncset.done $0x0  }
0x44: {  	s26 =	simm.s32 $0x2798;
	[sflag:s30] =	ssyncadd.s32 $0xFFFFE400  }
0x45: {  	[spmem:s2] =	stream.indirect.scatter.add.f32 [tilespmem:s22], [sflag:$0x5], $0x80, s26, s20, $0xb8;
	[tilespmem:$0x1F7C0] =	vst v63  }
0x46: {  	_ =	swait.ge [sflag:s18], $0x1C00  }
0x47: {  	[sflag:s18] =	ssyncset.done $0x0  }
0x48: {  	s23 =	simm.s32 $0x118;
	[sflag:s18] =	ssyncadd.s32 $0xFFFFE400  }
0x49: {  	[tilespmem:s22], [sflag:$0x2] =	stream.indirect.gather [hbm4b:s4+s20], $0x80, s23, s20, $0xb8;
	[tilespmem:$0x1F7C0] =	vst v63  }
0x4a: {  	_ =	swait.ge [sflag:s31], $0x1C00  }
0x4b: {  	[sflag:s31] =	ssyncset.done $0x0  }
0x4c: {  	s26 =	simm.s32 $0x27D0;
	[sflag:s31] =	ssyncadd.s32 $0xFFFFE400  }
0x4d: {  	[spmem:s2] =	stream.indirect.scatter.add.f32 [tilespmem:s24], [sflag:$0x5], $0x80, s26, s20, $0xb8;
	[tilespmem:$0x1F7C0] =	vst v63  }
0x4e: {  	_ =	swait.ge [sflag:s18], $0x1C00  }
0x4f: {  	[sflag:s18] =	ssyncset.done $0x0  }
0x50: {  	s23 =	simm.s32 $0x150;
	[sflag:s18] =	ssyncadd.s32 $0xFFFFE400  }
0x51: {  	[tilespmem:s24], [sflag:$0x3] =	stream.indirect.gather [hbm4b:s4+s20], $0x80, s23, s20, $0xb8;
	[tilespmem:$0x1F7C0] =	vst v63  }
0x52: {  	_ =	swait.ge [sflag:s1], $0x1C00  }
0x53: {  	[sflag:s1] =	ssyncset.done $0x0  }
0x54: {  	s26 =	simm.s32 $0x2808;
	[sflag:s1] =	ssyncadd.s32 $0xFFFFE400  }
0x55: {  	[spmem:s2] =	stream.indirect.scatter.add.f32 [tilespmem:s28], [sflag:$0x5], $0x80, s26, s20, $0xb8;
	[tilespmem:$0x1F7C0] =	vst v63  }
0x56: {  	_ =	swait.ge [sflag:s18], $0x1C00  }
0x57: {  	[sflag:s18] =	ssyncset.done $0x0  }
0x58: {  	s0 =	simm.s32 $0x380;
	s23 =	simm.s32 $0x188;
	[sflag:s18] =	ssyncadd.s32 $0xFFFFE400  }
.LBB2_2:
0x59: {  	[tilespmem:s28], [sflag:$0x4] =	stream.indirect.gather [hbm4b:s4+s20], $0x80, s23, s20, $0xb8;
	[tilespmem:$0x1F7C0] =	vst v63  }
0x5a: {  	s23 =	smov.u32 s0  }
0x5b: {  	p3 =	sne.s32 s0, $0x9680;
	s0 =	sadd.s32 $0x380, s0;
	_ =	swait.ge [sflag:s29], $0x1C00  }
0x5c: {  	s23 =	sshra.s32 s23, $0x2;
	[sflag:s29] =	ssyncset.done $0x0  }
0x5d: {  	s26 =	sadd.s32 $0x2760, s23;
	[sflag:s29] =	ssyncadd.s32 $0xFFFFE400  }
0x5e: {  	[spmem:s2] =	stream.indirect.scatter.add.f32 [tilespmem:s21], [sflag:$0x5], $0x80, s26, s20, $0xb8;
	[tilespmem:$0x1F7C0] =	vst v63  }
0x5f: {  	_ =	swait.ge [sflag:s18], $0x1C00  }
0x60: {  	[sflag:s18] =	ssyncset.done $0x0  }
0x61: {  	s26 =	sadd.s32 $0xE0, s23;
	[sflag:s18] =	ssyncadd.s32 $0xFFFFE400  }
0x62: {  	[tilespmem:s21], [sflag:$0x1] =	stream.indirect.gather [hbm4b:s4+s20], $0x80, s26, s20, $0xb8;
	[tilespmem:$0x1F7C0] =	vst v63  }
0x63: {  	_ =	swait.ge [sflag:s30], $0x1C00  }
0x64: {  	[sflag:s30] =	ssyncset.done $0x0  }
0x65: {  	s26 =	sadd.s32 $0x2798, s23;
	[sflag:s30] =	ssyncadd.s32 $0xFFFFE400  }
0x66: {  	[spmem:s2] =	stream.indirect.scatter.add.f32 [tilespmem:s22], [sflag:$0x5], $0x80, s26, s20, $0xb8;
	[tilespmem:$0x1F7C0] =	vst v63  }
0x67: {  	_ =	swait.ge [sflag:s18], $0x1C00  }
0x68: {  	[sflag:s18] =	ssyncset.done $0x0  }
0x69: {  	s26 =	sadd.s32 $0x118, s23;
	[sflag:s18] =	ssyncadd.s32 $0xFFFFE400  }
0x6a: {  	[tilespmem:s22], [sflag:$0x2] =	stream.indirect.gather [hbm4b:s4+s20], $0x80, s26, s20, $0xb8;
	[tilespmem:$0x1F7C0] =	vst v63  }
0x6b: {  	_ =	swait.ge [sflag:s31], $0x1C00  }
0x6c: {  	[sflag:s31] =	ssyncset.done $0x0  }
0x6d: {  	s26 =	sadd.s32 $0x27D0, s23;
	[sflag:s31] =	ssyncadd.s32 $0xFFFFE400  }
0x6e: {  	[spmem:s2] =	stream.indirect.scatter.add.f32 [tilespmem:s24], [sflag:$0x5], $0x80, s26, s20, $0xb8;
	[tilespmem:$0x1F7C0] =	vst v63  }
0x6f: {  	_ =	swait.ge [sflag:s18], $0x1C00  }
0x70: {  	[sflag:s18] =	ssyncset.done $0x0  }
0x71: {  	s26 =	sadd.s32 $0x150, s23;
	[sflag:s18] =	ssyncadd.s32 $0xFFFFE400  }
0x72: {  	[tilespmem:s24], [sflag:$0x3] =	stream.indirect.gather [hbm4b:s4+s20], $0x80, s26, s20, $0xb8;
	[tilespmem:$0x1F7C0] =	vst v63  }
0x73: {  	_ =	swait.ge [sflag:s1], $0x1C00  }
0x74: {  	[sflag:s1] =	ssyncset.done $0x0  }
.Ltmp0:
0x75: {  	s26 =	sadd.s32 $0x2808, s23;
	[sflag:s1] =	ssyncadd.s32 $0xFFFFE400;
	(pc) =	sbr.rel @p3 .LBB2_2-.Ltmp0, $4  }
0x76: {  	[spmem:s2] =	stream.indirect.scatter.add.f32 [tilespmem:s28], [sflag:$0x5], $0x80, s26, s20, $0xb8;
	[tilespmem:$0x1F7C0] =	vst v63  }
0x77: {  	_ =	swait.ge [sflag:s18], $0x1C00  }
0x78: {  	[sflag:s18] =	ssyncset.done $0x0  }
0x79: {  	s23 =	sadd.s32 $0x188, s23;
	[sflag:s18] =	ssyncadd.s32 $0xFFFFE400  }
0x7a: {  	[tilespmem:s28], [sflag:$0x4] =	stream.indirect.gather [hbm4b:s4+s20], $0x80, s23, s20, $0xb8;
	[tilespmem:$0x1F7C0] =	vst v63  }
0x7b: {  	_ =	swait.ge [sflag:s29], $0x1C00  }
0x7c: {  	[sflag:s29] =	ssyncset.done $0x0  }
0x7d: {  	s0 =	simm.s32 $0x4DE0;
	[sflag:s29] =	ssyncadd.s32 $0xFFFFE400  }
0x7e: {  	[spmem:s2] =	stream.indirect.scatter.add.f32 [tilespmem:s21], [sflag:$0x5], $0x80, s0, s20, $0xb8;
	[tilespmem:$0x1F7C0] =	vst v63  }
0x7f: {  	_ =	swait.ge [sflag:s18], $0x1C00  }
0x80: {  	[sflag:s18] =	ssyncset.done $0x0  }
0x81: {  	[sflag:s18] =	ssyncadd.s32 $0xFFFFE400  }
0x82: {  	_ =	swait.ge [sflag:s30], $0x1C00  }
0x83: {  	[sflag:s30] =	ssyncset.done $0x0  }
0x84: {  	s23 =	simm.s32 $0x4E18;
	[sflag:s30] =	ssyncadd.s32 $0xFFFFE400  }
0x85: {  	[spmem:s2] =	stream.indirect.scatter.add.f32 [tilespmem:s22], [sflag:$0x5], $0x80, s23, s20, $0xb8;
	[tilespmem:$0x1F7C0] =	vst v63  }
0x86: {  	_ =	swait.ge [sflag:s18], $0x1C00  }
0x87: {  	[sflag:s18] =	ssyncset.done $0x0  }
0x88: {  	[sflag:s18] =	ssyncadd.s32 $0xFFFFE400  }
0x89: {  	_ =	swait.ge [sflag:s31], $0x1C00  }
0x8a: {  	[sflag:s31] =	ssyncset.done $0x0  }
0x8b: {  	s26 =	simm.s32 $0x4E50;
	[sflag:s31] =	ssyncadd.s32 $0xFFFFE400  }
0x8c: {  	[spmem:s2] =	stream.indirect.scatter.add.f32 [tilespmem:s24], [sflag:$0x5], $0x80, s26, s20, $0xb8;
	[tilespmem:$0x1F7C0] =	vst v63  }
0x8d: {  	_ =	swait.ge [sflag:s18], $0x1C00  }
0x8e: {  	[sflag:s18] =	ssyncset.done $0x0  }
0x8f: {  	[sflag:s18] =	ssyncadd.s32 $0xFFFFE400  }
0x90: {  	_ =	swait.ge [sflag:s1], $0x1C00  }
0x91: {  	[sflag:s1] =	ssyncset.done $0x0  }
0x92: {  	s23 =	simm.s32 $0x4E88;
	[sflag:s1] =	ssyncadd.s32 $0xFFFFE400  }
0x93: {  	[spmem:s2] =	stream.indirect.scatter.add.f32 [tilespmem:s28], [sflag:$0x5], $0x80, s23, s20, $0xb8;
	[tilespmem:$0x1F7C0] =	vst v63  }
0x94: {  	_ =	swait.ge [sflag:s18], $0x1C00  }
0x95: {  	s19 =	sadd.s32 $0x1, s19;
	s26 =	stileid.u32;
	[sflag:s18] =	ssyncset.done $0x0  }
0x96: {  	p3 =	sne.s32 s19, s11;
	s0 =	sshll.u32 s26, $0x6;
	[sflag:s18] =	ssyncadd.s32 $0xFFFFE400  }
.Ltmp1:
0x97: {  	s0 =	sor.u32 $0x1C05, s0;
	[bflag:$0x0] =	sbarrier.arrive $0xFFFF;
	(pc) =	sbr.rel @p3 .LBB2_1-.Ltmp1, $4  }
0x98: {  	[hbm:s10], [sflag:s0] =	dma.local [spmem:s25], $0x2710  }
0x99: {  	_ =	swait.ge [sflag:s18], $0x2710  }
0x9a: {  	[sflag:s18] =	ssyncset.done $0x0  }
0x9b: {  	[sflag:s18] =	ssyncadd.s32 $0xFFFFD8F0  }
0x9c: {  	_ =	sfence.sel $0x180000  }
0x9d: {  	[bflag:$0x0] =	sbarrier.arrive $0xFFFF  }
0x9e: {  	_ =	strace $0x9000004D  }
0x9f: {  	s0 =	stileid.u32;
	[bflag:$0x2] =	sbarrier.arrive $0xFFFF  }
0xa0: {  	p0 =	sne.s32 s0, $0x0;
	s0 =	rddreg [dreg:$0x2]  }
0xa1: {  	s0 =	sadd.s32 @!p0 $0x100000, s0  }
0xa2: {  	[sflag:s0] =	ssyncadd.tile.s32 @!p0 $0x1;
	_ =	shalt  }
.Lfunc_end2:
_tile_overlayer_lowered:
.L_overlay_start_2:
0xa3: {  	(tag) =	ssettag $0x2  }
0xa4: {  	s0 =	rddreg [dreg:$0x0];
	s2 =	stileid.u32  }
0xa5: {  	s1 =	rddreg [dreg:$0x1];
	p0 =	sne.s32 s2, $0x0  }
0xa6: {  	s3 =	rddreg [dreg:$0x2];
	[bflag:$0x3] =	sbarrier.arrive $0xFFFF;
	s2 =	simm.s32 @!p0 $0x1C05  }
0xa7: {  	[timem:s3], [sflag:s2] =	dma.local @!p0 [hbm:s0], s1  }
0xa8: {  	s0 =	simm.s32 @!p0 $0x5  }
0xa9: {  	_ =	swait.ge @!p0 [sflag:s0], s1  }
0xaa: {  	s1 =	ssub.s32 @!p0 $0x0, s1;
	[sflag:s0] =	ssyncset.done @!p0 $0x0  }
0xab: {  	[sflag:s0] =	ssyncadd.s32 @!p0 s1  }
0xac: {  	[bflag:$0x3] =	sbarrier.arrive $0xFFFF  }
0xad: {  	_ =	shalt  }

// kernel: kernel.22.cloned.1.call-start
scs
__scs_entry_jumppad:
0x0: {  	(pc) =	sbr.rel $0x88, $3  }
0x1: {  	(tag) =	ssettag $0x0;
	lr =	simm.s32 $0x1  }
0x2: {  	[smem:$0x3F8C] =	sst lr;
	_ =	strace $0xD0000000  }
0x3: {  	_ = 	snop  }
0x4: {  	_ = 	snop  }
0x5: {  	_ = 	snop  }
0x6: {  	_ = 	snop  }
0x7: {  	_ = 	snop  }
__scs_overlays_trampoline_lowered:
0x8: {  	[smem:$0x3F9B] =	sst s0  }
0x9: {  	[smem:$0x3F9C] =	sst s1  }
0xa: {  	[smem:$0x3F9D] =	sst s2  }
0xb: {  	[smem:$0x3F9E] =	sst s3  }
0xc: {  	[smem:$0x3F9F] =	sst s4  }
0xd: {  	[smem:$0x3FA0] =	sst s5  }
0xe: {  	[smem:$0x3FA1] =	sst s6  }
0xf: {  	[smem:$0x3FA2] =	sst s7  }
0x10: {  	[smem:$0x3FA3] =	sst s8  }
0x11: {  	[smem:$0x3FA4] =	sst s9;
	s0 =	simm.s32 @!p0 $0x0  }
0x12: {  	s1 =	sld [smem:$0x3F8A];
	s0 =	simm.s32 @p0 $0x1  }
0x13: {  	[smem:$0x3FA5] =	sst s0;
	s0 =	simm.s32 @!p1 $0x0  }
0x14: {  	s2 =	sld [smem:$0x3F89];
	s0 =	simm.s32 @p1 $0x1  }
0x15: {  	[smem:$0x3FA6] =	sst s0;
	s0 =	simm.s32 @!p2 $0x0  }
0x16: {  	s3 =	sld [smem:$0x3FDB];
	s0 =	simm.s32 @p2 $0x1  }
0x17: {  	s4 =	simm.s32 $0x1BF5;
	[smem:$0x3FA8] =	sst s0  }
0x18: {  	s0 =	sld [smem:$0x3F8B];
	_ =	swait.ge [sflag:s4], $0x0  }
0x19: {  	s7 =	sld [smem:$0x3F8C]  }
0x1a: {  	s8 =	sadd.s32 $0xFFFFE003, lr  }
0x1b: {  	s9 =	sadd.s32 $0xFFFFFEF7, lr;
	s5 =	simm.s32 $0xFFFFFFFF;
	p2 =	slt.u32 s8, $0xFFFFF086  }
0x1c: {  	p1 =	slt.u32 s9, $0xF7A;
	s5 =	simm.s32 @!p2 $0x0  }
0x1d: {  	s5 =	simm.s32 @p1 $0x1;
	p0 =	seq.s32 s7, s2  }
0x1e: {  	s7 =	smul.u32 @!p0 $0xF7A, s2;
	p2 =	seq.s32 @!p0 s5, $0x0  }
0x1f: {  	s9 =	smul.u32 $0xF7A, s1;
	s8 =	simm.s32 @!p0 $0x1BF5;
	p2 =	por !p2, p0  }
0x20: {  	[sflag:s8] =	ssyncset.s32 @!p0 $0xFFFFF086;
	s6 =	sadd.s32 @!p0 s3, s7;
	s7 =	simm.s32 @!p0 $0x108  }
0x21: {  	s3 =	sadd.s32 s3, s9;
	s6 =	sadd.s32 @!p0 $0x88, s6;
	s7 =	simm.s32 @p2 $0x1082  }
0x22: {  	[simem:s7], [sflag:s8] =	dma.local @!p0 [hbm:s6], $0xF7A  }
0x23: {  	s9 =	sor.u32 $0xD0000000, s2;
	s6 =	simm.s32 $0x108;
	_ =	swait.ge @!p0 [sflag:s8], $0x0  }
0x24: {  	s3 =	sadd.s32 $0x88, s3;
	s6 =	simm.s32 @!p1 $0x1082;
	[sflag:s4] =	ssyncset.s32 $0xFFFFF086  }
0x25: {  	[simem:s6], [sflag:s4] =	dma.local [hbm:s3], $0xF7A  }
0x26: {  	[smem:$0x3F8C] =	sst s1;
	(tag) =	ssettag s2;
	_ =	strace s9  }
0x27: {  	s1 =	sld [smem:$0x3F9C]  }
0x28: {  	s2 =	sld [smem:$0x3F9D]  }
0x29: {  	s4 =	sld [smem:$0x3F9F]  }
0x2a: {  	p0 =	seq.s32 s5, $0x0;
	s5 =	sld [smem:$0x3FA0]  }
0x2b: {  	s6 =	sld [smem:$0x3FA1]  }
0x2c: {  	s7 =	sld [smem:$0x3FA2]  }
0x2d: {  	s3 =	simm.s32 $0x108;
	s8 =	sld [smem:$0x3FA3]  }
0x2e: {  	s3 =	simm.s32 @!p0 $0x1082;
	s9 =	sld [smem:$0x3FA4]  }
0x2f: {  	lr =	sadd.s32 s0, s3;
	s0 =	sld [smem:$0x3F9B]  }
0x30: {  	s3 =	sld [smem:$0x3F9E]  }
0x31: {  	[smem:$0x3FA7] =	sst s10  }
0x32: {  	s10 =	sld [smem:$0x3FA5];
	_ =	sdelay $0x3  }
0x33: {  	p0 =	seq.s32 s10, $0x1;
	s10 =	sld [smem:$0x3FA7];
	_ =	sdelay $0x3  }
0x34: {  	[smem:$0x3FA7] =	sst s10  }
0x35: {  	s10 =	sld [smem:$0x3FA6];
	_ =	sdelay $0x3  }
0x36: {  	p1 =	seq.s32 s10, $0x1;
	s10 =	sld [smem:$0x3FA7];
	_ =	sdelay $0x3  }
0x37: {  	[smem:$0x3FA7] =	sst s10  }
0x38: {  	s10 =	sld [smem:$0x3FA8]  }
0x39: {  	_ = 	snop;
	(pc) =	sbr.ind lr, $3  }
0x3a: {  	_ = 	snop  }
0x3b: {  	_ = 	snop  }
0x3c: {  	p2 =	seq.s32 s10, $0x1;
	s10 =	sld [smem:$0x3FA7]  }
0x3d: {  	_ =	shalt  }
0x3e: {  	_ =	shalt  }
0x3f: {  	_ =	shalt  }
0x40: {  	_ =	shalt  }
0x41: {  	_ =	shalt  }
0x42: {  	_ =	shalt  }
0x43: {  	_ =	shalt  }
0x44: {  	_ =	shalt  }
0x45: {  	_ =	shalt  }
0x46: {  	_ =	shalt  }
0x47: {  	_ =	shalt  }
0x48: {  	_ =	shalt  }
0x49: {  	_ =	shalt  }
0x4a: {  	_ =	shalt  }
0x4b: {  	_ =	shalt  }
0x4c: {  	_ =	shalt  }
0x4d: {  	_ =	shalt  }
0x4e: {  	_ =	shalt  }
0x4f: {  	_ =	shalt  }
0x50: {  	_ =	shalt  }
0x51: {  	_ =	shalt  }
0x52: {  	_ =	shalt  }
0x53: {  	_ =	shalt  }
0x54: {  	_ =	shalt  }
0x55: {  	_ =	shalt  }
0x56: {  	_ =	shalt  }
0x57: {  	_ =	shalt  }
0x58: {  	_ =	shalt  }
0x59: {  	_ =	shalt  }
0x5a: {  	_ =	shalt  }
0x5b: {  	_ =	shalt  }
0x5c: {  	_ =	shalt  }
0x5d: {  	_ =	shalt  }
0x5e: {  	_ =	shalt  }
0x5f: {  	_ =	shalt  }
0x60: {  	_ =	shalt  }
0x61: {  	_ =	shalt  }
0x62: {  	_ =	shalt  }
0x63: {  	_ =	shalt  }
0x64: {  	_ =	shalt  }
0x65: {  	_ =	shalt  }
0x66: {  	_ =	shalt  }
0x67: {  	_ =	shalt  }
0x68: {  	_ =	shalt  }
0x69: {  	_ =	shalt  }
0x6a: {  	_ =	shalt  }
0x6b: {  	_ =	shalt  }
0x6c: {  	_ =	shalt  }
0x6d: {  	_ =	shalt  }
0x6e: {  	_ =	shalt  }
0x6f: {  	_ =	shalt  }
0x70: {  	_ =	shalt  }
0x71: {  	_ =	shalt  }
0x72: {  	_ =	shalt  }
0x73: {  	_ =	shalt  }
0x74: {  	_ =	shalt  }
0x75: {  	_ =	shalt  }
0x76: {  	_ =	shalt  }
0x77: {  	_ =	shalt  }
0x78: {  	_ =	shalt  }
0x79: {  	_ =	shalt  }
0x7a: {  	_ =	shalt  }
0x7b: {  	_ =	shalt  }
0x7c: {  	_ =	shalt  }
0x7d: {  	_ =	shalt  }
0x7e: {  	_ =	shalt  }
0x7f: {  	_ =	shalt  }
0x80: {  	_ =	shalt  }
0x81: {  	_ =	shalt  }
0x82: {  	_ =	shalt  }
0x83: {  	_ =	shalt  }
0x84: {  	_ =	shalt  }
0x85: {  	_ =	shalt  }
0x86: {  	_ =	shalt  }
0x87: {  	_ =	shalt  }
.Lfunc_end0:
.L_simem_size_0:
called_computation.3_lowered:
.L_overlay_start_0:
0x88: {  	s2 =	sld [smem:$0x3FD9]  }
0x89: {  	s3 =	sld [smem:$0x3FFE];
	_ =	sdelay $0x1  }
0x8a: {  	s1 =	srdreg.scid  }
0x8b: {  	s0 =	sand.u32 $0x1, s1  }
0x8c: {  	s17 =	sshll.u32 s0, $0xA;
	s2 =	sadd.s32 s3, s2  }
0x8d: {  	s2 =	sadd.s32 s2, s17  }
0x8e: {  	[smem:$0x3FB3] =	sst s2  }
0x8f: {  	_ = 	snop  }
0x90: {  	s2 =	sld [smem:$0x3FD0];
	(tm) =	ssettm $0x1  }
0x91: {  	s18 =	sld [smem:$0x3FFB];
	_ =	sdelay $0x3  }
0x92: {  	_ =	strace s18  }
0x93: {  	s3 =	sld [smem:$0x3FFC];
	_ =	sdelay $0x3  }
0x94: {  	_ =	strace s3  }
0x95: {  	s3 =	sld [smem:$0x3FFD];
	_ =	sdelay $0x3  }
0x96: {  	_ =	strace s3  }
0x97: {  	_ =	strace $0x8FFFFFFF  }
0x98: {  	s19 =	sld [smem:$0x3FDB];
	_ =	sdelay $0x1  }
0x99: {  	s4 =	simm.s32 $_scs_section_size  }
0x9a: {  	s5 =	simm.s32 $_size__tile_overlayer_lowered;
	s6 =	simm.s32 $_tile_overlayer_lowered  }
0x9b: {  	s22 =	simm.s32 $0x1BFF;
	s21 =	sshll.u32 s6, $0x1;
	s3 =	sadd.s32 s4, s19  }
0x9c: {  	s7 =	simm.s32 $0x0;
	s20 =	sshll.u32 s5, $0x1;
	s5 =	sadd.s32 s21, s3  }
0x9d: {  	[timem:s7], [sflag:s22] =	dma.local [hbm:s5], s20  }
0x9e: {  	_ =	swait.ge [sflag:s22], s20  }
0x9f: {  	s4 =	ssub.s32 $0x0, s20;
	[sflag:s22] =	ssyncset.done $0x0  }
0xa0: {  	[sflag:s22] =	ssyncadd.s32 s4;
	_ =	sdelay $0x1  }
0xa1: {  	s23 =	simm.s32 $0x1B8B  }
0xa2: {  	_ =	swait.ge [sflag:s23], $0x1  }
0xa3: {  	[sflag:s23] =	ssyncset.done $0x0  }
0xa4: {  	s25 =	simm.s32 $0x1B8E;
	s24 =	sld [smem:$0x3FFE];
	[sflag:s23] =	ssyncadd.s32 $0xFFFFFFFF  }
0xa5: {  	s26 =	simm.s32 $execute0_lowered;
	[smem:$0x3FD2] =	sst s25  }
0xa6: {  	s5 =	sshll.u32 s26, $0x1;
	_ =	strace $0x8000004F;
	[dreg:$0x1] =	wrdreg $0xFFFFFFFF  }
0xa7: {  	s28 =	simm.s32 $_size_execute0_lowered;
	s3 =	sadd.s32 s3, s5;
	[dreg:$0x0] =	wrdreg $0x0  }
0xa8: {  	s5 =	sshll.u32 s28, $0x1;
	[dreg:$0x2] =	wrdreg s3  }
0xa9: {  	[dreg:$0x3] =	wrdreg s5  }
0xaa: {  	[dreg:$0x4] =	wrdreg $0xC0  }
0xab: {  	_ =	task [dreg:s7], $0x5FFFF  }
0xac: {  	[dreg:$0x1] =	wrdreg $0xFFFFFFFF  }
0xad: {  	[dreg:$0x0] =	wrdreg $0x60  }
0xae: {  	[dreg:$0x2] =	wrdreg s24  }
0xaf: {  	[dreg:$0x3] =	wrdreg s2  }
0xb0: {  	[dreg:$0x4] =	wrdreg $0x9  }
0xb1: {  	_ =	task.clear_ibuf [dreg:s7], $0x5FFFF;
	_ =	strace $0x9000004F  }
0xb2: {  	s29 =	simm.s32 $0x9;
	_ =	strace $0x80000051  }
0xb3: {  	_ =	swait.ge [sflag:s29], $0x1  }
0xb4: {  	[sflag:s29] =	ssyncadd.s32 $0xFFFFFFFF  }
0xb5: {  	_ =	strace $0x90000051  }
0xb6: {  	_ =	sfence  }
0xb7: {  	s30 =	sld [smem:$0x0];
	_ =	sdelay $0x2  }
0xb8: {  	s31 =	sshll.u32 s1, $0xD;
	s1 =	sshrl.u32 s1, $0x2  }
0xb9: {  	s3 =	sand.u32 $0x4000, s31;
	s1 =	sadd.s32 s1, s30  }
0xba: {  	s0 =	sor.u32 s3, s0;
	s1 =	sshll.u32 s1, $0x11  }
0xbb: {  	s0 =	sor.u32 s1, s0  }
0xbc: {  	s0 =	sadd.s32 $0x8F2B, s0  }
0xbd: {  	[sflag:s0] =	ssyncadd.remote.s32 $0x1  }
0xbe: {  	_ =	sfence.sel $0xFFFF  }
0xbf: {  	[dreg:$0x0] =	wrdreg $0xFFFFFFFF;
	(pc) =	sbr.abs _section_cstart, $3  }
0xc0: {  	[dreg:$0x1] =	wrdreg $0xFFFFFFFF  }
0xc1: {  	_ =	task.clear_ibuf [dreg:s7], $0x2FFFF;
	_ =	strace $0x9FFFFFFF  }
0xc2: {  	(tm) =	ssettm $0x7FFFFFFF  }
0xc3: {  	_ =	shalt  }
tec
execute0_lowered:
.L_overlay_start_1:
0x0: {  	(tag) =	ssettag $0x1  }
0x1: {  	s4 =	rddreg [dreg:$0x0]  }
0x2: {  	s5 =	rddreg [dreg:$0x1]  }
0x3: {  	s0 =	rddreg [dreg:$0x2]  }
0x4: {  	s3 =	srdreg.scid;
	s2 =	simm.s32 $0x0;
	s1 =	stileid.u32  }
0x5: {  	s14 =	simm.s32 $0x1000;
	s15 =	simm.s32 $0x5000;
	s16 =	simm.s32 $0x1  }
0x6: {  	s17 =	simm.s32 $0x2;
	s18 =	simm.s32 $0xF80;
	s19 =	simm.s32 $0x0  }
0x7: {  	s8 =	sand.u32 $0x1, s3;
	[smem:$0x7FF] =	sst s2;
	s6 =	sshll.u32 s1, $0xB  }
0x8: {  	s11 =	sadd.s32 $0x30200, s4;
	s13 =	sadd.s32 $0x130200, s4;
	s31 =	sshll.u32 s1, $0xF  }
0x9: {  	s3 =	sshll.u32 s8, $0xF;
	_ =	strace $0x80000050;
	s9 =	ssub.s32 $0x2, s8  }
0xa: {  	s8 =	sshll.u32 s8, $0x13;
	s6 =	sor.u32 s6, s3;
	s3 =	sadd.s32 $0x9000, s4  }
0xb: {  	s12 =	sshrl.u32 s9, $0x1;
	s30 =	sadd.s32 s8, s13;
	s7 =	sshrl.u32 s6, $0x3  }
0xc: {  	s9 =	ssub.s32 s9, s12;
	s6 =	sshll.u32 s6, $0x4;
	s12 =	simm.s32 $0x800  }
0xd: {  	s10 =	sadd.s32 s7, s4;
	s5 =	sadd.s32 s5, s7;
	s29 =	sor.u32 $0x7800, s6  }
0xe: {  	s6 =	smax.u32 s9, $0x1;
	s9 =	sadd.s32 s31, s30;
	s4 =	sadd.s32 $0x7000, s10  }
0xf: {  	s7 =	sadd.s32 s11, s29;
	s11 =	sadd.s32 s8, s11;
	s8 =	sadd.s32 s13, s29  }
0x10: {  	s13 =	simm.s32 $0x80;
	s10 =	sadd.s32 s31, s11;
	s11 =	simm.s32 $0x3  }
.LBB2_1:
0x11: {  	[tilespmem:s2], [sflag:$0x3] =	stream.linear.gather [hbm4b:s4+s2], $0x800, $0x38;
	[tilespmem:$0x9000] =	vst v63  }
0x12: {  	_ =	swait.ge [sflag:s11], $0x800  }
0x13: {  	[sflag:s11] =	ssyncset.done $0x0  }
0x14: {  	[sflag:s11] =	ssyncadd.s32 $0xFFFFF800  }
0x15: {  	[tilespmem:s12], [sflag:$0x3] =	stream.linear.gather [hbm4b:s5+s2], $0x800, $0x38;
	[tilespmem:$0x9000] =	vst v63  }
0x16: {  	_ =	swait.ge [sflag:s11], $0x800  }
0x17: {  	[sflag:s11] =	ssyncset.done $0x0  }
0x18: {  	[sflag:s11] =	ssyncadd.s32 $0xFFFFF800  }
0x19: {  	[tilespmem:s14], [sflag:$0x1] =	stream.indirect.gather [hbm4b:s3+s13], $0x80, s2, s13, $0xb8;
	[tilespmem:$0x9000] =	vst v63  }
0x1a: {  	s20 =	simm.s32 $0x800  }
0x1b: {  	[tilespmem:s15], [sflag:$0x2] =	stream.indirect.gather [hbm4b:s3+s13], $0x80, s20, s13, $0xb8;
	[tilespmem:$0x9000] =	vst v63  }
0x1c: {  	_ =	swait.ge [sflag:s16], $0x4000  }
0x1d: {  	[sflag:s16] =	ssyncset.done $0x0  }
0x1e: {  	[sflag:s16] =	ssyncadd.s32 $0xFFFFC000  }
0x1f: {  	[hbm4b:s10+s2] =	stream.linear.scatter [tilespmem:s14], [sflag:$0x3], $0x4000, $0x38;
	[tilespmem:$0x9000] =	vst v63  }
0x20: {  	_ =	swait.ge [sflag:s11], $0x4000  }
0x21: {  	[sflag:s11] =	ssyncset.done $0x0  }
0x22: {  	s31 =	simm.s32 $0x80;
	[sflag:s11] =	ssyncadd.s32 $0xFFFFC000  }
0x23: {  	[tilespmem:s14], [sflag:$0x1] =	stream.indirect.gather [hbm4b:s3+s13], $0x80, s31, s13, $0xb8;
	[tilespmem:$0x9000] =	vst v63  }
0x24: {  	_ =	swait.ge [sflag:s17], $0x4000  }
0x25: {  	[sflag:s17] =	ssyncset.done $0x0  }
0x26: {  	[sflag:s17] =	ssyncadd.s32 $0xFFFFC000  }
0x27: {  	[hbm4b:s9+s2] =	stream.linear.scatter [tilespmem:s15], [sflag:$0x3], $0x4000, $0x38;
	[tilespmem:$0x9000] =	vst v63  }
0x28: {  	s23 =	simm.s32 $0x400;
	s21 =	sadd.s32 $0x800, s10;
	_ =	swait.ge [sflag:s11], $0x4000  }
0x29: {  	s22 =	simm.s32 $0x80;
	s20 =	sadd.s32 $0x800, s9;
	[sflag:s11] =	ssyncset.done $0x0  }
.LBB2_2:
0x2a: {  	s24 =	sadd.s32 $0x800, s22  }
0x2b: {  	[sflag:s11] =	ssyncadd.s32 $0xFFFFC000;
	s25 =	smov.u32 s23;
	s26 =	sadd.s32 $0x200, s23  }
0x2c: {  	[tilespmem:s15], [sflag:$0x2] =	stream.indirect.gather [hbm4b:s3+s13], $0x80, s24, s13, $0xb8;
	[tilespmem:$0x9000] =	vst v63  }
0x2d: {  	p0 =	sne.s32 s23, $0x1C00;
	_ =	swait.ge [sflag:s16], $0x4000  }
0x2e: {  	[sflag:s16] =	ssyncset.done $0x0  }
0x2f: {  	[sflag:s16] =	ssyncadd.s32 $0xFFFFC000  }
0x30: {  	[hbm4b:s21+s2] =	stream.linear.scatter [tilespmem:s14], [sflag:$0x3], $0x4000, $0x38;
	[tilespmem:$0x9000] =	vst v63  }
0x31: {  	_ =	swait.ge [sflag:s11], $0x4000  }
0x32: {  	[sflag:s11] =	ssyncset.done $0x0  }
0x33: {  	s22 =	sadd.s32 $0x80, s22;
	[sflag:s11] =	ssyncadd.s32 $0xFFFFC000  }
0x34: {  	[tilespmem:s14], [sflag:$0x1] =	stream.indirect.gather [hbm4b:s3+s13], $0x80, s22, s13, $0xb8;
	[tilespmem:$0x9000] =	vst v63  }
0x35: {  	_ =	swait.ge [sflag:s17], $0x4000  }
.Ltmp0:
0x36: {  	[sflag:s17] =	ssyncset.done $0x0;
	(pc) =	sbr.rel @p0 .LBB2_2-.Ltmp0, $4  }
0x37: {  	[sflag:s17] =	ssyncadd.s32 $0xFFFFC000  }
0x38: {  	[hbm4b:s20+s2] =	stream.linear.scatter [tilespmem:s15], [sflag:$0x3], $0x4000, $0x38;
	[tilespmem:$0x9000] =	vst v63  }
0x39: {  	s23 =	smov.u32 s26;
	s21 =	sadd.s32 $0x800, s21;
	_ =	swait.ge [sflag:s11], $0x4000  }
0x3a: {  	s22 =	sshra.s32 s25, $0x2;
	s20 =	sadd.s32 $0x800, s20;
	[sflag:s11] =	ssyncset.done $0x0  }
0x3b: {  	s23 =	sadd.s32 $0x800, s22;
	[sflag:s11] =	ssyncadd.s32 $0xFFFFC000  }
0x3c: {  	[tilespmem:s15], [sflag:$0x2] =	stream.indirect.gather [hbm4b:s3+s13], $0x80, s23, s13, $0xb8;
	[tilespmem:$0x9000] =	vst v63  }
0x3d: {  	_ =	swait.ge [sflag:s16], $0x4000  }
0x3e: {  	[sflag:s16] =	ssyncset.done $0x0  }
0x3f: {  	[sflag:s16] =	ssyncadd.s32 $0xFFFFC000  }
0x40: {  	[hbm4b:s21+s2] =	stream.linear.scatter [tilespmem:s14], [sflag:$0x3], $0x4000, $0x38;
	[tilespmem:$0x9000] =	vst v63  }
0x41: {  	_ =	swait.ge [sflag:s11], $0x4000  }
0x42: {  	[sflag:s11] =	ssyncset.done $0x0  }
0x43: {  	s31 =	sadd.s32 $0x80, s22;
	[sflag:s11] =	ssyncadd.s32 $0xFFFFC000  }
0x44: {  	[tilespmem:s14], [sflag:$0x1] =	stream.indirect.gather [hbm4b:s3+s13], $0x80, s31, s13, $0xb8;
	[tilespmem:$0x9000] =	vst v63  }
0x45: {  	_ =	swait.ge [sflag:s17], $0x4000  }
0x46: {  	[sflag:s17] =	ssyncset.done $0x0  }
0x47: {  	[sflag:s17] =	ssyncadd.s32 $0xFFFFC000  }
0x48: {  	[hbm4b:s20+s2] =	stream.linear.scatter [tilespmem:s15], [sflag:$0x3], $0x4000, $0x38;
	[tilespmem:$0x9000] =	vst v63  }
0x49: {  	_ =	swait.ge [sflag:s11], $0x4000  }
0x4a: {  	[sflag:s11] =	ssyncset.done $0x0  }
0x4b: {  	[sflag:s11] =	ssyncadd.s32 $0xFFFFC000  }
0x4c: {  	[tilespmem:s15], [sflag:$0x2] =	stream.indirect.gather [hbm4b:s3+s13], $0x80, s18, s13, $0xb8;
	[tilespmem:$0x9000] =	vst v63  }
0x4d: {  	_ =	swait.ge [sflag:s16], $0x4000  }
0x4e: {  	[sflag:s16] =	ssyncset.done $0x0  }
0x4f: {  	[sflag:s16] =	ssyncadd.s32 $0xFFFFC000  }
0x50: {  	[hbm4b:s7+s2] =	stream.linear.scatter [tilespmem:s14], [sflag:$0x3], $0x4000, $0x38;
	[tilespmem:$0x9000] =	vst v63  }
0x51: {  	_ =	swait.ge [sflag:s11], $0x4000  }
0x52: {  	[sflag:s11] =	ssyncset.done $0x0  }
0x53: {  	[sflag:s11] =	ssyncadd.s32 $0xFFFFC000  }
0x54: {  	s19 =	sadd.s32 $0x1, s19;
	_ =	swait.ge [sflag:s17], $0x4000  }
0x55: {  	p0 =	sne.s32 s19, s6;
	[sflag:s17] =	ssyncset.done $0x0  }
.Ltmp1:
0x56: {  	[sflag:s17] =	ssyncadd.s32 $0xFFFFC000;
	(pc) =	sbr.rel @p0 .LBB2_1-.Ltmp1, $4  }
0x57: {  	[hbm4b:s8+s2] =	stream.linear.scatter [tilespmem:s15], [sflag:$0x3], $0x4000, $0x38;
	[tilespmem:$0x9000] =	vst v63  }
0x58: {  	_ =	swait.ge [sflag:s11], $0x4000  }
0x59: {  	[sflag:s11] =	ssyncset.done $0x0  }
0x5a: {  	[sflag:s11] =	ssyncadd.s32 $0xFFFFC000  }
0x5b: {  	_ =	sfence.sel $0x180000  }
0x5c: {  	[bflag:$0x0] =	sbarrier.arrive $0xFFFF  }
0x5d: {  	p0 =	sne.s32 s1, $0x0;
	_ =	strace $0x90000050  }
0x5e: {  	s0 =	sadd.s32 @!p0 $0x100000, s0;
	[bflag:$0x2] =	sbarrier.arrive $0xFFFF  }
0x5f: {  	[sflag:s0] =	ssyncadd.tile.s32 @!p0 $0x1;
	_ =	shalt  }
.Lfunc_end2:
_tile_overlayer_lowered:
.L_overlay_start_2:
0x60: {  	(tag) =	ssettag $0x2  }
0x61: {  	s0 =	rddreg [dreg:$0x0];
	s2 =	stileid.u32  }
0x62: {  	s1 =	rddreg [dreg:$0x1];
	p0 =	sne.s32 s2, $0x0  }
0x63: {  	s3 =	rddreg [dreg:$0x2];
	[bflag:$0x3] =	sbarrier.arrive $0xFFFF;
	s2 =	simm.s32 @!p0 $0x1C03  }
0x64: {  	[timem:s3], [sflag:s2] =	dma.local @!p0 [hbm:s0], s1  }
0x65: {  	s0 =	simm.s32 @!p0 $0x3  }
0x66: {  	_ =	swait.ge @!p0 [sflag:s0], s1  }
0x67: {  	s1 =	ssub.s32 @!p0 $0x0, s1;
	[sflag:s0] =	ssyncset.done @!p0 $0x0  }
0x68: {  	[sflag:s0] =	ssyncadd.s32 @!p0 s1  }
0x69: {  	[bflag:$0x3] =	sbarrier.arrive $0xFFFF  }
0x6a: {  	_ =	shalt  }

</sc_bundles>
